<compile_context>
chip_gen: v7x
topology: tpu7x:2x2x1
jax: 0.10.2.dev20260603
libtpu: 0.0.44.dev20260713+nightly
codegen_flags: <defaults>
</compile_context>

<pallas_src>
import functools

import jax
import jax.numpy as jnp
from jax import lax
from jax.experimental import pallas as pl
from jax.experimental.pallas import tpu as pltpu
from jax.experimental.pallas import tpu_sc as plsc

_K = 8
_WPB = 4
_CH = 32


def _sc_combine(x, t, n, ac, om):
    B, C, H, W = x.shape
    K0 = B - _K
    rows_per_batch = C * H
    rows_per_worker = rows_per_batch // _WPB
    n_chunks = rows_per_worker // _CH
    n_pairs = n_chunks // 2
    info = plsc.get_sparse_core_info()
    nc = info.num_cores
    mesh = plsc.VectorSubcoreMesh(core_axis_name="c", subcore_axis_name="s")

    @functools.partial(
        pl.kernel,
        mesh=mesh,
        out_type=jax.ShapeDtypeStruct((_K, C, H, W), jnp.float32),
        scratch_types=[
            pltpu.VMEM((16,), jnp.int32),
            pltpu.VMEM((16,), jnp.float32),
            pltpu.VMEM((16,), jnp.float32),
            pltpu.VMEM((_CH, W), jnp.float32),
            pltpu.VMEM((_CH, W), jnp.float32),
            pltpu.VMEM((_CH, W), jnp.float32),
            pltpu.VMEM((_CH, W), jnp.float32),
            pltpu.VMEM((_CH, W), jnp.float32),
            pltpu.VMEM((_CH, W), jnp.float32),
            pltpu.SemaphoreType.DMA,
            pltpu.SemaphoreType.DMA,
            pltpu.SemaphoreType.DMA,
            pltpu.SemaphoreType.DMA,
            pltpu.SemaphoreType.DMA,
            pltpu.SemaphoreType.DMA,
            pltpu.SemaphoreType.DMA,
        ],
    )
    def sc_kernel(x_hbm, t_hbm, n_hbm, ac_hbm, om_hbm, o_hbm,
                  idx_v, c1_v, c2_v,
                  xb0, xb1, nb0, nb1, ob0, ob1,
                  sg, sx0, sx1, sn0, sn1, so0, so1):
        wid = lax.axis_index("s") * nc + lax.axis_index("c")
        b = K0 + wid // _WPB
        q = wid % _WPB

        bvec = jnp.zeros((16,), jnp.int32) + b.astype(jnp.int32)
        pltpu.async_copy(t_hbm.at[bvec], idx_v, sg).wait()
        pltpu.async_copy(ac_hbm.at[idx_v], c1_v, sg).wait()
        pltpu.async_copy(om_hbm.at[idx_v], c2_v, sg).wait()
        c1 = c1_v[...]
        c2 = c2_v[...]

        def addr(k):
            g = q * rows_per_worker + k * _CH
            c = g // H
            return c, g - c * H

        def x_src(k):
            c, h = addr(k)
            return x_hbm.at[b, c, pl.ds(h, _CH)]

        def n_src(k):
            c, h = addr(k)
            return n_hbm.at[b, c, pl.ds(h, _CH)]

        def o_dst(k):
            c, h = addr(k)
            return o_hbm.at[b - K0, c, pl.ds(h, _CH)]

        def combine(xb, nb, ob):
            def row_body(r, rc):
                for j in range(W // 16):
                    sl = pl.ds(j * 16, 16)
                    ob[r, sl] = c1 * xb[r, sl] + c2 * nb[r, sl]
                return rc
            lax.fori_loop(0, _CH, row_body, 0)

        pltpu.async_copy(x_src(0), xb0, sx0)
        pltpu.async_copy(n_src(0), nb0, sn0)

        def pair_body(gp, carry):
            k0 = 2 * gp
            k1 = k0 + 1
            k2 = k0 + 2

            pltpu.make_async_copy(x_src(k0), xb0, sx0).wait()
            pltpu.make_async_copy(n_src(k0), nb0, sn0).wait()
            pltpu.async_copy(x_src(k1), xb1, sx1)
            pltpu.async_copy(n_src(k1), nb1, sn1)

            @pl.when(gp > 0)
            def _():
                pltpu.make_async_copy(ob0, o_dst(k0 - 2), so0).wait()

            combine(xb0, nb0, ob0)
            pltpu.async_copy(ob0, o_dst(k0), so0)

            pltpu.make_async_copy(x_src(k1), xb1, sx1).wait()
            pltpu.make_async_copy(n_src(k1), nb1, sn1).wait()

            @pl.when(k2 < n_chunks)
            def _():
                pltpu.async_copy(x_src(k2), xb0, sx0)
                pltpu.async_copy(n_src(k2), nb0, sn0)

            @pl.when(gp > 0)
            def _():
                pltpu.make_async_copy(ob1, o_dst(k1 - 2), so1).wait()

            combine(xb1, nb1, ob1)
            pltpu.async_copy(ob1, o_dst(k1), so1)
            return carry

        lax.fori_loop(0, n_pairs, pair_body, 0)

        pltpu.make_async_copy(ob0, o_dst(n_chunks - 2), so0).wait()
        pltpu.make_async_copy(ob1, o_dst(n_chunks - 1), so1).wait()

    return sc_kernel(x, t, n, ac, om)


def _combine_body(t_ref, ac_ref, om_ref, x_ref, n_ref, o_ref):
    b = pl.program_id(0)
    tt = t_ref[b]
    c1 = ac_ref[tt]
    c2 = om_ref[tt]
    o_ref[...] = c1 * x_ref[...] + c2 * n_ref[...]


def kernel(x_start, t, noise, sqrt_alphas_cumprod, sqrt_one_minus_alphas_cumprod):
    B, C, H, W = x_start.shape
    K0 = B - _K
    t32 = t.astype(jnp.int32)

    out_sc = _sc_combine(x_start, t32, noise, sqrt_alphas_cumprod,
                         sqrt_one_minus_alphas_cumprod)

    smem = pl.BlockSpec(memory_space=pltpu.SMEM)
    blk = pl.BlockSpec((1, C, H, W), lambda b: (b, 0, 0, 0))

    out_tc = pl.pallas_call(
        _combine_body,
        grid=(K0,),
        in_specs=[smem, smem, smem, blk, blk],
        out_specs=blk,
        out_shape=jax.ShapeDtypeStruct((B, C, H, W), jnp.float32),
    )(t32, sqrt_alphas_cumprod, sqrt_one_minus_alphas_cumprod,
      x_start, noise)

    return lax.dynamic_update_slice(out_tc, out_sc, (K0, 0, 0, 0))

# --- scband reference (transcript-rebuilt; emitter-appended) ---
"""Pipeline reference for scband-gaussian-diffusion-41944650612850 (READ-ONLY COPY).

The authoritative reference and input builder live on the scoring server;
editing this copy changes nothing except your own understanding.
"""

import jax, jax.numpy as jnp
import numpy as np

TIMESTEPS = 1000

def _make_schedule(timesteps):
    scale = 1000.0 / timesteps
    beta_start = 0.0001 * scale
    beta_end = 0.02 * scale
    betas = np.linspace(beta_start, beta_end, timesteps, dtype=np.float64)
    alphas = 1.0 - betas
    alphas_cumprod = np.cumprod(alphas, axis=0)
    sqrt_alphas_cumprod = np.sqrt(alphas_cumprod)
    sqrt_one_minus_alphas_cumprod = np.sqrt(1.0 - alphas_cumprod)
    return (jnp.asarray(sqrt_alphas_cumprod, dtype=jnp.float32),
            jnp.asarray(sqrt_one_minus_alphas_cumprod, dtype=jnp.float32))

def setup_inputs(seed: int = 0) -> dict:
    key = jax.random.key(seed)
    k1, k2, k3 = jax.random.split(key, 3)
    B, C, H, W = 32, 3, 512, 512
    x_start = jax.random.normal(k1, (B, C, H, W), dtype=jnp.float32)
    t = jax.random.randint(k2, (B,), 0, TIMESTEPS, dtype=jnp.int64 if jax.config.jax_enable_x64 else jnp.int32)
    noise = jax.random.normal(k3, (B, C, H, W), dtype=jnp.float32)
    sqrt_ac, sqrt_om = _make_schedule(TIMESTEPS)
    return {"x_start": x_start, "t": t, "noise": noise,
            "sqrt_alphas_cumprod": sqrt_ac,
            "sqrt_one_minus_alphas_cumprod": sqrt_om}

def _extract(a, t, ndim):
    # a: [T]; t: [B] -> gather then reshape to [B, 1, 1, ...]
    out = jnp.take(a, t, axis=0)
    return out.reshape(out.shape[0], *([1] * (ndim - 1)))

def reference(x_start, t, noise, sqrt_alphas_cumprod, sqrt_one_minus_alphas_cumprod):
    c1 = _extract(sqrt_alphas_cumprod, t, x_start.ndim)
    c2 = _extract(sqrt_one_minus_alphas_cumprod, t, x_start.ndim)
    noised = c1 * x_start + c2 * noise
    return noised

if __name__ == "__main__":
    import jax
    _d = setup_inputs()
    print(jax.jit(kernel)(*tuple(_d.values())))

</pallas_src>

<mosaic_0001>
#map = affine_map<(d0, d1) -> (0, 0, 0, 0)>
#map1 = affine_map<(d0, d1) -> (0)>
module attributes {stable_mosaic.version = 14 : i64} {
  func.func @sc_kernel(%arg0: i32, %arg1: i32, %arg2: memref<32x3x512x512xf32, #tpu.memory_space<hbm>>, %arg3: memref<32xi32, #tpu.memory_space<hbm>>, %arg4: memref<32x3x512x512xf32, #tpu.memory_space<hbm>>, %arg5: memref<1000xf32, #tpu.memory_space<hbm>>, %arg6: memref<1000xf32, #tpu.memory_space<hbm>>, %arg7: memref<8x3x512x512xf32, #tpu.memory_space<hbm>>, %arg8: memref<16xi32, #tpu.memory_space<vmem>>, %arg9: memref<16xf32, #tpu.memory_space<vmem>>, %arg10: memref<16xf32, #tpu.memory_space<vmem>>, %arg11: memref<32x512xf32, #tpu.memory_space<vmem>>, %arg12: memref<32x512xf32, #tpu.memory_space<vmem>>, %arg13: memref<32x512xf32, #tpu.memory_space<vmem>>, %arg14: memref<32x512xf32, #tpu.memory_space<vmem>>, %arg15: memref<32x512xf32, #tpu.memory_space<vmem>>, %arg16: memref<32x512xf32, #tpu.memory_space<vmem>>, %arg17: memref<!tpu.dma_semaphore, #tpu.memory_space<semaphore_mem>>, %arg18: memref<!tpu.dma_semaphore, #tpu.memory_space<semaphore_mem>>, %arg19: memref<!tpu.dma_semaphore, #tpu.memory_space<semaphore_mem>>, %arg20: memref<!tpu.dma_semaphore, #tpu.memory_space<semaphore_mem>>, %arg21: memref<!tpu.dma_semaphore, #tpu.memory_space<semaphore_mem>>, %arg22: memref<!tpu.dma_semaphore, #tpu.memory_space<semaphore_mem>>, %arg23: memref<!tpu.dma_semaphore, #tpu.memory_space<semaphore_mem>>) attributes {dimension_semantics = [#tpu.dimension_semantics<core_parallel>, #tpu.dimension_semantics<subcore_parallel>], iteration_bounds = array<i64: 2, 16>, scalar_prefetch = 0 : i64, scratch_operands = 16 : i64, tpu.core_type = #tpu.core_type<sc_vector_subcore>, window_params = [{transform_indices = #map}, {transform_indices = #map1}, {transform_indices = #map}, {transform_indices = #map1}, {transform_indices = #map1}, {transform_indices = #map}]} {
    %mul3A = arith.constant 2 : i32
    %mul3A_0 = arith.muli %arg1, %mul3A : i32
    %add3A = arith.addi %mul3A_0, %arg0 : i32
    %jit3A = arith.constant 4 : i32
    %div3A = arith.divsi %add3A, %jit3A : i32
    %sign3A = arith.constant 0 : i32
    %sign3A_1 = arith.cmpi sgt, %add3A, %sign3A : i32
    %sign3A_2 = arith.extui %sign3A_1 : i1 to i32
    %sign3A_3 = arith.constant 0 : i32
    %sign3A_4 = arith.cmpi slt, %add3A, %sign3A_3 : i32
    %sign3A_5 = arith.extui %sign3A_4 : i1 to i32
    %sign3A_6 = arith.subi %sign3A_2, %sign3A_5 : i32
    %sign3A_7 = arith.constant 0 : i32
    %sign3A_8 = arith.cmpi sgt, %jit3A, %sign3A_7 : i32
    %sign3A_9 = arith.extui %sign3A_8 : i1 to i32
    %sign3A_10 = arith.constant 0 : i32
    %sign3A_11 = arith.cmpi slt, %jit3A, %sign3A_10 : i32
    %sign3A_12 = arith.extui %sign3A_11 : i1 to i32
    %sign3A_13 = arith.subi %sign3A_9, %sign3A_12 : i32
    %ne3A = arith.cmpi ne, %sign3A_6, %sign3A_13 : i32
    %rem3A = arith.remsi %add3A, %jit3A : i32
    %ne3A_14 = arith.constant 0 : i32
    %ne3A_15 = arith.cmpi ne, %rem3A, %ne3A_14 : i32
    %and3A = arith.andi %ne3A, %ne3A_15 : i1
    %sub3A = arith.constant 1 : i32
    %sub3A_16 = arith.subi %div3A, %sub3A : i32
    %select_n3A = arith.select %and3A, %sub3A_16, %div3A : i32
    %add3A_17 = arith.constant 24 : i32
    %add3A_18 = arith.addi %add3A_17, %select_n3A : i32
    %jit3A_19 = arith.constant 4 : i32
    %eq3A = arith.constant 0 : i32
    %eq3A_20 = arith.cmpi eq, %jit3A_19, %eq3A : i32
    %jit3A_21 = arith.constant 1 : i32
    %select_n3A_22 = arith.select %eq3A_20, %jit3A_21, %jit3A_19 : i32
    %rem3A_23 = arith.remsi %add3A, %select_n3A_22 : i32
    %ne3A_24 = arith.constant 0 : i32
    %ne3A_25 = arith.cmpi ne, %rem3A_23, %ne3A_24 : i32
    %lt3A = arith.constant 0 : i32
    %lt3A_26 = arith.cmpi slt, %rem3A_23, %lt3A : i32
    %lt3A_27 = arith.constant 0 : i32
    %lt3A_28 = arith.cmpi slt, %select_n3A_22, %lt3A_27 : i32
    %ne3A_29 = arith.xori %lt3A_26, %lt3A_28 : i1
    %and3A_30 = arith.andi %ne3A_29, %ne3A_25 : i1
    %add3A_31 = arith.addi %rem3A_23, %select_n3A_22 : i32
    %select_n3A_32 = arith.select %and3A_30, %add3A_31, %rem3A_23 : i32
    %broadcast_in_dim3A = arith.constant 0 : i32
    %broadcast_in_dim3A_33 = vector.broadcast %broadcast_in_dim3A : i32 to vector<16xi32>
    %add3A_34 = vector.broadcast %add3A_18 : i32 to vector<16xi32>
    %add3A_35 = arith.addi %broadcast_in_dim3A_33, %add3A_34 : vector<16xi32>
    %dma_start3A = arith.constant 0 : i32
    %dma_start3A_36 = tpu.memref_slice %arg3[%dma_start3A] : memref<32xi32, #tpu.memory_space<hbm>> -> memref<32xi32, #tpu.memory_space<hbm>>
    tpu.enqueue_indirect_dma source(%dma_start3A_36 : memref<32xi32, #tpu.memory_space<hbm>>) target(%arg8 : memref<16xi32, #tpu.memory_space<vmem>>) offsets(%add3A_35 : vector<16xi32>) semaphore(%arg17 : memref<!tpu.dma_semaphore, #tpu.memory_space<semaphore_mem>>)
    %dma_wait3A = arith.constant 0 : i32
    %dma_wait3A_37 = tpu.memref_slice %arg3[%dma_wait3A] : memref<32xi32, #tpu.memory_space<hbm>> -> memref<32xi32, #tpu.memory_space<hbm>>
    tpu.wait_indirect_dma semaphore(%arg17 : memref<!tpu.dma_semaphore, #tpu.memory_space<semaphore_mem>>) src(%dma_wait3A_37 : memref<32xi32, #tpu.memory_space<hbm>>) dst(%arg8 : memref<16xi32, #tpu.memory_space<vmem>>)
    %dma_start3A_38 = arith.constant 0 : i32
    %dma_start3A_39 = tpu.memref_slice %arg5[%dma_start3A_38] : memref<1000xf32, #tpu.memory_space<hbm>> -> memref<1000xf32, #tpu.memory_space<hbm>>
    tpu.enqueue_indirect_dma source(%dma_start3A_39 : memref<1000xf32, #tpu.memory_space<hbm>>) target(%arg9 : memref<16xf32, #tpu.memory_space<vmem>>) offsets(%arg8 : memref<16xi32, #tpu.memory_space<vmem>>) semaphore(%arg17 : memref<!tpu.dma_semaphore, #tpu.memory_space<semaphore_mem>>)
    %dma_wait3A_40 = arith.constant 0 : i32
    %dma_wait3A_41 = tpu.memref_slice %arg5[%dma_wait3A_40] : memref<1000xf32, #tpu.memory_space<hbm>> -> memref<1000xf32, #tpu.memory_space<hbm>>
    tpu.wait_indirect_dma semaphore(%arg17 : memref<!tpu.dma_semaphore, #tpu.memory_space<semaphore_mem>>) src(%dma_wait3A_41 : memref<1000xf32, #tpu.memory_space<hbm>>) dst(%arg9 : memref<16xf32, #tpu.memory_space<vmem>>)
    %dma_start3A_42 = arith.constant 0 : i32
    %dma_start3A_43 = tpu.memref_slice %arg6[%dma_start3A_42] : memref<1000xf32, #tpu.memory_space<hbm>> -> memref<1000xf32, #tpu.memory_space<hbm>>
    tpu.enqueue_indirect_dma source(%dma_start3A_43 : memref<1000xf32, #tpu.memory_space<hbm>>) target(%arg10 : memref<16xf32, #tpu.memory_space<vmem>>) offsets(%arg8 : memref<16xi32, #tpu.memory_space<vmem>>) semaphore(%arg17 : memref<!tpu.dma_semaphore, #tpu.memory_space<semaphore_mem>>)
    %dma_wait3A_44 = arith.constant 0 : i32
    %dma_wait3A_45 = tpu.memref_slice %arg6[%dma_wait3A_44] : memref<1000xf32, #tpu.memory_space<hbm>> -> memref<1000xf32, #tpu.memory_space<hbm>>
    tpu.wait_indirect_dma semaphore(%arg17 : memref<!tpu.dma_semaphore, #tpu.memory_space<semaphore_mem>>) src(%dma_wait3A_45 : memref<1000xf32, #tpu.memory_space<hbm>>) dst(%arg10 : memref<16xf32, #tpu.memory_space<vmem>>)
    %get3A = arith.constant 0 : index
    %get3A_46 = tpu.vector_load %arg9[%get3A] {strides = array<i32>} : memref<16xf32, #tpu.memory_space<vmem>>, vector<16xf32>,
    %get3A_47 = vector.shape_cast %get3A_46 : vector<16xf32> to vector<16xf32>
    %get3A_48 = arith.constant 0 : index
    %get3A_49 = tpu.vector_load %arg10[%get3A_48] {strides = array<i32>} : memref<16xf32, #tpu.memory_space<vmem>>, vector<16xf32>,
    %get3A_50 = vector.shape_cast %get3A_49 : vector<16xf32> to vector<16xf32>
    %mul3A_51 = arith.constant 384 : i32
    %mul3A_52 = arith.muli %select_n3A_32, %mul3A_51 : i32
    %add3A_53 = arith.constant 0 : i32
    %add3A_54 = arith.addi %mul3A_52, %add3A_53 : i32
    %jit3A_55 = arith.constant 512 : i32
    %div3A_56 = arith.divsi %add3A_54, %jit3A_55 : i32
    %sign3A_57 = arith.constant 0 : i32
    %sign3A_58 = arith.cmpi sgt, %add3A_54, %sign3A_57 : i32
    %sign3A_59 = arith.extui %sign3A_58 : i1 to i32
    %sign3A_60 = arith.constant 0 : i32
    %sign3A_61 = arith.cmpi slt, %add3A_54, %sign3A_60 : i32
    %sign3A_62 = arith.extui %sign3A_61 : i1 to i32
    %sign3A_63 = arith.subi %sign3A_59, %sign3A_62 : i32
    %sign3A_64 = arith.constant 0 : i32
    %sign3A_65 = arith.cmpi sgt, %jit3A_55, %sign3A_64 : i32
    %sign3A_66 = arith.extui %sign3A_65 : i1 to i32
    %sign3A_67 = arith.constant 0 : i32
    %sign3A_68 = arith.cmpi slt, %jit3A_55, %sign3A_67 : i32
    %sign3A_69 = arith.extui %sign3A_68 : i1 to i32
    %sign3A_70 = arith.subi %sign3A_66, %sign3A_69 : i32
    %ne3A_71 = arith.cmpi ne, %sign3A_63, %sign3A_70 : i32
    %rem3A_72 = arith.remsi %add3A_54, %jit3A_55 : i32
    %ne3A_73 = arith.constant 0 : i32
    %ne3A_74 = arith.cmpi ne, %rem3A_72, %ne3A_73 : i32
    %and3A_75 = arith.andi %ne3A_71, %ne3A_74 : i1
    %sub3A_76 = arith.constant 1 : i32
    %sub3A_77 = arith.subi %div3A_56, %sub3A_76 : i32
    %select_n3A_78 = arith.select %and3A_75, %sub3A_77, %div3A_56 : i32
    %mul3A_79 = arith.constant 512 : i32
    %mul3A_80 = arith.muli %select_n3A_78, %mul3A_79 : i32
    %sub3A_81 = arith.subi %add3A_54, %mul3A_80 : i32
    %dma_start3A_82 = arith.constant 0 : i32
    %dma_start3A_83 = tpu.memref_slice %arg2[%add3A_18, %select_n3A_78, %sub3A_81, %dma_start3A_82] : memref<32x3x512x512xf32, #tpu.memory_space<hbm>> -> memref<1x1x32x512xf32, #tpu.memory_space<hbm>>
    %dma_start3A_84 = tpu.memref_squeeze %dma_start3A_83 : memref<1x1x32x512xf32, #tpu.memory_space<hbm>> -> memref<32x512xf32, #tpu.memory_space<hbm>>
    %dma_start3A_85 = arith.constant 0 : i32
    %dma_start3A_86 = tpu.memref_slice %arg2[%add3A_18, %select_n3A_78, %sub3A_81, %dma_start3A_85] : memref<32x3x512x512xf32, #tpu.memory_space<hbm>> -> memref<1x1x32x512xf32, #tpu.memory_space<hbm>>
    %dma_start3A_87 = tpu.memref_squeeze %dma_start3A_86 : memref<1x1x32x512xf32, #tpu.memory_space<hbm>> -> memref<32x512xf32, #tpu.memory_space<hbm>>
    tpu.enqueue_dma source(%dma_start3A_87 : memref<32x512xf32, #tpu.memory_space<hbm>>) target(%arg11 : memref<32x512xf32, #tpu.memory_space<vmem>>) target_semaphore(%arg18 : memref<!tpu.dma_semaphore, #tpu.memory_space<semaphore_mem>>)
    %mul3A_88 = arith.constant 384 : i32
    %mul3A_89 = arith.muli %select_n3A_32, %mul3A_88 : i32
    %add3A_90 = arith.constant 0 : i32
    %add3A_91 = arith.addi %mul3A_89, %add3A_90 : i32
    %jit3A_92 = arith.constant 512 : i32
    %div3A_93 = arith.divsi %add3A_91, %jit3A_92 : i32
    %sign3A_94 = arith.constant 0 : i32
    %sign3A_95 = arith.cmpi sgt, %add3A_91, %sign3A_94 : i32
    %sign3A_96 = arith.extui %sign3A_95 : i1 to i32
    %sign3A_97 = arith.constant 0 : i32
    %sign3A_98 = arith.cmpi slt, %add3A_91, %sign3A_97 : i32
    %sign3A_99 = arith.extui %sign3A_98 : i1 to i32
    %sign3A_100 = arith.subi %sign3A_96, %sign3A_99 : i32
    %sign3A_101 = arith.constant 0 : i32
    %sign3A_102 = arith.cmpi sgt, %jit3A_92, %sign3A_101 : i32
    %sign3A_103 = arith.extui %sign3A_102 : i1 to i32
    %sign3A_104 = arith.constant 0 : i32
    %sign3A_105 = arith.cmpi slt, %jit3A_92, %sign3A_104 : i32
    %sign3A_106 = arith.extui %sign3A_105 : i1 to i32
    %sign3A_107 = arith.subi %sign3A_103, %sign3A_106 : i32
    %ne3A_108 = arith.cmpi ne, %sign3A_100, %sign3A_107 : i32
    %rem3A_109 = arith.remsi %add3A_91, %jit3A_92 : i32
    %ne3A_110 = arith.constant 0 : i32
    %ne3A_111 = arith.cmpi ne, %rem3A_109, %ne3A_110 : i32
    %and3A_112 = arith.andi %ne3A_108, %ne3A_111 : i1
    %sub3A_113 = arith.constant 1 : i32
    %sub3A_114 = arith.subi %div3A_93, %sub3A_113 : i32
    %select_n3A_115 = arith.select %and3A_112, %sub3A_114, %div3A_93 : i32
    %mul3A_116 = arith.constant 512 : i32
    %mul3A_117 = arith.muli %select_n3A_115, %mul3A_116 : i32
    %sub3A_118 = arith.subi %add3A_91, %mul3A_117 : i32
    %dma_start3A_119 = arith.constant 0 : i32
    %dma_start3A_120 = tpu.memref_slice %arg4[%add3A_18, %select_n3A_115, %sub3A_118, %dma_start3A_119] : memref<32x3x512x512xf32, #tpu.memory_space<hbm>> -> memref<1x1x32x512xf32, #tpu.memory_space<hbm>>
    %dma_start3A_121 = tpu.memref_squeeze %dma_start3A_120 : memref<1x1x32x512xf32, #tpu.memory_space<hbm>> -> memref<32x512xf32, #tpu.memory_space<hbm>>
    %dma_start3A_122 = arith.constant 0 : i32
    %dma_start3A_123 = tpu.memref_slice %arg4[%add3A_18, %select_n3A_115, %sub3A_118, %dma_start3A_122] : memref<32x3x512x512xf32, #tpu.memory_space<hbm>> -> memref<1x1x32x512xf32, #tpu.memory_space<hbm>>
    %dma_start3A_124 = tpu.memref_squeeze %dma_start3A_123 : memref<1x1x32x512xf32, #tpu.memory_space<hbm>> -> memref<32x512xf32, #tpu.memory_space<hbm>>
    tpu.enqueue_dma source(%dma_start3A_124 : memref<32x512xf32, #tpu.memory_space<hbm>>) target(%arg13 : memref<32x512xf32, #tpu.memory_space<vmem>>) target_semaphore(%arg20 : memref<!tpu.dma_semaphore, #tpu.memory_space<semaphore_mem>>)
    %scan3A = arith.constant 0 : i32
    %scan3A_125 = arith.constant 0 : i32
    %scan3A_126 = arith.constant 6 : i32
    %scan3A_127 = arith.addi %scan3A_125, %scan3A_126 : i32
    %scan3A_128 = arith.constant 1 : i32
    scf.for %scan3A_208 = %scan3A_125 to %scan3A_127 step %scan3A_128  : i32 {
      %mul3A_209 = arith.constant 2 : i32
      %mul3A_210 = arith.muli %mul3A_209, %scan3A_208 : i32
      %add3A_211 = arith.constant 1 : i32
      %add3A_212 = arith.addi %mul3A_210, %add3A_211 : i32
      %add3A_213 = arith.constant 2 : i32
      %add3A_214 = arith.addi %mul3A_210, %add3A_213 : i32
      %mul3A_215 = arith.constant 384 : i32
      %mul3A_216 = arith.muli %select_n3A_32, %mul3A_215 : i32
      %mul3A_217 = arith.constant 32 : i32
      %mul3A_218 = arith.muli %mul3A_210, %mul3A_217 : i32
      %add3A_219 = arith.addi %mul3A_216, %mul3A_218 : i32
      %jit3A_220 = arith.constant 512 : i32
      %div3A_221 = arith.divsi %add3A_219, %jit3A_220 : i32
      %sign3A_222 = arith.constant 0 : i32
      %sign3A_223 = arith.cmpi sgt, %add3A_219, %sign3A_222 : i32
      %sign3A_224 = arith.extui %sign3A_223 : i1 to i32
      %sign3A_225 = arith.constant 0 : i32
      %sign3A_226 = arith.cmpi slt, %add3A_219, %sign3A_225 : i32
      %sign3A_227 = arith.extui %sign3A_226 : i1 to i32
      %sign3A_228 = arith.subi %sign3A_224, %sign3A_227 : i32
      %sign3A_229 = arith.constant 0 : i32
      %sign3A_230 = arith.cmpi sgt, %jit3A_220, %sign3A_229 : i32
      %sign3A_231 = arith.extui %sign3A_230 : i1 to i32
      %sign3A_232 = arith.constant 0 : i32
      %sign3A_233 = arith.cmpi slt, %jit3A_220, %sign3A_232 : i32
      %sign3A_234 = arith.extui %sign3A_233 : i1 to i32
      %sign3A_235 = arith.subi %sign3A_231, %sign3A_234 : i32
      %ne3A_236 = arith.cmpi ne, %sign3A_228, %sign3A_235 : i32
      %rem3A_237 = arith.remsi %add3A_219, %jit3A_220 : i32
      %ne3A_238 = arith.constant 0 : i32
      %ne3A_239 = arith.cmpi ne, %rem3A_237, %ne3A_238 : i32
      %and3A_240 = arith.andi %ne3A_236, %ne3A_239 : i1
      %sub3A_241 = arith.constant 1 : i32
      %sub3A_242 = arith.subi %div3A_221, %sub3A_241 : i32
      %select_n3A_243 = arith.select %and3A_240, %sub3A_242, %div3A_221 : i32
      %mul3A_244 = arith.constant 512 : i32
      %mul3A_245 = arith.muli %select_n3A_243, %mul3A_244 : i32
      %sub3A_246 = arith.subi %add3A_219, %mul3A_245 : i32
      %dma_wait3A_247 = arith.constant 0 : i32
      %dma_wait3A_248 = tpu.memref_slice %arg2[%add3A_18, %select_n3A_243, %sub3A_246, %dma_wait3A_247] : memref<32x3x512x512xf32, #tpu.memory_space<hbm>> -> memref<1x1x32x512xf32, #tpu.memory_space<hbm>>
      %dma_wait3A_249 = tpu.memref_squeeze %dma_wait3A_248 : memref<1x1x32x512xf32, #tpu.memory_space<hbm>> -> memref<32x512xf32, #tpu.memory_space<hbm>>
      %dma_wait3A_250 = arith.constant 0 : i32
      %dma_wait3A_251 = tpu.memref_slice %arg2[%add3A_18, %select_n3A_243, %sub3A_246, %dma_wait3A_250] : memref<32x3x512x512xf32, #tpu.memory_space<hbm>> -> memref<1x1x32x512xf32, #tpu.memory_space<hbm>>
      %dma_wait3A_252 = tpu.memref_squeeze %dma_wait3A_251 : memref<1x1x32x512xf32, #tpu.memory_space<hbm>> -> memref<32x512xf32, #tpu.memory_space<hbm>>
      tpu.wait_dma2 semaphore(%arg18 : memref<!tpu.dma_semaphore, #tpu.memory_space<semaphore_mem>>) src(%dma_wait3A_252 : memref<32x512xf32, #tpu.memory_space<hbm>>) dst(%arg11 : memref<32x512xf32, #tpu.memory_space<vmem>>)
      %mul3A_253 = arith.constant 384 : i32
      %mul3A_254 = arith.muli %select_n3A_32, %mul3A_253 : i32
      %mul3A_255 = arith.constant 32 : i32
      %mul3A_256 = arith.muli %mul3A_210, %mul3A_255 : i32
      %add3A_257 = arith.addi %mul3A_254, %mul3A_256 : i32
      %jit3A_258 = arith.constant 512 : i32
      %div3A_259 = arith.divsi %add3A_257, %jit3A_258 : i32
      %sign3A_260 = arith.constant 0 : i32
      %sign3A_261 = arith.cmpi sgt, %add3A_257, %sign3A_260 : i32
      %sign3A_262 = arith.extui %sign3A_261 : i1 to i32
      %sign3A_263 = arith.constant 0 : i32
      %sign3A_264 = arith.cmpi slt, %add3A_257, %sign3A_263 : i32
      %sign3A_265 = arith.extui %sign3A_264 : i1 to i32
      %sign3A_266 = arith.subi %sign3A_262, %sign3A_265 : i32
      %sign3A_267 = arith.constant 0 : i32
      %sign3A_268 = arith.cmpi sgt, %jit3A_258, %sign3A_267 : i32
      %sign3A_269 = arith.extui %sign3A_268 : i1 to i32
      %sign3A_270 = arith.constant 0 : i32
      %sign3A_271 = arith.cmpi slt, %jit3A_258, %sign3A_270 : i32
      %sign3A_272 = arith.extui %sign3A_271 : i1 to i32
      %sign3A_273 = arith.subi %sign3A_269, %sign3A_272 : i32
      %ne3A_274 = arith.cmpi ne, %sign3A_266, %sign3A_273 : i32
      %rem3A_275 = arith.remsi %add3A_257, %jit3A_258 : i32
      %ne3A_276 = arith.constant 0 : i32
      %ne3A_277 = arith.cmpi ne, %rem3A_275, %ne3A_276 : i32
      %and3A_278 = arith.andi %ne3A_274, %ne3A_277 : i1
      %sub3A_279 = arith.constant 1 : i32
      %sub3A_280 = arith.subi %div3A_259, %sub3A_279 : i32
      %select_n3A_281 = arith.select %and3A_278, %sub3A_280, %div3A_259 : i32
      %mul3A_282 = arith.constant 512 : i32
      %mul3A_283 = arith.muli %select_n3A_281, %mul3A_282 : i32
      %sub3A_284 = arith.subi %add3A_257, %mul3A_283 : i32
      %dma_wait3A_285 = arith.constant 0 : i32
      %dma_wait3A_286 = tpu.memref_slice %arg4[%add3A_18, %select_n3A_281, %sub3A_284, %dma_wait3A_285] : memref<32x3x512x512xf32, #tpu.memory_space<hbm>> -> memref<1x1x32x512xf32, #tpu.memory_space<hbm>>
      %dma_wait3A_287 = tpu.memref_squeeze %dma_wait3A_286 : memref<1x1x32x512xf32, #tpu.memory_space<hbm>> -> memref<32x512xf32, #tpu.memory_space<hbm>>
      %dma_wait3A_288 = arith.constant 0 : i32
      %dma_wait3A_289 = tpu.memref_slice %arg4[%add3A_18, %select_n3A_281, %sub3A_284, %dma_wait3A_288] : memref<32x3x512x512xf32, #tpu.memory_space<hbm>> -> memref<1x1x32x512xf32, #tpu.memory_space<hbm>>
      %dma_wait3A_290 = tpu.memref_squeeze %dma_wait3A_289 : memref<1x1x32x512xf32, #tpu.memory_space<hbm>> -> memref<32x512xf32, #tpu.memory_space<hbm>>
      tpu.wait_dma2 semaphore(%arg20 : memref<!tpu.dma_semaphore, #tpu.memory_space<semaphore_mem>>) src(%dma_wait3A_290 : memref<32x512xf32, #tpu.memory_space<hbm>>) dst(%arg13 : memref<32x512xf32, #tpu.memory_space<vmem>>)
      %mul3A_291 = arith.constant 384 : i32
      %mul3A_292 = arith.muli %select_n3A_32, %mul3A_291 : i32
      %mul3A_293 = arith.constant 32 : i32
      %mul3A_294 = arith.muli %add3A_212, %mul3A_293 : i32
      %add3A_295 = arith.addi %mul3A_292, %mul3A_294 : i32
      %jit3A_296 = arith.constant 512 : i32
      %div3A_297 = arith.divsi %add3A_295, %jit3A_296 : i32
      %sign3A_298 = arith.constant 0 : i32
      %sign3A_299 = arith.cmpi sgt, %add3A_295, %sign3A_298 : i32
      %sign3A_300 = arith.extui %sign3A_299 : i1 to i32
      %sign3A_301 = arith.constant 0 : i32
      %sign3A_302 = arith.cmpi slt, %add3A_295, %sign3A_301 : i32
      %sign3A_303 = arith.extui %sign3A_302 : i1 to i32
      %sign3A_304 = arith.subi %sign3A_300, %sign3A_303 : i32
      %sign3A_305 = arith.constant 0 : i32
      %sign3A_306 = arith.cmpi sgt, %jit3A_296, %sign3A_305 : i32
      %sign3A_307 = arith.extui %sign3A_306 : i1 to i32
      %sign3A_308 = arith.constant 0 : i32
      %sign3A_309 = arith.cmpi slt, %jit3A_296, %sign3A_308 : i32
      %sign3A_310 = arith.extui %sign3A_309 : i1 to i32
      %sign3A_311 = arith.subi %sign3A_307, %sign3A_310 : i32
      %ne3A_312 = arith.cmpi ne, %sign3A_304, %sign3A_311 : i32
      %rem3A_313 = arith.remsi %add3A_295, %jit3A_296 : i32
      %ne3A_314 = arith.constant 0 : i32
      %ne3A_315 = arith.cmpi ne, %rem3A_313, %ne3A_314 : i32
      %and3A_316 = arith.andi %ne3A_312, %ne3A_315 : i1
      %sub3A_317 = arith.constant 1 : i32
      %sub3A_318 = arith.subi %div3A_297, %sub3A_317 : i32
      %select_n3A_319 = arith.select %and3A_316, %sub3A_318, %div3A_297 : i32
      %mul3A_320 = arith.constant 512 : i32
      %mul3A_321 = arith.muli %select_n3A_319, %mul3A_320 : i32
      %sub3A_322 = arith.subi %add3A_295, %mul3A_321 : i32
      %dma_start3A_323 = arith.constant 0 : i32
      %dma_start3A_324 = tpu.memref_slice %arg2[%add3A_18, %select_n3A_319, %sub3A_322, %dma_start3A_323] : memref<32x3x512x512xf32, #tpu.memory_space<hbm>> -> memref<1x1x32x512xf32, #tpu.memory_space<hbm>>
      %dma_start3A_325 = tpu.memref_squeeze %dma_start3A_324 : memref<1x1x32x512xf32, #tpu.memory_space<hbm>> -> memref<32x512xf32, #tpu.memory_space<hbm>>
      %dma_start3A_326 = arith.constant 0 : i32
      %dma_start3A_327 = tpu.memref_slice %arg2[%add3A_18, %select_n3A_319, %sub3A_322, %dma_start3A_326] : memref<32x3x512x512xf32, #tpu.memory_space<hbm>> -> memref<1x1x32x512xf32, #tpu.memory_space<hbm>>
      %dma_start3A_328 = tpu.memref_squeeze %dma_start3A_327 : memref<1x1x32x512xf32, #tpu.memory_space<hbm>> -> memref<32x512xf32, #tpu.memory_space<hbm>>
      tpu.enqueue_dma source(%dma_start3A_328 : memref<32x512xf32, #tpu.memory_space<hbm>>) target(%arg12 : memref<32x512xf32, #tpu.memory_space<vmem>>) target_semaphore(%arg19 : memref<!tpu.dma_semaphore, #tpu.memory_space<semaphore_mem>>)
      %mul3A_329 = arith.constant 384 : i32
      %mul3A_330 = arith.muli %select_n3A_32, %mul3A_329 : i32
      %mul3A_331 = arith.constant 32 : i32
      %mul3A_332 = arith.muli %add3A_212, %mul3A_331 : i32
      %add3A_333 = arith.addi %mul3A_330, %mul3A_332 : i32
      %jit3A_334 = arith.constant 512 : i32
      %div3A_335 = arith.divsi %add3A_333, %jit3A_334 : i32
      %sign3A_336 = arith.constant 0 : i32
      %sign3A_337 = arith.cmpi sgt, %add3A_333, %sign3A_336 : i32
      %sign3A_338 = arith.extui %sign3A_337 : i1 to i32
      %sign3A_339 = arith.constant 0 : i32
      %sign3A_340 = arith.cmpi slt, %add3A_333, %sign3A_339 : i32
      %sign3A_341 = arith.extui %sign3A_340 : i1 to i32
      %sign3A_342 = arith.subi %sign3A_338, %sign3A_341 : i32
      %sign3A_343 = arith.constant 0 : i32
      %sign3A_344 = arith.cmpi sgt, %jit3A_334, %sign3A_343 : i32
      %sign3A_345 = arith.extui %sign3A_344 : i1 to i32
      %sign3A_346 = arith.constant 0 : i32
      %sign3A_347 = arith.cmpi slt, %jit3A_334, %sign3A_346 : i32
      %sign3A_348 = arith.extui %sign3A_347 : i1 to i32
      %sign3A_349 = arith.subi %sign3A_345, %sign3A_348 : i32
      %ne3A_350 = arith.cmpi ne, %sign3A_342, %sign3A_349 : i32
      %rem3A_351 = arith.remsi %add3A_333, %jit3A_334 : i32
      %ne3A_352 = arith.constant 0 : i32
      %ne3A_353 = arith.cmpi ne, %rem3A_351, %ne3A_352 : i32
      %and3A_354 = arith.andi %ne3A_350, %ne3A_353 : i1
      %sub3A_355 = arith.constant 1 : i32
      %sub3A_356 = arith.subi %div3A_335, %sub3A_355 : i32
      %select_n3A_357 = arith.select %and3A_354, %sub3A_356, %div3A_335 : i32
      %mul3A_358 = arith.constant 512 : i32
      %mul3A_359 = arith.muli %select_n3A_357, %mul3A_358 : i32
      %sub3A_360 = arith.subi %add3A_333, %mul3A_359 : i32
      %dma_start3A_361 = arith.constant 0 : i32
      %dma_start3A_362 = tpu.memref_slice %arg4[%add3A_18, %select_n3A_357, %sub3A_360, %dma_start3A_361] : memref<32x3x512x512xf32, #tpu.memory_space<hbm>> -> memref<1x1x32x512xf32, #tpu.memory_space<hbm>>
      %dma_start3A_363 = tpu.memref_squeeze %dma_start3A_362 : memref<1x1x32x512xf32, #tpu.memory_space<hbm>> -> memref<32x512xf32, #tpu.memory_space<hbm>>
      %dma_start3A_364 = arith.constant 0 : i32
      %dma_start3A_365 = tpu.memref_slice %arg4[%add3A_18, %select_n3A_357, %sub3A_360, %dma_start3A_364] : memref<32x3x512x512xf32, #tpu.memory_space<hbm>> -> memref<1x1x32x512xf32, #tpu.memory_space<hbm>>
      %dma_start3A_366 = tpu.memref_squeeze %dma_start3A_365 : memref<1x1x32x512xf32, #tpu.memory_space<hbm>> -> memref<32x512xf32, #tpu.memory_space<hbm>>
      tpu.enqueue_dma source(%dma_start3A_366 : memref<32x512xf32, #tpu.memory_space<hbm>>) target(%arg14 : memref<32x512xf32, #tpu.memory_space<vmem>>) target_semaphore(%arg21 : memref<!tpu.dma_semaphore, #tpu.memory_space<semaphore_mem>>)
      %gt3A = arith.constant 0 : i32
      %gt3A_367 = arith.cmpi sgt, %scan3A_208, %gt3A : i32
      %convert_element_type3A = arith.extui %gt3A_367 : i1 to i32
      %cond3A = arith.constant 0 : i32
      %cond3A_368 = arith.cmpi ne, %convert_element_type3A, %cond3A : i32
      scf.if %cond3A_368 {
        %sub3A_547 = arith.constant 2 : i32
        %sub3A_548 = arith.subi %mul3A_210, %sub3A_547 : i32
        %mul3A_549 = arith.constant 384 : i32
        %mul3A_550 = arith.muli %select_n3A_32, %mul3A_549 : i32
        %mul3A_551 = arith.constant 32 : i32
        %mul3A_552 = arith.muli %sub3A_548, %mul3A_551 : i32
        %add3A_553 = arith.addi %mul3A_550, %mul3A_552 : i32
        %jit3A_554 = arith.constant 512 : i32
        %div3A_555 = arith.divsi %add3A_553, %jit3A_554 : i32
        %sign3A_556 = arith.constant 0 : i32
        %sign3A_557 = arith.cmpi sgt, %add3A_553, %sign3A_556 : i32
        %sign3A_558 = arith.extui %sign3A_557 : i1 to i32
        %sign3A_559 = arith.constant 0 : i32
        %sign3A_560 = arith.cmpi slt, %add3A_553, %sign3A_559 : i32
        %sign3A_561 = arith.extui %sign3A_560 : i1 to i32
        %sign3A_562 = arith.subi %sign3A_558, %sign3A_561 : i32
        %sign3A_563 = arith.constant 0 : i32
        %sign3A_564 = arith.cmpi sgt, %jit3A_554, %sign3A_563 : i32
        %sign3A_565 = arith.extui %sign3A_564 : i1 to i32
        %sign3A_566 = arith.constant 0 : i32
        %sign3A_567 = arith.cmpi slt, %jit3A_554, %sign3A_566 : i32
        %sign3A_568 = arith.extui %sign3A_567 : i1 to i32
        %sign3A_569 = arith.subi %sign3A_565, %sign3A_568 : i32
        %ne3A_570 = arith.cmpi ne, %sign3A_562, %sign3A_569 : i32
        %rem3A_571 = arith.remsi %add3A_553, %jit3A_554 : i32
        %ne3A_572 = arith.constant 0 : i32
        %ne3A_573 = arith.cmpi ne, %rem3A_571, %ne3A_572 : i32
        %and3A_574 = arith.andi %ne3A_570, %ne3A_573 : i1
        %sub3A_575 = arith.constant 1 : i32
        %sub3A_576 = arith.subi %div3A_555, %sub3A_575 : i32
        %select_n3A_577 = arith.select %and3A_574, %sub3A_576, %div3A_555 : i32
        %mul3A_578 = arith.constant 512 : i32
        %mul3A_579 = arith.muli %select_n3A_577, %mul3A_578 : i32
        %sub3A_580 = arith.subi %add3A_553, %mul3A_579 : i32
        %sub3A_581 = arith.constant 24 : i32
        %sub3A_582 = arith.subi %add3A_18, %sub3A_581 : i32
        %dma_wait3A_583 = arith.constant 0 : i32
        %dma_wait3A_584 = tpu.memref_slice %arg7[%sub3A_582, %select_n3A_577, %sub3A_580, %dma_wait3A_583] : memref<8x3x512x512xf32, #tpu.memory_space<hbm>> -> memref<1x1x32x512xf32, #tpu.memory_space<hbm>>
        %dma_wait3A_585 = tpu.memref_squeeze %dma_wait3A_584 : memref<1x1x32x512xf32, #tpu.memory_space<hbm>> -> memref<32x512xf32, #tpu.memory_space<hbm>>
        %dma_wait3A_586 = arith.constant 0 : i32
        %dma_wait3A_587 = tpu.memref_slice %arg7[%sub3A_582, %select_n3A_577, %sub3A_580, %dma_wait3A_586] : memref<8x3x512x512xf32, #tpu.memory_space<hbm>> -> memref<1x1x32x512xf32, #tpu.memory_space<hbm>>
        %dma_wait3A_588 = tpu.memref_squeeze %dma_wait3A_587 : memref<1x1x32x512xf32, #tpu.memory_space<hbm>> -> memref<32x512xf32, #tpu.memory_space<hbm>>
        tpu.wait_dma2 semaphore(%arg22 : memref<!tpu.dma_semaphore, #tpu.memory_space<semaphore_mem>>) src(%arg15 : memref<32x512xf32, #tpu.memory_space<vmem>>) dst(%dma_wait3A_588 : memref<32x512xf32, #tpu.memory_space<hbm>>)
      } else {
      }
      %scan3A_369 = arith.constant 0 : i32
      %scan3A_370 = arith.constant 0 : i32
      %scan3A_371 = arith.constant 32 : i32
      %scan3A_372 = arith.addi %scan3A_370, %scan3A_371 : i32
      %scan3A_373 = arith.constant 1 : i32
      scf.for %scan3A_547 = %scan3A_370 to %scan3A_372 step %scan3A_373  : i32 {
        %get3A_548 = arith.index_cast %scan3A_547 : i32 to index
        %get3A_549 = arith.constant 0 : index
        %get3A_550 = tpu.vector_load %arg11[%get3A_548, %get3A_549] {strides = array<i32>} : memref<32x512xf32, #tpu.memory_space<vmem>>, vector<1x16xf32>,
        %get3A_551 = vector.shape_cast %get3A_550 : vector<1x16xf32> to vector<16xf32>
        %mul3A_552 = arith.mulf %get3A_47, %get3A_551 : vector<16xf32>
        %get3A_553 = arith.index_cast %scan3A_547 : i32 to index
        %get3A_554 = arith.constant 0 : index
        %get3A_555 = tpu.vector_load %arg13[%get3A_553, %get3A_554] {strides = array<i32>} : memref<32x512xf32, #tpu.memory_space<vmem>>, vector<1x16xf32>,
        %get3A_556 = vector.shape_cast %get3A_555 : vector<1x16xf32> to vector<16xf32>
        %mul3A_557 = arith.mulf %get3A_50, %get3A_556 : vector<16xf32>
        %add3A_558 = arith.addf %mul3A_552, %mul3A_557 : vector<16xf32>
        %swap3A = arith.index_cast %scan3A_547 : i32 to index
        %swap3A_559 = arith.constant 0 : index
        %swap3A_560 = tpu.vector_load %arg15[%swap3A, %swap3A_559] {strides = array<i32>} : memref<32x512xf32, #tpu.memory_space<vmem>>, vector<1x16xf32>,
        %swap3A_561 = vector.shape_cast %swap3A_560 : vector<1x16xf32> to vector<16xf32>
        %swap3A_562 = vector.shape_cast %add3A_558 : vector<16xf32> to vector<1x16xf32>
        tpu.vector_store %arg15[%swap3A, %swap3A_559], %swap3A_562 {strides = array<i32>} : memref<32x512xf32, #tpu.memory_space<vmem>>, vector<1x16xf32>,
        %get3A_563 = arith.index_cast %scan3A_547 : i32 to index
        %get3A_564 = arith.constant 16 : index
        %get3A_565 = tpu.vector_load %arg11[%get3A_563, %get3A_564] {strides = array<i32>} : memref<32x512xf32, #tpu.memory_space<vmem>>, vector<1x16xf32>,
        %get3A_566 = vector.shape_cast %get3A_565 : vector<1x16xf32> to vector<16xf32>
        %mul3A_567 = arith.mulf %get3A_47, %get3A_566 : vector<16xf32>
        %get3A_568 = arith.index_cast %scan3A_547 : i32 to index
        %get3A_569 = arith.constant 16 : index
        %get3A_570 = tpu.vector_load %arg13[%get3A_568, %get3A_569] {strides = array<i32>} : memref<32x512xf32, #tpu.memory_space<vmem>>, vector<1x16xf32>,
        %get3A_571 = vector.shape_cast %get3A_570 : vector<1x16xf32> to vector<16xf32>
        %mul3A_572 = arith.mulf %get3A_50, %get3A_571 : vector<16xf32>
        %add3A_573 = arith.addf %mul3A_567, %mul3A_572 : vector<16xf32>
        %swap3A_574 = arith.index_cast %scan3A_547 : i32 to index
        %swap3A_575 = arith.constant 16 : index
        %swap3A_576 = tpu.vector_load %arg15[%swap3A_574, %swap3A_575] {strides = array<i32>} : memref<32x512xf32, #tpu.memory_space<vmem>>, vector<1x16xf32>,
        %swap3A_577 = vector.shape_cast %swap3A_576 : vector<1x16xf32> to vector<16xf32>
        %swap3A_578 = vector.shape_cast %add3A_573 : vector<16xf32> to vector<1x16xf32>
        tpu.vector_store %arg15[%swap3A_574, %swap3A_575], %swap3A_578 {strides = array<i32>} : memref<32x512xf32, #tpu.memory_space<vmem>>, vector<1x16xf32>,
        %get3A_579 = arith.index_cast %scan3A_547 : i32 to index
        %get3A_580 = arith.constant 32 : index
        %get3A_581 = tpu.vector_load %arg11[%get3A_579, %get3A_580] {strides = array<i32>} : memref<32x512xf32, #tpu.memory_space<vmem>>, vector<1x16xf32>,
        %get3A_582 = vector.shape_cast %get3A_581 : vector<1x16xf32> to vector<16xf32>
        %mul3A_583 = arith.mulf %get3A_47, %get3A_582 : vector<16xf32>
        %get3A_584 = arith.index_cast %scan3A_547 : i32 to index
        %get3A_585 = arith.constant 32 : index
        %get3A_586 = tpu.vector_load %arg13[%get3A_584, %get3A_585] {strides = array<i32>} : memref<32x512xf32, #tpu.memory_space<vmem>>, vector<1x16xf32>,
        %get3A_587 = vector.shape_cast %get3A_586 : vector<1x16xf32> to vector<16xf32>
        %mul3A_588 = arith.mulf %get3A_50, %get3A_587 : vector<16xf32>
        %add3A_589 = arith.addf %mul3A_583, %mul3A_588 : vector<16xf32>
        %swap3A_590 = arith.index_cast %scan3A_547 : i32 to index
        %swap3A_591 = arith.constant 32 : index
        %swap3A_592 = tpu.vector_load %arg15[%swap3A_590, %swap3A_591] {strides = array<i32>} : memref<32x512xf32, #tpu.memory_space<vmem>>, vector<1x16xf32>,
        %swap3A_593 = vector.shape_cast %swap3A_592 : vector<1x16xf32> to vector<16xf32>
        %swap3A_594 = vector.shape_cast %add3A_589 : vector<16xf32> to vector<1x16xf32>
        tpu.vector_store %arg15[%swap3A_590, %swap3A_591], %swap3A_594 {strides = array<i32>} : memref<32x512xf32, #tpu.memory_space<vmem>>, vector<1x16xf32>,
        %get3A_595 = arith.index_cast %scan3A_547 : i32 to index
        %get3A_596 = arith.constant 48 : index
        %get3A_597 = tpu.vector_load %arg11[%get3A_595, %get3A_596] {strides = array<i32>} : memref<32x512xf32, #tpu.memory_space<vmem>>, vector<1x16xf32>,
        %get3A_598 = vector.shape_cast %get3A_597 : vector<1x16xf32> to vector<16xf32>
        %mul3A_599 = arith.mulf %get3A_47, %get3A_598 : vector<16xf32>
        %get3A_600 = arith.index_cast %scan3A_547 : i32 to index
        %get3A_601 = arith.constant 48 : index
        %get3A_602 = tpu.vector_load %arg13[%get3A_600, %get3A_601] {strides = array<i32>} : memref<32x512xf32, #tpu.memory_space<vmem>>, vector<1x16xf32>,
        %get3A_603 = vector.shape_cast %get3A_602 : vector<1x16xf32> to vector<16xf32>
        %mul3A_604 = arith.mulf %get3A_50, %get3A_603 : vector<16xf32>
        %add3A_605 = arith.addf %mul3A_599, %mul3A_604 : vector<16xf32>
        %swap3A_606 = arith.index_cast %scan3A_547 : i32 to index
        %swap3A_607 = arith.constant 48 : index
        %swap3A_608 = tpu.vector_load %arg15[%swap3A_606, %swap3A_607] {strides = array<i32>} : memref<32x512xf32, #tpu.memory_space<vmem>>, vector<1x16xf32>,
        %swap3A_609 = vector.shape_cast %swap3A_608 : vector<1x16xf32> to vector<16xf32>
        %swap3A_610 = vector.shape_cast %add3A_605 : vector<16xf32> to vector<1x16xf32>
        tpu.vector_store %arg15[%swap3A_606, %swap3A_607], %swap3A_610 {strides = array<i32>} : memref<32x512xf32, #tpu.memory_space<vmem>>, vector<1x16xf32>,
        %get3A_611 = arith.index_cast %scan3A_547 : i32 to index
        %get3A_612 = arith.constant 64 : index
        %get3A_613 = tpu.vector_load %arg11[%get3A_611, %get3A_612] {strides = array<i32>} : memref<32x512xf32, #tpu.memory_space<vmem>>, vector<1x16xf32>,
        %get3A_614 = vector.shape_cast %get3A_613 : vector<1x16xf32> to vector<16xf32>
        %mul3A_615 = arith.mulf %get3A_47, %get3A_614 : vector<16xf32>
        %get3A_616 = arith.index_cast %scan3A_547 : i32 to index
        %get3A_617 = arith.constant 64 : index
        %get3A_618 = tpu.vector_load %arg13[%get3A_616, %get3A_617] {strides = array<i32>} : memref<32x512xf32, #tpu.memory_space<vmem>>, vector<1x16xf32>,
        %get3A_619 = vector.shape_cast %get3A_618 : vector<1x16xf32> to vector<16xf32>
        %mul3A_620 = arith.mulf %get3A_50, %get3A_619 : vector<16xf32>
        %add3A_621 = arith.addf %mul3A_615, %mul3A_620 : vector<16xf32>
        %swap3A_622 = arith.index_cast %scan3A_547 : i32 to index
        %swap3A_623 = arith.constant 64 : index
        %swap3A_624 = tpu.vector_load %arg15[%swap3A_622, %swap3A_623] {strides = array<i32>} : memref<32x512xf32, #tpu.memory_space<vmem>>, vector<1x16xf32>,
        %swap3A_625 = vector.shape_cast %swap3A_624 : vector<1x16xf32> to vector<16xf32>
        %swap3A_626 = vector.shape_cast %add3A_621 : vector<16xf32> to vector<1x16xf32>
        tpu.vector_store %arg15[%swap3A_622, %swap3A_623], %swap3A_626 {strides = array<i32>} : memref<32x512xf32, #tpu.memory_space<vmem>>, vector<1x16xf32>,
        %get3A_627 = arith.index_cast %scan3A_547 : i32 to index
        %get3A_628 = arith.constant 80 : index
        %get3A_629 = tpu.vector_load %arg11[%get3A_627, %get3A_628] {strides = array<i32>} : memref<32x512xf32, #tpu.memory_space<vmem>>, vector<1x16xf32>,
        %get3A_630 = vector.shape_cast %get3A_629 : vector<1x16xf32> to vector<16xf32>
        %mul3A_631 = arith.mulf %get3A_47, %get3A_630 : vector<16xf32>
        %get3A_632 = arith.index_cast %scan3A_547 : i32 to index
        %get3A_633 = arith.constant 80 : index
        %get3A_634 = tpu.vector_load %arg13[%get3A_632, %get3A_633] {strides = array<i32>} : memref<32x512xf32, #tpu.memory_space<vmem>>, vector<1x16xf32>,
        %get3A_635 = vector.shape_cast %get3A_634 : vector<1x16xf32> to vector<16xf32>
        %mul3A_636 = arith.mulf %get3A_50, %get3A_635 : vector<16xf32>
        %add3A_637 = arith.addf %mul3A_631, %mul3A_636 : vector<16xf32>
        %swap3A_638 = arith.index_cast %scan3A_547 : i32 to index
        %swap3A_639 = arith.constant 80 : index
        %swap3A_640 = tpu.vector_load %arg15[%swap3A_638, %swap3A_639] {strides = array<i32>} : memref<32x512xf32, #tpu.memory_space<vmem>>, vector<1x16xf32>,
        %swap3A_641 = vector.shape_cast %swap3A_640 : vector<1x16xf32> to vector<16xf32>
        %swap3A_642 = vector.shape_cast %add3A_637 : vector<16xf32> to vector<1x16xf32>
        tpu.vector_store %arg15[%swap3A_638, %swap3A_639], %swap3A_642 {strides = array<i32>} : memref<32x512xf32, #tpu.memory_space<vmem>>, vector<1x16xf32>,
        %get3A_643 = arith.index_cast %scan3A_547 : i32 to index
        %get3A_644 = arith.constant 96 : index
        %get3A_645 = tpu.vector_load %arg11[%get3A_643, %get3A_644] {strides = array<i32>} : memref<32x512xf32, #tpu.memory_space<vmem>>, vector<1x16xf32>,
        %get3A_646 = vector.shape_cast %get3A_645 : vector<1x16xf32> to vector<16xf32>
        %mul3A_647 = arith.mulf %get3A_47, %get3A_646 : vector<16xf32>
        %get3A_648 = arith.index_cast %scan3A_547 : i32 to index
        %get3A_649 = arith.constant 96 : index
        %get3A_650 = tpu.vector_load %arg13[%get3A_648, %get3A_649] {strides = array<i32>} : memref<32x512xf32, #tpu.memory_space<vmem>>, vector<1x16xf32>,
        %get3A_651 = vector.shape_cast %get3A_650 : vector<1x16xf32> to vector<16xf32>
        %mul3A_652 = arith.mulf %get3A_50, %get3A_651 : vector<16xf32>
        %add3A_653 = arith.addf %mul3A_647, %mul3A_652 : vector<16xf32>
        %swap3A_654 = arith.index_cast %scan3A_547 : i32 to index
        %swap3A_655 = arith.constant 96 : index
        %swap3A_656 = tpu.vector_load %arg15[%swap3A_654, %swap3A_655] {strides = array<i32>} : memref<32x512xf32, #tpu.memory_space<vmem>>, vector<1x16xf32>,
        %swap3A_657 = vector.shape_cast %swap3A_656 : vector<1x16xf32> to vector<16xf32>
        %swap3A_658 = vector.shape_cast %add3A_653 : vector<16xf32> to vector<1x16xf32>
        tpu.vector_store %arg15[%swap3A_654, %swap3A_655], %swap3A_658 {strides = array<i32>} : memref<32x512xf32, #tpu.memory_space<vmem>>, vector<1x16xf32>,
        %get3A_659 = arith.index_cast %scan3A_547 : i32 to index
        %get3A_660 = arith.constant 112 : index
        %get3A_661 = tpu.vector_load %arg11[%get3A_659, %get3A_660] {strides = array<i32>} : memref<32x512xf32, #tpu.memory_space<vmem>>, vector<1x16xf32>,
        %get3A_662 = vector.shape_cast %get3A_661 : vector<1x16xf32> to vector<16xf32>
        %mul3A_663 = arith.mulf %get3A_47, %get3A_662 : vector<16xf32>
        %get3A_664 = arith.index_cast %scan3A_547 : i32 to index
        %get3A_665 = arith.constant 112 : index
        %get3A_666 = tpu.vector_load %arg13[%get3A_664, %get3A_665] {strides = array<i32>} : memref<32x512xf32, #tpu.memory_space<vmem>>, vector<1x16xf32>,
        %get3A_667 = vector.shape_cast %get3A_666 : vector<1x16xf32> to vector<16xf32>
        %mul3A_668 = arith.mulf %get3A_50, %get3A_667 : vector<16xf32>
        %add3A_669 = arith.addf %mul3A_663, %mul3A_668 : vector<16xf32>
        %swap3A_670 = arith.index_cast %scan3A_547 : i32 to index
        %swap3A_671 = arith.constant 112 : index
        %swap3A_672 = tpu.vector_load %arg15[%swap3A_670, %swap3A_671] {strides = array<i32>} : memref<32x512xf32, #tpu.memory_space<vmem>>, vector<1x16xf32>,
        %swap3A_673 = vector.shape_cast %swap3A_672 : vector<1x16xf32> to vector<16xf32>
        %swap3A_674 = vector.shape_cast %add3A_669 : vector<16xf32> to vector<1x16xf32>
        tpu.vector_store %arg15[%swap3A_670, %swap3A_671], %swap3A_674 {strides = array<i32>} : memref<32x512xf32, #tpu.memory_space<vmem>>, vector<1x16xf32>,
        %get3A_675 = arith.index_cast %scan3A_547 : i32 to index
        %get3A_676 = arith.constant 128 : index
        %get3A_677 = tpu.vector_load %arg11[%get3A_675, %get3A_676] {strides = array<i32>} : memref<32x512xf32, #tpu.memory_space<vmem>>, vector<1x16xf32>,
        %get3A_678 = vector.shape_cast %get3A_677 : vector<1x16xf32> to vector<16xf32>
        %mul3A_679 = arith.mulf %get3A_47, %get3A_678 : vector<16xf32>
        %get3A_680 = arith.index_cast %scan3A_547 : i32 to index
        %get3A_681 = arith.constant 128 : index
        %get3A_682 = tpu.vector_load %arg13[%get3A_680, %get3A_681] {strides = array<i32>} : memref<32x512xf32, #tpu.memory_space<vmem>>, vector<1x16xf32>,
        %get3A_683 = vector.shape_cast %get3A_682 : vector<1x16xf32> to vector<16xf32>
        %mul3A_684 = arith.mulf %get3A_50, %get3A_683 : vector<16xf32>
        %add3A_685 = arith.addf %mul3A_679, %mul3A_684 : vector<16xf32>
        %swap3A_686 = arith.index_cast %scan3A_547 : i32 to index
        %swap3A_687 = arith.constant 128 : index
        %swap3A_688 = tpu.vector_load %arg15[%swap3A_686, %swap3A_687] {strides = array<i32>} : memref<32x512xf32, #tpu.memory_space<vmem>>, vector<1x16xf32>,
        %swap3A_689 = vector.shape_cast %swap3A_688 : vector<1x16xf32> to vector<16xf32>
        %swap3A_690 = vector.shape_cast %add3A_685 : vector<16xf32> to vector<1x16xf32>
        tpu.vector_store %arg15[%swap3A_686, %swap3A_687], %swap3A_690 {strides = array<i32>} : memref<32x512xf32, #tpu.memory_space<vmem>>, vector<1x16xf32>,
        %get3A_691 = arith.index_cast %scan3A_547 : i32 to index
        %get3A_692 = arith.constant 144 : index
        %get3A_693 = tpu.vector_load %arg11[%get3A_691, %get3A_692] {strides = array<i32>} : memref<32x512xf32, #tpu.memory_space<vmem>>, vector<1x16xf32>,
        %get3A_694 = vector.shape_cast %get3A_693 : vector<1x16xf32> to vector<16xf32>
        %mul3A_695 = arith.mulf %get3A_47, %get3A_694 : vector<16xf32>
        %get3A_696 = arith.index_cast %scan3A_547 : i32 to index
        %get3A_697 = arith.constant 144 : index
        %get3A_698 = tpu.vector_load %arg13[%get3A_696, %get3A_697] {strides = array<i32>} : memref<32x512xf32, #tpu.memory_space<vmem>>, vector<1x16xf32>,
        %get3A_699 = vector.shape_cast %get3A_698 : vector<1x16xf32> to vector<16xf32>
        %mul3A_700 = arith.mulf %get3A_50, %get3A_699 : vector<16xf32>
        %add3A_701 = arith.addf %mul3A_695, %mul3A_700 : vector<16xf32>
        %swap3A_702 = arith.index_cast %scan3A_547 : i32 to index
        %swap3A_703 = arith.constant 144 : index
        %swap3A_704 = tpu.vector_load %arg15[%swap3A_702, %swap3A_703] {strides = array<i32>} : memref<32x512xf32, #tpu.memory_space<vmem>>, vector<1x16xf32>,
        %swap3A_705 = vector.shape_cast %swap3A_704 : vector<1x16xf32> to vector<16xf32>
        %swap3A_706 = vector.shape_cast %add3A_701 : vector<16xf32> to vector<1x16xf32>
        tpu.vector_store %arg15[%swap3A_702, %swap3A_703], %swap3A_706 {strides = array<i32>} : memref<32x512xf32, #tpu.memory_space<vmem>>, vector<1x16xf32>,
        %get3A_707 = arith.index_cast %scan3A_547 : i32 to index
        %get3A_708 = arith.constant 160 : index
        %get3A_709 = tpu.vector_load %arg11[%get3A_707, %get3A_708] {strides = array<i32>} : memref<32x512xf32, #tpu.memory_space<vmem>>, vector<1x16xf32>,
        %get3A_710 = vector.shape_cast %get3A_709 : vector<1x16xf32> to vector<16xf32>
        %mul3A_711 = arith.mulf %get3A_47, %get3A_710 : vector<16xf32>
        %get3A_712 = arith.index_cast %scan3A_547 : i32 to index
        %get3A_713 = arith.constant 160 : index
        %get3A_714 = tpu.vector_load %arg13[%get3A_712, %get3A_713] {strides = array<i32>} : memref<32x512xf32, #tpu.memory_space<vmem>>, vector<1x16xf32>,
        %get3A_715 = vector.shape_cast %get3A_714 : vector<1x16xf32> to vector<16xf32>
        %mul3A_716 = arith.mulf %get3A_50, %get3A_715 : vector<16xf32>
        %add3A_717 = arith.addf %mul3A_711, %mul3A_716 : vector<16xf32>
        %swap3A_718 = arith.index_cast %scan3A_547 : i32 to index
        %swap3A_719 = arith.constant 160 : index
        %swap3A_720 = tpu.vector_load %arg15[%swap3A_718, %swap3A_719] {strides = array<i32>} : memref<32x512xf32, #tpu.memory_space<vmem>>, vector<1x16xf32>,
        %swap3A_721 = vector.shape_cast %swap3A_720 : vector<1x16xf32> to vector<16xf32>
        %swap3A_722 = vector.shape_cast %add3A_717 : vector<16xf32> to vector<1x16xf32>
        tpu.vector_store %arg15[%swap3A_718, %swap3A_719], %swap3A_722 {strides = array<i32>} : memref<32x512xf32, #tpu.memory_space<vmem>>, vector<1x16xf32>,
        %get3A_723 = arith.index_cast %scan3A_547 : i32 to index
        %get3A_724 = arith.constant 176 : index
        %get3A_725 = tpu.vector_load %arg11[%get3A_723, %get3A_724] {strides = array<i32>} : memref<32x512xf32, #tpu.memory_space<vmem>>, vector<1x16xf32>,
        %get3A_726 = vector.shape_cast %get3A_725 : vector<1x16xf32> to vector<16xf32>
        %mul3A_727 = arith.mulf %get3A_47, %get3A_726 : vector<16xf32>
        %get3A_728 = arith.index_cast %scan3A_547 : i32 to index
        %get3A_729 = arith.constant 176 : index
        %get3A_730 = tpu.vector_load %arg13[%get3A_728, %get3A_729] {strides = array<i32>} : memref<32x512xf32, #tpu.memory_space<vmem>>, vector<1x16xf32>,
        %get3A_731 = vector.shape_cast %get3A_730 : vector<1x16xf32> to vector<16xf32>
        %mul3A_732 = arith.mulf %get3A_50, %get3A_731 : vector<16xf32>
        %add3A_733 = arith.addf %mul3A_727, %mul3A_732 : vector<16xf32>
        %swap3A_734 = arith.index_cast %scan3A_547 : i32 to index
        %swap3A_735 = arith.constant 176 : index
        %swap3A_736 = tpu.vector_load %arg15[%swap3A_734, %swap3A_735] {strides = array<i32>} : memref<32x512xf32, #tpu.memory_space<vmem>>, vector<1x16xf32>,
        %swap3A_737 = vector.shape_cast %swap3A_736 : vector<1x16xf32> to vector<16xf32>
        %swap3A_738 = vector.shape_cast %add3A_733 : vector<16xf32> to vector<1x16xf32>
        tpu.vector_store %arg15[%swap3A_734, %swap3A_735], %swap3A_738 {strides = array<i32>} : memref<32x512xf32, #tpu.memory_space<vmem>>, vector<1x16xf32>,
        %get3A_739 = arith.index_cast %scan3A_547 : i32 to index
        %get3A_740 = arith.constant 192 : index
        %get3A_741 = tpu.vector_load %arg11[%get3A_739, %get3A_740] {strides = array<i32>} : memref<32x512xf32, #tpu.memory_space<vmem>>, vector<1x16xf32>,
        %get3A_742 = vector.shape_cast %get3A_741 : vector<1x16xf32> to vector<16xf32>
        %mul3A_743 = arith.mulf %get3A_47, %get3A_742 : vector<16xf32>
        %get3A_744 = arith.index_cast %scan3A_547 : i32 to index
        %get3A_745 = arith.constant 192 : index
        %get3A_746 = tpu.vector_load %arg13[%get3A_744, %get3A_745] {strides = array<i32>} : memref<32x512xf32, #tpu.memory_space<vmem>>, vector<1x16xf32>,
        %get3A_747 = vector.shape_cast %get3A_746 : vector<1x16xf32> to vector<16xf32>
        %mul3A_748 = arith.mulf %get3A_50, %get3A_747 : vector<16xf32>
        %add3A_749 = arith.addf %mul3A_743, %mul3A_748 : vector<16xf32>
        %swap3A_750 = arith.index_cast %scan3A_547 : i32 to index
        %swap3A_751 = arith.constant 192 : index
        %swap3A_752 = tpu.vector_load %arg15[%swap3A_750, %swap3A_751] {strides = array<i32>} : memref<32x512xf32, #tpu.memory_space<vmem>>, vector<1x16xf32>,
        %swap3A_753 = vector.shape_cast %swap3A_752 : vector<1x16xf32> to vector<16xf32>
        %swap3A_754 = vector.shape_cast %add3A_749 : vector<16xf32> to vector<1x16xf32>
        tpu.vector_store %arg15[%swap3A_750, %swap3A_751], %swap3A_754 {strides = array<i32>} : memref<32x512xf32, #tpu.memory_space<vmem>>, vector<1x16xf32>,
        %get3A_755 = arith.index_cast %scan3A_547 : i32 to index
        %get3A_756 = arith.constant 208 : index
        %get3A_757 = tpu.vector_load %arg11[%get3A_755, %get3A_756] {strides = array<i32>} : memref<32x512xf32, #tpu.memory_space<vmem>>, vector<1x16xf32>,
        %get3A_758 = vector.shape_cast %get3A_757 : vector<1x16xf32> to vector<16xf32>
        %mul3A_759 = arith.mulf %get3A_47, %get3A_758 : vector<16xf32>
        %get3A_760 = arith.index_cast %scan3A_547 : i32 to index
        %get3A_761 = arith.constant 208 : index
        %get3A_762 = tpu.vector_load %arg13[%get3A_760, %get3A_761] {strides = array<i32>} : memref<32x512xf32, #tpu.memory_space<vmem>>, vector<1x16xf32>,
        %get3A_763 = vector.shape_cast %get3A_762 : vector<1x16xf32> to vector<16xf32>
        %mul3A_764 = arith.mulf %get3A_50, %get3A_763 : vector<16xf32>
        %add3A_765 = arith.addf %mul3A_759, %mul3A_764 : vector<16xf32>
        %swap3A_766 = arith.index_cast %scan3A_547 : i32 to index
        %swap3A_767 = arith.constant 208 : index
        %swap3A_768 = tpu.vector_load %arg15[%swap3A_766, %swap3A_767] {strides = array<i32>} : memref<32x512xf32, #tpu.memory_space<vmem>>, vector<1x16xf32>,
        %swap3A_769 = vector.shape_cast %swap3A_768 : vector<1x16xf32> to vector<16xf32>
        %swap3A_770 = vector.shape_cast %add3A_765 : vector<16xf32> to vector<1x16xf32>
        tpu.vector_store %arg15[%swap3A_766, %swap3A_767], %swap3A_770 {strides = array<i32>} : memref<32x512xf32, #tpu.memory_space<vmem>>, vector<1x16xf32>,
        %get3A_771 = arith.index_cast %scan3A_547 : i32 to index
        %get3A_772 = arith.constant 224 : index
        %get3A_773 = tpu.vector_load %arg11[%get3A_771, %get3A_772] {strides = array<i32>} : memref<32x512xf32, #tpu.memory_space<vmem>>, vector<1x16xf32>,
        %get3A_774 = vector.shape_cast %get3A_773 : vector<1x16xf32> to vector<16xf32>
        %mul3A_775 = arith.mulf %get3A_47, %get3A_774 : vector<16xf32>
        %get3A_776 = arith.index_cast %scan3A_547 : i32 to index
        %get3A_777 = arith.constant 224 : index
        %get3A_778 = tpu.vector_load %arg13[%get3A_776, %get3A_777] {strides = array<i32>} : memref<32x512xf32, #tpu.memory_space<vmem>>, vector<1x16xf32>,
        %get3A_779 = vector.shape_cast %get3A_778 : vector<1x16xf32> to vector<16xf32>
        %mul3A_780 = arith.mulf %get3A_50, %get3A_779 : vector<16xf32>
        %add3A_781 = arith.addf %mul3A_775, %mul3A_780 : vector<16xf32>
        %swap3A_782 = arith.index_cast %scan3A_547 : i32 to index
        %swap3A_783 = arith.constant 224 : index
        %swap3A_784 = tpu.vector_load %arg15[%swap3A_782, %swap3A_783] {strides = array<i32>} : memref<32x512xf32, #tpu.memory_space<vmem>>, vector<1x16xf32>,
        %swap3A_785 = vector.shape_cast %swap3A_784 : vector<1x16xf32> to vector<16xf32>
        %swap3A_786 = vector.shape_cast %add3A_781 : vector<16xf32> to vector<1x16xf32>
        tpu.vector_store %arg15[%swap3A_782, %swap3A_783], %swap3A_786 {strides = array<i32>} : memref<32x512xf32, #tpu.memory_space<vmem>>, vector<1x16xf32>,
        %get3A_787 = arith.index_cast %scan3A_547 : i32 to index
        %get3A_788 = arith.constant 240 : index
        %get3A_789 = tpu.vector_load %arg11[%get3A_787, %get3A_788] {strides = array<i32>} : memref<32x512xf32, #tpu.memory_space<vmem>>, vector<1x16xf32>,
        %get3A_790 = vector.shape_cast %get3A_789 : vector<1x16xf32> to vector<16xf32>
        %mul3A_791 = arith.mulf %get3A_47, %get3A_790 : vector<16xf32>
        %get3A_792 = arith.index_cast %scan3A_547 : i32 to index
        %get3A_793 = arith.constant 240 : index
        %get3A_794 = tpu.vector_load %arg13[%get3A_792, %get3A_793] {strides = array<i32>} : memref<32x512xf32, #tpu.memory_space<vmem>>, vector<1x16xf32>,
        %get3A_795 = vector.shape_cast %get3A_794 : vector<1x16xf32> to vector<16xf32>
        %mul3A_796 = arith.mulf %get3A_50, %get3A_795 : vector<16xf32>
        %add3A_797 = arith.addf %mul3A_791, %mul3A_796 : vector<16xf32>
        %swap3A_798 = arith.index_cast %scan3A_547 : i32 to index
        %swap3A_799 = arith.constant 240 : index
        %swap3A_800 = tpu.vector_load %arg15[%swap3A_798, %swap3A_799] {strides = array<i32>} : memref<32x512xf32, #tpu.memory_space<vmem>>, vector<1x16xf32>,
        %swap3A_801 = vector.shape_cast %swap3A_800 : vector<1x16xf32> to vector<16xf32>
        %swap3A_802 = vector.shape_cast %add3A_797 : vector<16xf32> to vector<1x16xf32>
        tpu.vector_store %arg15[%swap3A_798, %swap3A_799], %swap3A_802 {strides = array<i32>} : memref<32x512xf32, #tpu.memory_space<vmem>>, vector<1x16xf32>,
        %get3A_803 = arith.index_cast %scan3A_547 : i32 to index
        %get3A_804 = arith.constant 256 : index
        %get3A_805 = tpu.vector_load %arg11[%get3A_803, %get3A_804] {strides = array<i32>} : memref<32x512xf32, #tpu.memory_space<vmem>>, vector<1x16xf32>,
        %get3A_806 = vector.shape_cast %get3A_805 : vector<1x16xf32> to vector<16xf32>
        %mul3A_807 = arith.mulf %get3A_47, %get3A_806 : vector<16xf32>
        %get3A_808 = arith.index_cast %scan3A_547 : i32 to index
        %get3A_809 = arith.constant 256 : index
        %get3A_810 = tpu.vector_load %arg13[%get3A_808, %get3A_809] {strides = array<i32>} : memref<32x512xf32, #tpu.memory_space<vmem>>, vector<1x16xf32>,
        %get3A_811 = vector.shape_cast %get3A_810 : vector<1x16xf32> to vector<16xf32>
        %mul3A_812 = arith.mulf %get3A_50, %get3A_811 : vector<16xf32>
        %add3A_813 = arith.addf %mul3A_807, %mul3A_812 : vector<16xf32>
        %swap3A_814 = arith.index_cast %scan3A_547 : i32 to index
        %swap3A_815 = arith.constant 256 : index
        %swap3A_816 = tpu.vector_load %arg15[%swap3A_814, %swap3A_815] {strides = array<i32>} : memref<32x512xf32, #tpu.memory_space<vmem>>, vector<1x16xf32>,
        %swap3A_817 = vector.shape_cast %swap3A_816 : vector<1x16xf32> to vector<16xf32>
        %swap3A_818 = vector.shape_cast %add3A_813 : vector<16xf32> to vector<1x16xf32>
        tpu.vector_store %arg15[%swap3A_814, %swap3A_815], %swap3A_818 {strides = array<i32>} : memref<32x512xf32, #tpu.memory_space<vmem>>, vector<1x16xf32>,
        %get3A_819 = arith.index_cast %scan3A_547 : i32 to index
        %get3A_820 = arith.constant 272 : index
        %get3A_821 = tpu.vector_load %arg11[%get3A_819, %get3A_820] {strides = array<i32>} : memref<32x512xf32, #tpu.memory_space<vmem>>, vector<1x16xf32>,
        %get3A_822 = vector.shape_cast %get3A_821 : vector<1x16xf32> to vector<16xf32>
        %mul3A_823 = arith.mulf %get3A_47, %get3A_822 : vector<16xf32>
        %get3A_824 = arith.index_cast %scan3A_547 : i32 to index
        %get3A_825 = arith.constant 272 : index
        %get3A_826 = tpu.vector_load %arg13[%get3A_824, %get3A_825] {strides = array<i32>} : memref<32x512xf32, #tpu.memory_space<vmem>>, vector<1x16xf32>,
        %get3A_827 = vector.shape_cast %get3A_826 : vector<1x16xf32> to vector<16xf32>
        %mul3A_828 = arith.mulf %get3A_50, %get3A_827 : vector<16xf32>
        %add3A_829 = arith.addf %mul3A_823, %mul3A_828 : vector<16xf32>
        %swap3A_830 = arith.index_cast %scan3A_547 : i32 to index
        %swap3A_831 = arith.constant 272 : index
        %swap3A_832 = tpu.vector_load %arg15[%swap3A_830, %swap3A_831] {strides = array<i32>} : memref<32x512xf32, #tpu.memory_space<vmem>>, vector<1x16xf32>,
        %swap3A_833 = vector.shape_cast %swap3A_832 : vector<1x16xf32> to vector<16xf32>
        %swap3A_834 = vector.shape_cast %add3A_829 : vector<16xf32> to vector<1x16xf32>
        tpu.vector_store %arg15[%swap3A_830, %swap3A_831], %swap3A_834 {strides = array<i32>} : memref<32x512xf32, #tpu.memory_space<vmem>>, vector<1x16xf32>,
        %get3A_835 = arith.index_cast %scan3A_547 : i32 to index
        %get3A_836 = arith.constant 288 : index
        %get3A_837 = tpu.vector_load %arg11[%get3A_835, %get3A_836] {strides = array<i32>} : memref<32x512xf32, #tpu.memory_space<vmem>>, vector<1x16xf32>,
        %get3A_838 = vector.shape_cast %get3A_837 : vector<1x16xf32> to vector<16xf32>
        %mul3A_839 = arith.mulf %get3A_47, %get3A_838 : vector<16xf32>
        %get3A_840 = arith.index_cast %scan3A_547 : i32 to index
        %get3A_841 = arith.constant 288 : index
        %get3A_842 = tpu.vector_load %arg13[%get3A_840, %get3A_841] {strides = array<i32>} : memref<32x512xf32, #tpu.memory_space<vmem>>, vector<1x16xf32>,
        %get3A_843 = vector.shape_cast %get3A_842 : vector<1x16xf32> to vector<16xf32>
        %mul3A_844 = arith.mulf %get3A_50, %get3A_843 : vector<16xf32>
        %add3A_845 = arith.addf %mul3A_839, %mul3A_844 : vector<16xf32>
        %swap3A_846 = arith.index_cast %scan3A_547 : i32 to index
        %swap3A_847 = arith.constant 288 : index
        %swap3A_848 = tpu.vector_load %arg15[%swap3A_846, %swap3A_847] {strides = array<i32>} : memref<32x512xf32, #tpu.memory_space<vmem>>, vector<1x16xf32>,
        %swap3A_849 = vector.shape_cast %swap3A_848 : vector<1x16xf32> to vector<16xf32>
        %swap3A_850 = vector.shape_cast %add3A_845 : vector<16xf32> to vector<1x16xf32>
        tpu.vector_store %arg15[%swap3A_846, %swap3A_847], %swap3A_850 {strides = array<i32>} : memref<32x512xf32, #tpu.memory_space<vmem>>, vector<1x16xf32>,
        %get3A_851 = arith.index_cast %scan3A_547 : i32 to index
        %get3A_852 = arith.constant 304 : index
        %get3A_853 = tpu.vector_load %arg11[%get3A_851, %get3A_852] {strides = array<i32>} : memref<32x512xf32, #tpu.memory_space<vmem>>, vector<1x16xf32>,
        %get3A_854 = vector.shape_cast %get3A_853 : vector<1x16xf32> to vector<16xf32>
        %mul3A_855 = arith.mulf %get3A_47, %get3A_854 : vector<16xf32>
        %get3A_856 = arith.index_cast %scan3A_547 : i32 to index
        %get3A_857 = arith.constant 304 : index
        %get3A_858 = tpu.vector_load %arg13[%get3A_856, %get3A_857] {strides = array<i32>} : memref<32x512xf32, #tpu.memory_space<vmem>>, vector<1x16xf32>,
        %get3A_859 = vector.shape_cast %get3A_858 : vector<1x16xf32> to vector<16xf32>
        %mul3A_860 = arith.mulf %get3A_50, %get3A_859 : vector<16xf32>
        %add3A_861 = arith.addf %mul3A_855, %mul3A_860 : vector<16xf32>
        %swap3A_862 = arith.index_cast %scan3A_547 : i32 to index
        %swap3A_863 = arith.constant 304 : index
        %swap3A_864 = tpu.vector_load %arg15[%swap3A_862, %swap3A_863] {strides = array<i32>} : memref<32x512xf32, #tpu.memory_space<vmem>>, vector<1x16xf32>,
        %swap3A_865 = vector.shape_cast %swap3A_864 : vector<1x16xf32> to vector<16xf32>
        %swap3A_866 = vector.shape_cast %add3A_861 : vector<16xf32> to vector<1x16xf32>
        tpu.vector_store %arg15[%swap3A_862, %swap3A_863], %swap3A_866 {strides = array<i32>} : memref<32x512xf32, #tpu.memory_space<vmem>>, vector<1x16xf32>,
        %get3A_867 = arith.index_cast %scan3A_547 : i32 to index
        %get3A_868 = arith.constant 320 : index
        %get3A_869 = tpu.vector_load %arg11[%get3A_867, %get3A_868] {strides = array<i32>} : memref<32x512xf32, #tpu.memory_space<vmem>>, vector<1x16xf32>,
        %get3A_870 = vector.shape_cast %get3A_869 : vector<1x16xf32> to vector<16xf32>
        %mul3A_871 = arith.mulf %get3A_47, %get3A_870 : vector<16xf32>
        %get3A_872 = arith.index_cast %scan3A_547 : i32 to index
        %get3A_873 = arith.constant 320 : index
        %get3A_874 = tpu.vector_load %arg13[%get3A_872, %get3A_873] {strides = array<i32>} : memref<32x512xf32, #tpu.memory_space<vmem>>, vector<1x16xf32>,
        %get3A_875 = vector.shape_cast %get3A_874 : vector<1x16xf32> to vector<16xf32>
        %mul3A_876 = arith.mulf %get3A_50, %get3A_875 : vector<16xf32>
        %add3A_877 = arith.addf %mul3A_871, %mul3A_876 : vector<16xf32>
        %swap3A_878 = arith.index_cast %scan3A_547 : i32 to index
        %swap3A_879 = arith.constant 320 : index
        %swap3A_880 = tpu.vector_load %arg15[%swap3A_878, %swap3A_879] {strides = array<i32>} : memref<32x512xf32, #tpu.memory_space<vmem>>, vector<1x16xf32>,
        %swap3A_881 = vector.shape_cast %swap3A_880 : vector<1x16xf32> to vector<16xf32>
        %swap3A_882 = vector.shape_cast %add3A_877 : vector<16xf32> to vector<1x16xf32>
        tpu.vector_store %arg15[%swap3A_878, %swap3A_879], %swap3A_882 {strides = array<i32>} : memref<32x512xf32, #tpu.memory_space<vmem>>, vector<1x16xf32>,
        %get3A_883 = arith.index_cast %scan3A_547 : i32 to index
        %get3A_884 = arith.constant 336 : index
        %get3A_885 = tpu.vector_load %arg11[%get3A_883, %get3A_884] {strides = array<i32>} : memref<32x512xf32, #tpu.memory_space<vmem>>, vector<1x16xf32>,
        %get3A_886 = vector.shape_cast %get3A_885 : vector<1x16xf32> to vector<16xf32>
        %mul3A_887 = arith.mulf %get3A_47, %get3A_886 : vector<16xf32>
        %get3A_888 = arith.index_cast %scan3A_547 : i32 to index
        %get3A_889 = arith.constant 336 : index
        %get3A_890 = tpu.vector_load %arg13[%get3A_888, %get3A_889] {strides = array<i32>} : memref<32x512xf32, #tpu.memory_space<vmem>>, vector<1x16xf32>,
        %get3A_891 = vector.shape_cast %get3A_890 : vector<1x16xf32> to vector<16xf32>
        %mul3A_892 = arith.mulf %get3A_50, %get3A_891 : vector<16xf32>
        %add3A_893 = arith.addf %mul3A_887, %mul3A_892 : vector<16xf32>
        %swap3A_894 = arith.index_cast %scan3A_547 : i32 to index
        %swap3A_895 = arith.constant 336 : index
        %swap3A_896 = tpu.vector_load %arg15[%swap3A_894, %swap3A_895] {strides = array<i32>} : memref<32x512xf32, #tpu.memory_space<vmem>>, vector<1x16xf32>,
        %swap3A_897 = vector.shape_cast %swap3A_896 : vector<1x16xf32> to vector<16xf32>
        %swap3A_898 = vector.shape_cast %add3A_893 : vector<16xf32> to vector<1x16xf32>
        tpu.vector_store %arg15[%swap3A_894, %swap3A_895], %swap3A_898 {strides = array<i32>} : memref<32x512xf32, #tpu.memory_space<vmem>>, vector<1x16xf32>,
        %get3A_899 = arith.index_cast %scan3A_547 : i32 to index
        %get3A_900 = arith.constant 352 : index
        %get3A_901 = tpu.vector_load %arg11[%get3A_899, %get3A_900] {strides = array<i32>} : memref<32x512xf32, #tpu.memory_space<vmem>>, vector<1x16xf32>,
        %get3A_902 = vector.shape_cast %get3A_901 : vector<1x16xf32> to vector<16xf32>
        %mul3A_903 = arith.mulf %get3A_47, %get3A_902 : vector<16xf32>
        %get3A_904 = arith.index_cast %scan3A_547 : i32 to index
        %get3A_905 = arith.constant 352 : index
        %get3A_906 = tpu.vector_load %arg13[%get3A_904, %get3A_905] {strides = array<i32>} : memref<32x512xf32, #tpu.memory_space<vmem>>, vector<1x16xf32>,
        %get3A_907 = vector.shape_cast %get3A_906 : vector<1x16xf32> to vector<16xf32>
        %mul3A_908 = arith.mulf %get3A_50, %get3A_907 : vector<16xf32>
        %add3A_909 = arith.addf %mul3A_903, %mul3A_908 : vector<16xf32>
        %swap3A_910 = arith.index_cast %scan3A_547 : i32 to index
        %swap3A_911 = arith.constant 352 : index
        %swap3A_912 = tpu.vector_load %arg15[%swap3A_910, %swap3A_911] {strides = array<i32>} : memref<32x512xf32, #tpu.memory_space<vmem>>, vector<1x16xf32>,
        %swap3A_913 = vector.shape_cast %swap3A_912 : vector<1x16xf32> to vector<16xf32>
        %swap3A_914 = vector.shape_cast %add3A_909 : vector<16xf32> to vector<1x16xf32>
        tpu.vector_store %arg15[%swap3A_910, %swap3A_911], %swap3A_914 {strides = array<i32>} : memref<32x512xf32, #tpu.memory_space<vmem>>, vector<1x16xf32>,
        %get3A_915 = arith.index_cast %scan3A_547 : i32 to index
        %get3A_916 = arith.constant 368 : index
        %get3A_917 = tpu.vector_load %arg11[%get3A_915, %get3A_916] {strides = array<i32>} : memref<32x512xf32, #tpu.memory_space<vmem>>, vector<1x16xf32>,
        %get3A_918 = vector.shape_cast %get3A_917 : vector<1x16xf32> to vector<16xf32>
        %mul3A_919 = arith.mulf %get3A_47, %get3A_918 : vector<16xf32>
        %get3A_920 = arith.index_cast %scan3A_547 : i32 to index
        %get3A_921 = arith.constant 368 : index
        %get3A_922 = tpu.vector_load %arg13[%get3A_920, %get3A_921] {strides = array<i32>} : memref<32x512xf32, #tpu.memory_space<vmem>>, vector<1x16xf32>,
        %get3A_923 = vector.shape_cast %get3A_922 : vector<1x16xf32> to vector<16xf32>
        %mul3A_924 = arith.mulf %get3A_50, %get3A_923 : vector<16xf32>
        %add3A_925 = arith.addf %mul3A_919, %mul3A_924 : vector<16xf32>
        %swap3A_926 = arith.index_cast %scan3A_547 : i32 to index
        %swap3A_927 = arith.constant 368 : index
        %swap3A_928 = tpu.vector_load %arg15[%swap3A_926, %swap3A_927] {strides = array<i32>} : memref<32x512xf32, #tpu.memory_space<vmem>>, vector<1x16xf32>,
        %swap3A_929 = vector.shape_cast %swap3A_928 : vector<1x16xf32> to vector<16xf32>
        %swap3A_930 = vector.shape_cast %add3A_925 : vector<16xf32> to vector<1x16xf32>
        tpu.vector_store %arg15[%swap3A_926, %swap3A_927], %swap3A_930 {strides = array<i32>} : memref<32x512xf32, #tpu.memory_space<vmem>>, vector<1x16xf32>,
        %get3A_931 = arith.index_cast %scan3A_547 : i32 to index
        %get3A_932 = arith.constant 384 : index
        %get3A_933 = tpu.vector_load %arg11[%get3A_931, %get3A_932] {strides = array<i32>} : memref<32x512xf32, #tpu.memory_space<vmem>>, vector<1x16xf32>,
        %get3A_934 = vector.shape_cast %get3A_933 : vector<1x16xf32> to vector<16xf32>
        %mul3A_935 = arith.mulf %get3A_47, %get3A_934 : vector<16xf32>
        %get3A_936 = arith.index_cast %scan3A_547 : i32 to index
        %get3A_937 = arith.constant 384 : index
        %get3A_938 = tpu.vector_load %arg13[%get3A_936, %get3A_937] {strides = array<i32>} : memref<32x512xf32, #tpu.memory_space<vmem>>, vector<1x16xf32>,
        %get3A_939 = vector.shape_cast %get3A_938 : vector<1x16xf32> to vector<16xf32>
        %mul3A_940 = arith.mulf %get3A_50, %get3A_939 : vector<16xf32>
        %add3A_941 = arith.addf %mul3A_935, %mul3A_940 : vector<16xf32>
        %swap3A_942 = arith.index_cast %scan3A_547 : i32 to index
        %swap3A_943 = arith.constant 384 : index
        %swap3A_944 = tpu.vector_load %arg15[%swap3A_942, %swap3A_943] {strides = array<i32>} : memref<32x512xf32, #tpu.memory_space<vmem>>, vector<1x16xf32>,
        %swap3A_945 = vector.shape_cast %swap3A_944 : vector<1x16xf32> to vector<16xf32>
        %swap3A_946 = vector.shape_cast %add3A_941 : vector<16xf32> to vector<1x16xf32>
        tpu.vector_store %arg15[%swap3A_942, %swap3A_943], %swap3A_946 {strides = array<i32>} : memref<32x512xf32, #tpu.memory_space<vmem>>, vector<1x16xf32>,
        %get3A_947 = arith.index_cast %scan3A_547 : i32 to index
        %get3A_948 = arith.constant 400 : index
        %get3A_949 = tpu.vector_load %arg11[%get3A_947, %get3A_948] {strides = array<i32>} : memref<32x512xf32, #tpu.memory_space<vmem>>, vector<1x16xf32>,
        %get3A_950 = vector.shape_cast %get3A_949 : vector<1x16xf32> to vector<16xf32>
        %mul3A_951 = arith.mulf %get3A_47, %get3A_950 : vector<16xf32>
        %get3A_952 = arith.index_cast %scan3A_547 : i32 to index
        %get3A_953 = arith.constant 400 : index
        %get3A_954 = tpu.vector_load %arg13[%get3A_952, %get3A_953] {strides = array<i32>} : memref<32x512xf32, #tpu.memory_space<vmem>>, vector<1x16xf32>,
        %get3A_955 = vector.shape_cast %get3A_954 : vector<1x16xf32> to vector<16xf32>
        %mul3A_956 = arith.mulf %get3A_50, %get3A_955 : vector<16xf32>
        %add3A_957 = arith.addf %mul3A_951, %mul3A_956 : vector<16xf32>
        %swap3A_958 = arith.index_cast %scan3A_547 : i32 to index
        %swap3A_959 = arith.constant 400 : index
        %swap3A_960 = tpu.vector_load %arg15[%swap3A_958, %swap3A_959] {strides = array<i32>} : memref<32x512xf32, #tpu.memory_space<vmem>>, vector<1x16xf32>,
        %swap3A_961 = vector.shape_cast %swap3A_960 : vector<1x16xf32> to vector<16xf32>
        %swap3A_962 = vector.shape_cast %add3A_957 : vector<16xf32> to vector<1x16xf32>
        tpu.vector_store %arg15[%swap3A_958, %swap3A_959], %swap3A_962 {strides = array<i32>} : memref<32x512xf32, #tpu.memory_space<vmem>>, vector<1x16xf32>,
        %get3A_963 = arith.index_cast %scan3A_547 : i32 to index
        %get3A_964 = arith.constant 416 : index
        %get3A_965 = tpu.vector_load %arg11[%get3A_963, %get3A_964] {strides = array<i32>} : memref<32x512xf32, #tpu.memory_space<vmem>>, vector<1x16xf32>,
        %get3A_966 = vector.shape_cast %get3A_965 : vector<1x16xf32> to vector<16xf32>
        %mul3A_967 = arith.mulf %get3A_47, %get3A_966 : vector<16xf32>
        %get3A_968 = arith.index_cast %scan3A_547 : i32 to index
        %get3A_969 = arith.constant 416 : index
        %get3A_970 = tpu.vector_load %arg13[%get3A_968, %get3A_969] {strides = array<i32>} : memref<32x512xf32, #tpu.memory_space<vmem>>, vector<1x16xf32>,
        %get3A_971 = vector.shape_cast %get3A_970 : vector<1x16xf32> to vector<16xf32>
        %mul3A_972 = arith.mulf %get3A_50, %get3A_971 : vector<16xf32>
        %add3A_973 = arith.addf %mul3A_967, %mul3A_972 : vector<16xf32>
        %swap3A_974 = arith.index_cast %scan3A_547 : i32 to index
        %swap3A_975 = arith.constant 416 : index
        %swap3A_976 = tpu.vector_load %arg15[%swap3A_974, %swap3A_975] {strides = array<i32>} : memref<32x512xf32, #tpu.memory_space<vmem>>, vector<1x16xf32>,
        %swap3A_977 = vector.shape_cast %swap3A_976 : vector<1x16xf32> to vector<16xf32>
        %swap3A_978 = vector.shape_cast %add3A_973 : vector<16xf32> to vector<1x16xf32>
        tpu.vector_store %arg15[%swap3A_974, %swap3A_975], %swap3A_978 {strides = array<i32>} : memref<32x512xf32, #tpu.memory_space<vmem>>, vector<1x16xf32>,
        %get3A_979 = arith.index_cast %scan3A_547 : i32 to index
        %get3A_980 = arith.constant 432 : index
        %get3A_981 = tpu.vector_load %arg11[%get3A_979, %get3A_980] {strides = array<i32>} : memref<32x512xf32, #tpu.memory_space<vmem>>, vector<1x16xf32>,
        %get3A_982 = vector.shape_cast %get3A_981 : vector<1x16xf32> to vector<16xf32>
        %mul3A_983 = arith.mulf %get3A_47, %get3A_982 : vector<16xf32>
        %get3A_984 = arith.index_cast %scan3A_547 : i32 to index
        %get3A_985 = arith.constant 432 : index
        %get3A_986 = tpu.vector_load %arg13[%get3A_984, %get3A_985] {strides = array<i32>} : memref<32x512xf32, #tpu.memory_space<vmem>>, vector<1x16xf32>,
        %get3A_987 = vector.shape_cast %get3A_986 : vector<1x16xf32> to vector<16xf32>
        %mul3A_988 = arith.mulf %get3A_50, %get3A_987 : vector<16xf32>
        %add3A_989 = arith.addf %mul3A_983, %mul3A_988 : vector<16xf32>
        %swap3A_990 = arith.index_cast %scan3A_547 : i32 to index
        %swap3A_991 = arith.constant 432 : index
        %swap3A_992 = tpu.vector_load %arg15[%swap3A_990, %swap3A_991] {strides = array<i32>} : memref<32x512xf32, #tpu.memory_space<vmem>>, vector<1x16xf32>,
        %swap3A_993 = vector.shape_cast %swap3A_992 : vector<1x16xf32> to vector<16xf32>
        %swap3A_994 = vector.shape_cast %add3A_989 : vector<16xf32> to vector<1x16xf32>
        tpu.vector_store %arg15[%swap3A_990, %swap3A_991], %swap3A_994 {strides = array<i32>} : memref<32x512xf32, #tpu.memory_space<vmem>>, vector<1x16xf32>,
        %get3A_995 = arith.index_cast %scan3A_547 : i32 to index
        %get3A_996 = arith.constant 448 : index
        %get3A_997 = tpu.vector_load %arg11[%get3A_995, %get3A_996] {strides = array<i32>} : memref<32x512xf32, #tpu.memory_space<vmem>>, vector<1x16xf32>,
        %get3A_998 = vector.shape_cast %get3A_997 : vector<1x16xf32> to vector<16xf32>
        %mul3A_999 = arith.mulf %get3A_47, %get3A_998 : vector<16xf32>
        %get3A_1000 = arith.index_cast %scan3A_547 : i32 to index
        %get3A_1001 = arith.constant 448 : index
        %get3A_1002 = tpu.vector_load %arg13[%get3A_1000, %get3A_1001] {strides = array<i32>} : memref<32x512xf32, #tpu.memory_space<vmem>>, vector<1x16xf32>,
        %get3A_1003 = vector.shape_cast %get3A_1002 : vector<1x16xf32> to vector<16xf32>
        %mul3A_1004 = arith.mulf %get3A_50, %get3A_1003 : vector<16xf32>
        %add3A_1005 = arith.addf %mul3A_999, %mul3A_1004 : vector<16xf32>
        %swap3A_1006 = arith.index_cast %scan3A_547 : i32 to index
        %swap3A_1007 = arith.constant 448 : index
        %swap3A_1008 = tpu.vector_load %arg15[%swap3A_1006, %swap3A_1007] {strides = array<i32>} : memref<32x512xf32, #tpu.memory_space<vmem>>, vector<1x16xf32>,
        %swap3A_1009 = vector.shape_cast %swap3A_1008 : vector<1x16xf32> to vector<16xf32>
        %swap3A_1010 = vector.shape_cast %add3A_1005 : vector<16xf32> to vector<1x16xf32>
        tpu.vector_store %arg15[%swap3A_1006, %swap3A_1007], %swap3A_1010 {strides = array<i32>} : memref<32x512xf32, #tpu.memory_space<vmem>>, vector<1x16xf32>,
        %get3A_1011 = arith.index_cast %scan3A_547 : i32 to index
        %get3A_1012 = arith.constant 464 : index
        %get3A_1013 = tpu.vector_load %arg11[%get3A_1011, %get3A_1012] {strides = array<i32>} : memref<32x512xf32, #tpu.memory_space<vmem>>, vector<1x16xf32>,
        %get3A_1014 = vector.shape_cast %get3A_1013 : vector<1x16xf32> to vector<16xf32>
        %mul3A_1015 = arith.mulf %get3A_47, %get3A_1014 : vector<16xf32>
        %get3A_1016 = arith.index_cast %scan3A_547 : i32 to index
        %get3A_1017 = arith.constant 464 : index
        %get3A_1018 = tpu.vector_load %arg13[%get3A_1016, %get3A_1017] {strides = array<i32>} : memref<32x512xf32, #tpu.memory_space<vmem>>, vector<1x16xf32>,
        %get3A_1019 = vector.shape_cast %get3A_1018 : vector<1x16xf32> to vector<16xf32>
        %mul3A_1020 = arith.mulf %get3A_50, %get3A_1019 : vector<16xf32>
        %add3A_1021 = arith.addf %mul3A_1015, %mul3A_1020 : vector<16xf32>
        %swap3A_1022 = arith.index_cast %scan3A_547 : i32 to index
        %swap3A_1023 = arith.constant 464 : index
        %swap3A_1024 = tpu.vector_load %arg15[%swap3A_1022, %swap3A_1023] {strides = array<i32>} : memref<32x512xf32, #tpu.memory_space<vmem>>, vector<1x16xf32>,
        %swap3A_1025 = vector.shape_cast %swap3A_1024 : vector<1x16xf32> to vector<16xf32>
        %swap3A_1026 = vector.shape_cast %add3A_1021 : vector<16xf32> to vector<1x16xf32>
        tpu.vector_store %arg15[%swap3A_1022, %swap3A_1023], %swap3A_1026 {strides = array<i32>} : memref<32x512xf32, #tpu.memory_space<vmem>>, vector<1x16xf32>,
        %get3A_1027 = arith.index_cast %scan3A_547 : i32 to index
        %get3A_1028 = arith.constant 480 : index
        %get3A_1029 = tpu.vector_load %arg11[%get3A_1027, %get3A_1028] {strides = array<i32>} : memref<32x512xf32, #tpu.memory_space<vmem>>, vector<1x16xf32>,
        %get3A_1030 = vector.shape_cast %get3A_1029 : vector<1x16xf32> to vector<16xf32>
        %mul3A_1031 = arith.mulf %get3A_47, %get3A_1030 : vector<16xf32>
        %get3A_1032 = arith.index_cast %scan3A_547 : i32 to index
        %get3A_1033 = arith.constant 480 : index
        %get3A_1034 = tpu.vector_load %arg13[%get3A_1032, %get3A_1033] {strides = array<i32>} : memref<32x512xf32, #tpu.memory_space<vmem>>, vector<1x16xf32>,
        %get3A_1035 = vector.shape_cast %get3A_1034 : vector<1x16xf32> to vector<16xf32>
        %mul3A_1036 = arith.mulf %get3A_50, %get3A_1035 : vector<16xf32>
        %add3A_1037 = arith.addf %mul3A_1031, %mul3A_1036 : vector<16xf32>
        %swap3A_1038 = arith.index_cast %scan3A_547 : i32 to index
        %swap3A_1039 = arith.constant 480 : index
        %swap3A_1040 = tpu.vector_load %arg15[%swap3A_1038, %swap3A_1039] {strides = array<i32>} : memref<32x512xf32, #tpu.memory_space<vmem>>, vector<1x16xf32>,
        %swap3A_1041 = vector.shape_cast %swap3A_1040 : vector<1x16xf32> to vector<16xf32>
        %swap3A_1042 = vector.shape_cast %add3A_1037 : vector<16xf32> to vector<1x16xf32>
        tpu.vector_store %arg15[%swap3A_1038, %swap3A_1039], %swap3A_1042 {strides = array<i32>} : memref<32x512xf32, #tpu.memory_space<vmem>>, vector<1x16xf32>,
        %get3A_1043 = arith.index_cast %scan3A_547 : i32 to index
        %get3A_1044 = arith.constant 496 : index
        %get3A_1045 = tpu.vector_load %arg11[%get3A_1043, %get3A_1044] {strides = array<i32>} : memref<32x512xf32, #tpu.memory_space<vmem>>, vector<1x16xf32>,
        %get3A_1046 = vector.shape_cast %get3A_1045 : vector<1x16xf32> to vector<16xf32>
        %mul3A_1047 = arith.mulf %get3A_47, %get3A_1046 : vector<16xf32>
        %get3A_1048 = arith.index_cast %scan3A_547 : i32 to index
        %get3A_1049 = arith.constant 496 : index
        %get3A_1050 = tpu.vector_load %arg13[%get3A_1048, %get3A_1049] {strides = array<i32>} : memref<32x512xf32, #tpu.memory_space<vmem>>, vector<1x16xf32>,
        %get3A_1051 = vector.shape_cast %get3A_1050 : vector<1x16xf32> to vector<16xf32>
        %mul3A_1052 = arith.mulf %get3A_50, %get3A_1051 : vector<16xf32>
        %add3A_1053 = arith.addf %mul3A_1047, %mul3A_1052 : vector<16xf32>
        %swap3A_1054 = arith.index_cast %scan3A_547 : i32 to index
        %swap3A_1055 = arith.constant 496 : index
        %swap3A_1056 = tpu.vector_load %arg15[%swap3A_1054, %swap3A_1055] {strides = array<i32>} : memref<32x512xf32, #tpu.memory_space<vmem>>, vector<1x16xf32>,
        %swap3A_1057 = vector.shape_cast %swap3A_1056 : vector<1x16xf32> to vector<16xf32>
        %swap3A_1058 = vector.shape_cast %add3A_1053 : vector<16xf32> to vector<1x16xf32>
        tpu.vector_store %arg15[%swap3A_1054, %swap3A_1055], %swap3A_1058 {strides = array<i32>} : memref<32x512xf32, #tpu.memory_space<vmem>>, vector<1x16xf32>,
      }
      %scan3A_374 = arith.constant 32 : i32
      %mul3A_375 = arith.constant 384 : i32
      %mul3A_376 = arith.muli %select_n3A_32, %mul3A_375 : i32
      %mul3A_377 = arith.constant 32 : i32
      %mul3A_378 = arith.muli %mul3A_210, %mul3A_377 : i32
      %add3A_379 = arith.addi %mul3A_376, %mul3A_378 : i32
      %jit3A_380 = arith.constant 512 : i32
      %div3A_381 = arith.divsi %add3A_379, %jit3A_380 : i32
      %sign3A_382 = arith.constant 0 : i32
      %sign3A_383 = arith.cmpi sgt, %add3A_379, %sign3A_382 : i32
      %sign3A_384 = arith.extui %sign3A_383 : i1 to i32
      %sign3A_385 = arith.constant 0 : i32
      %sign3A_386 = arith.cmpi slt, %add3A_379, %sign3A_385 : i32
      %sign3A_387 = arith.extui %sign3A_386 : i1 to i32
      %sign3A_388 = arith.subi %sign3A_384, %sign3A_387 : i32
      %sign3A_389 = arith.constant 0 : i32
      %sign3A_390 = arith.cmpi sgt, %jit3A_380, %sign3A_389 : i32
      %sign3A_391 = arith.extui %sign3A_390 : i1 to i32
      %sign3A_392 = arith.constant 0 : i32
      %sign3A_393 = arith.cmpi slt, %jit3A_380, %sign3A_392 : i32
      %sign3A_394 = arith.extui %sign3A_393 : i1 to i32
      %sign3A_395 = arith.subi %sign3A_391, %sign3A_394 : i32
      %ne3A_396 = arith.cmpi ne, %sign3A_388, %sign3A_395 : i32
      %rem3A_397 = arith.remsi %add3A_379, %jit3A_380 : i32
      %ne3A_398 = arith.constant 0 : i32
      %ne3A_399 = arith.cmpi ne, %rem3A_397, %ne3A_398 : i32
      %and3A_400 = arith.andi %ne3A_396, %ne3A_399 : i1
      %sub3A_401 = arith.constant 1 : i32
      %sub3A_402 = arith.subi %div3A_381, %sub3A_401 : i32
      %select_n3A_403 = arith.select %and3A_400, %sub3A_402, %div3A_381 : i32
      %mul3A_404 = arith.constant 512 : i32
      %mul3A_405 = arith.muli %select_n3A_403, %mul3A_404 : i32
      %sub3A_406 = arith.subi %add3A_379, %mul3A_405 : i32
      %sub3A_407 = arith.constant 24 : i32
      %sub3A_408 = arith.subi %add3A_18, %sub3A_407 : i32
      %dma_start3A_409 = arith.constant 0 : i32
      %dma_start3A_410 = tpu.memref_slice %arg7[%sub3A_408, %select_n3A_403, %sub3A_406, %dma_start3A_409] : memref<8x3x512x512xf32, #tpu.memory_space<hbm>> -> memref<1x1x32x512xf32, #tpu.memory_space<hbm>>
      %dma_start3A_411 = tpu.memref_squeeze %dma_start3A_410 : memref<1x1x32x512xf32, #tpu.memory_space<hbm>> -> memref<32x512xf32, #tpu.memory_space<hbm>>
      %dma_start3A_412 = arith.constant 0 : i32
      %dma_start3A_413 = tpu.memref_slice %arg7[%sub3A_408, %select_n3A_403, %sub3A_406, %dma_start3A_412] : memref<8x3x512x512xf32, #tpu.memory_space<hbm>> -> memref<1x1x32x512xf32, #tpu.memory_space<hbm>>
      %dma_start3A_414 = tpu.memref_squeeze %dma_start3A_413 : memref<1x1x32x512xf32, #tpu.memory_space<hbm>> -> memref<32x512xf32, #tpu.memory_space<hbm>>
      tpu.enqueue_dma source(%arg15 : memref<32x512xf32, #tpu.memory_space<vmem>>) target(%dma_start3A_414 : memref<32x512xf32, #tpu.memory_space<hbm>>) target_semaphore(%arg22 : memref<!tpu.dma_semaphore, #tpu.memory_space<semaphore_mem>>)
      %mul3A_415 = arith.constant 384 : i32
      %mul3A_416 = arith.muli %select_n3A_32, %mul3A_415 : i32
      %mul3A_417 = arith.constant 32 : i32
      %mul3A_418 = arith.muli %add3A_212, %mul3A_417 : i32
      %add3A_419 = arith.addi %mul3A_416, %mul3A_418 : i32
      %jit3A_420 = arith.constant 512 : i32
      %div3A_421 = arith.divsi %add3A_419, %jit3A_420 : i32
      %sign3A_422 = arith.constant 0 : i32
      %sign3A_423 = arith.cmpi sgt, %add3A_419, %sign3A_422 : i32
      %sign3A_424 = arith.extui %sign3A_423 : i1 to i32
      %sign3A_425 = arith.constant 0 : i32
      %sign3A_426 = arith.cmpi slt, %add3A_419, %sign3A_425 : i32
      %sign3A_427 = arith.extui %sign3A_426 : i1 to i32
      %sign3A_428 = arith.subi %sign3A_424, %sign3A_427 : i32
      %sign3A_429 = arith.constant 0 : i32
      %sign3A_430 = arith.cmpi sgt, %jit3A_420, %sign3A_429 : i32
      %sign3A_431 = arith.extui %sign3A_430 : i1 to i32
      %sign3A_432 = arith.constant 0 : i32
      %sign3A_433 = arith.cmpi slt, %jit3A_420, %sign3A_432 : i32
      %sign3A_434 = arith.extui %sign3A_433 : i1 to i32
      %sign3A_435 = arith.subi %sign3A_431, %sign3A_434 : i32
      %ne3A_436 = arith.cmpi ne, %sign3A_428, %sign3A_435 : i32
      %rem3A_437 = arith.remsi %add3A_419, %jit3A_420 : i32
      %ne3A_438 = arith.constant 0 : i32
      %ne3A_439 = arith.cmpi ne, %rem3A_437, %ne3A_438 : i32
      %and3A_440 = arith.andi %ne3A_436, %ne3A_439 : i1
      %sub3A_441 = arith.constant 1 : i32
      %sub3A_442 = arith.subi %div3A_421, %sub3A_441 : i32
      %select_n3A_443 = arith.select %and3A_440, %sub3A_442, %div3A_421 : i32
      %mul3A_444 = arith.constant 512 : i32
      %mul3A_445 = arith.muli %select_n3A_443, %mul3A_444 : i32
      %sub3A_446 = arith.subi %add3A_419, %mul3A_445 : i32
      %dma_wait3A_447 = arith.constant 0 : i32
      %dma_wait3A_448 = tpu.memref_slice %arg2[%add3A_18, %select_n3A_443, %sub3A_446, %dma_wait3A_447] : memref<32x3x512x512xf32, #tpu.memory_space<hbm>> -> memref<1x1x32x512xf32, #tpu.memory_space<hbm>>
      %dma_wait3A_449 = tpu.memref_squeeze %dma_wait3A_448 : memref<1x1x32x512xf32, #tpu.memory_space<hbm>> -> memref<32x512xf32, #tpu.memory_space<hbm>>
      %dma_wait3A_450 = arith.constant 0 : i32
      %dma_wait3A_451 = tpu.memref_slice %arg2[%add3A_18, %select_n3A_443, %sub3A_446, %dma_wait3A_450] : memref<32x3x512x512xf32, #tpu.memory_space<hbm>> -> memref<1x1x32x512xf32, #tpu.memory_space<hbm>>
      %dma_wait3A_452 = tpu.memref_squeeze %dma_wait3A_451 : memref<1x1x32x512xf32, #tpu.memory_space<hbm>> -> memref<32x512xf32, #tpu.memory_space<hbm>>
      tpu.wait_dma2 semaphore(%arg19 : memref<!tpu.dma_semaphore, #tpu.memory_space<semaphore_mem>>) src(%dma_wait3A_452 : memref<32x512xf32, #tpu.memory_space<hbm>>) dst(%arg12 : memref<32x512xf32, #tpu.memory_space<vmem>>)
      %mul3A_453 = arith.constant 384 : i32
      %mul3A_454 = arith.muli %select_n3A_32, %mul3A_453 : i32
      %mul3A_455 = arith.constant 32 : i32
      %mul3A_456 = arith.muli %add3A_212, %mul3A_455 : i32
      %add3A_457 = arith.addi %mul3A_454, %mul3A_456 : i32
      %jit3A_458 = arith.constant 512 : i32
      %div3A_459 = arith.divsi %add3A_457, %jit3A_458 : i32
      %sign3A_460 = arith.constant 0 : i32
      %sign3A_461 = arith.cmpi sgt, %add3A_457, %sign3A_460 : i32
      %sign3A_462 = arith.extui %sign3A_461 : i1 to i32
      %sign3A_463 = arith.constant 0 : i32
      %sign3A_464 = arith.cmpi slt, %add3A_457, %sign3A_463 : i32
      %sign3A_465 = arith.extui %sign3A_464 : i1 to i32
      %sign3A_466 = arith.subi %sign3A_462, %sign3A_465 : i32
      %sign3A_467 = arith.constant 0 : i32
      %sign3A_468 = arith.cmpi sgt, %jit3A_458, %sign3A_467 : i32
      %sign3A_469 = arith.extui %sign3A_468 : i1 to i32
      %sign3A_470 = arith.constant 0 : i32
      %sign3A_471 = arith.cmpi slt, %jit3A_458, %sign3A_470 : i32
      %sign3A_472 = arith.extui %sign3A_471 : i1 to i32
      %sign3A_473 = arith.subi %sign3A_469, %sign3A_472 : i32
      %ne3A_474 = arith.cmpi ne, %sign3A_466, %sign3A_473 : i32
      %rem3A_475 = arith.remsi %add3A_457, %jit3A_458 : i32
      %ne3A_476 = arith.constant 0 : i32
      %ne3A_477 = arith.cmpi ne, %rem3A_475, %ne3A_476 : i32
      %and3A_478 = arith.andi %ne3A_474, %ne3A_477 : i1
      %sub3A_479 = arith.constant 1 : i32
      %sub3A_480 = arith.subi %div3A_459, %sub3A_479 : i32
      %select_n3A_481 = arith.select %and3A_478, %sub3A_480, %div3A_459 : i32
      %mul3A_482 = arith.constant 512 : i32
      %mul3A_483 = arith.muli %select_n3A_481, %mul3A_482 : i32
      %sub3A_484 = arith.subi %add3A_457, %mul3A_483 : i32
      %dma_wait3A_485 = arith.constant 0 : i32
      %dma_wait3A_486 = tpu.memref_slice %arg4[%add3A_18, %select_n3A_481, %sub3A_484, %dma_wait3A_485] : memref<32x3x512x512xf32, #tpu.memory_space<hbm>> -> memref<1x1x32x512xf32, #tpu.memory_space<hbm>>
      %dma_wait3A_487 = tpu.memref_squeeze %dma_wait3A_486 : memref<1x1x32x512xf32, #tpu.memory_space<hbm>> -> memref<32x512xf32, #tpu.memory_space<hbm>>
      %dma_wait3A_488 = arith.constant 0 : i32
      %dma_wait3A_489 = tpu.memref_slice %arg4[%add3A_18, %select_n3A_481, %sub3A_484, %dma_wait3A_488] : memref<32x3x512x512xf32, #tpu.memory_space<hbm>> -> memref<1x1x32x512xf32, #tpu.memory_space<hbm>>
      %dma_wait3A_490 = tpu.memref_squeeze %dma_wait3A_489 : memref<1x1x32x512xf32, #tpu.memory_space<hbm>> -> memref<32x512xf32, #tpu.memory_space<hbm>>
      tpu.wait_dma2 semaphore(%arg21 : memref<!tpu.dma_semaphore, #tpu.memory_space<semaphore_mem>>) src(%dma_wait3A_490 : memref<32x512xf32, #tpu.memory_space<hbm>>) dst(%arg14 : memref<32x512xf32, #tpu.memory_space<vmem>>)
      %lt3A_491 = arith.constant 12 : i32
      %lt3A_492 = arith.cmpi slt, %add3A_214, %lt3A_491 : i32
      %convert_element_type3A_493 = arith.extui %lt3A_492 : i1 to i32
      %cond3A_494 = arith.constant 0 : i32
      %cond3A_495 = arith.cmpi ne, %convert_element_type3A_493, %cond3A_494 : i32
      scf.if %cond3A_495 {
        %mul3A_547 = arith.constant 384 : i32
        %mul3A_548 = arith.muli %select_n3A_32, %mul3A_547 : i32
        %mul3A_549 = arith.constant 32 : i32
        %mul3A_550 = arith.muli %add3A_214, %mul3A_549 : i32
        %add3A_551 = arith.addi %mul3A_548, %mul3A_550 : i32
        %jit3A_552 = arith.constant 512 : i32
        %div3A_553 = arith.divsi %add3A_551, %jit3A_552 : i32
        %sign3A_554 = arith.constant 0 : i32
        %sign3A_555 = arith.cmpi sgt, %add3A_551, %sign3A_554 : i32
        %sign3A_556 = arith.extui %sign3A_555 : i1 to i32
        %sign3A_557 = arith.constant 0 : i32
        %sign3A_558 = arith.cmpi slt, %add3A_551, %sign3A_557 : i32
        %sign3A_559 = arith.extui %sign3A_558 : i1 to i32
        %sign3A_560 = arith.subi %sign3A_556, %sign3A_559 : i32
        %sign3A_561 = arith.constant 0 : i32
        %sign3A_562 = arith.cmpi sgt, %jit3A_552, %sign3A_561 : i32
        %sign3A_563 = arith.extui %sign3A_562 : i1 to i32
        %sign3A_564 = arith.constant 0 : i32
        %sign3A_565 = arith.cmpi slt, %jit3A_552, %sign3A_564 : i32
        %sign3A_566 = arith.extui %sign3A_565 : i1 to i32
        %sign3A_567 = arith.subi %sign3A_563, %sign3A_566 : i32
        %ne3A_568 = arith.cmpi ne, %sign3A_560, %sign3A_567 : i32
        %rem3A_569 = arith.remsi %add3A_551, %jit3A_552 : i32
        %ne3A_570 = arith.constant 0 : i32
        %ne3A_571 = arith.cmpi ne, %rem3A_569, %ne3A_570 : i32
        %and3A_572 = arith.andi %ne3A_568, %ne3A_571 : i1
        %sub3A_573 = arith.constant 1 : i32
        %sub3A_574 = arith.subi %div3A_553, %sub3A_573 : i32
        %select_n3A_575 = arith.select %and3A_572, %sub3A_574, %div3A_553 : i32
        %mul3A_576 = arith.constant 512 : i32
        %mul3A_577 = arith.muli %select_n3A_575, %mul3A_576 : i32
        %sub3A_578 = arith.subi %add3A_551, %mul3A_577 : i32
        %dma_start3A_579 = arith.constant 0 : i32
        %dma_start3A_580 = tpu.memref_slice %arg2[%add3A_18, %select_n3A_575, %sub3A_578, %dma_start3A_579] : memref<32x3x512x512xf32, #tpu.memory_space<hbm>> -> memref<1x1x32x512xf32, #tpu.memory_space<hbm>>
        %dma_start3A_581 = tpu.memref_squeeze %dma_start3A_580 : memref<1x1x32x512xf32, #tpu.memory_space<hbm>> -> memref<32x512xf32, #tpu.memory_space<hbm>>
        %dma_start3A_582 = arith.constant 0 : i32
        %dma_start3A_583 = tpu.memref_slice %arg2[%add3A_18, %select_n3A_575, %sub3A_578, %dma_start3A_582] : memref<32x3x512x512xf32, #tpu.memory_space<hbm>> -> memref<1x1x32x512xf32, #tpu.memory_space<hbm>>
        %dma_start3A_584 = tpu.memref_squeeze %dma_start3A_583 : memref<1x1x32x512xf32, #tpu.memory_space<hbm>> -> memref<32x512xf32, #tpu.memory_space<hbm>>
        tpu.enqueue_dma source(%dma_start3A_584 : memref<32x512xf32, #tpu.memory_space<hbm>>) target(%arg11 : memref<32x512xf32, #tpu.memory_space<vmem>>) target_semaphore(%arg18 : memref<!tpu.dma_semaphore, #tpu.memory_space<semaphore_mem>>)
        %mul3A_585 = arith.constant 384 : i32
        %mul3A_586 = arith.muli %select_n3A_32, %mul3A_585 : i32
        %mul3A_587 = arith.constant 32 : i32
        %mul3A_588 = arith.muli %add3A_214, %mul3A_587 : i32
        %add3A_589 = arith.addi %mul3A_586, %mul3A_588 : i32
        %jit3A_590 = arith.constant 512 : i32
        %div3A_591 = arith.divsi %add3A_589, %jit3A_590 : i32
        %sign3A_592 = arith.constant 0 : i32
        %sign3A_593 = arith.cmpi sgt, %add3A_589, %sign3A_592 : i32
        %sign3A_594 = arith.extui %sign3A_593 : i1 to i32
        %sign3A_595 = arith.constant 0 : i32
        %sign3A_596 = arith.cmpi slt, %add3A_589, %sign3A_595 : i32
        %sign3A_597 = arith.extui %sign3A_596 : i1 to i32
        %sign3A_598 = arith.subi %sign3A_594, %sign3A_597 : i32
        %sign3A_599 = arith.constant 0 : i32
        %sign3A_600 = arith.cmpi sgt, %jit3A_590, %sign3A_599 : i32
        %sign3A_601 = arith.extui %sign3A_600 : i1 to i32
        %sign3A_602 = arith.constant 0 : i32
        %sign3A_603 = arith.cmpi slt, %jit3A_590, %sign3A_602 : i32
        %sign3A_604 = arith.extui %sign3A_603 : i1 to i32
        %sign3A_605 = arith.subi %sign3A_601, %sign3A_604 : i32
        %ne3A_606 = arith.cmpi ne, %sign3A_598, %sign3A_605 : i32
        %rem3A_607 = arith.remsi %add3A_589, %jit3A_590 : i32
        %ne3A_608 = arith.constant 0 : i32
        %ne3A_609 = arith.cmpi ne, %rem3A_607, %ne3A_608 : i32
        %and3A_610 = arith.andi %ne3A_606, %ne3A_609 : i1
        %sub3A_611 = arith.constant 1 : i32
        %sub3A_612 = arith.subi %div3A_591, %sub3A_611 : i32
        %select_n3A_613 = arith.select %and3A_610, %sub3A_612, %div3A_591 : i32
        %mul3A_614 = arith.constant 512 : i32
        %mul3A_615 = arith.muli %select_n3A_613, %mul3A_614 : i32
        %sub3A_616 = arith.subi %add3A_589, %mul3A_615 : i32
        %dma_start3A_617 = arith.constant 0 : i32
        %dma_start3A_618 = tpu.memref_slice %arg4[%add3A_18, %select_n3A_613, %sub3A_616, %dma_start3A_617] : memref<32x3x512x512xf32, #tpu.memory_space<hbm>> -> memref<1x1x32x512xf32, #tpu.memory_space<hbm>>
        %dma_start3A_619 = tpu.memref_squeeze %dma_start3A_618 : memref<1x1x32x512xf32, #tpu.memory_space<hbm>> -> memref<32x512xf32, #tpu.memory_space<hbm>>
        %dma_start3A_620 = arith.constant 0 : i32
        %dma_start3A_621 = tpu.memref_slice %arg4[%add3A_18, %select_n3A_613, %sub3A_616, %dma_start3A_620] : memref<32x3x512x512xf32, #tpu.memory_space<hbm>> -> memref<1x1x32x512xf32, #tpu.memory_space<hbm>>
        %dma_start3A_622 = tpu.memref_squeeze %dma_start3A_621 : memref<1x1x32x512xf32, #tpu.memory_space<hbm>> -> memref<32x512xf32, #tpu.memory_space<hbm>>
        tpu.enqueue_dma source(%dma_start3A_622 : memref<32x512xf32, #tpu.memory_space<hbm>>) target(%arg13 : memref<32x512xf32, #tpu.memory_space<vmem>>) target_semaphore(%arg20 : memref<!tpu.dma_semaphore, #tpu.memory_space<semaphore_mem>>)
      } else {
      }
      %gt3A_496 = arith.constant 0 : i32
      %gt3A_497 = arith.cmpi sgt, %scan3A_208, %gt3A_496 : i32
      %convert_element_type3A_498 = arith.extui %gt3A_497 : i1 to i32
      %cond3A_499 = arith.constant 0 : i32
      %cond3A_500 = arith.cmpi ne, %convert_element_type3A_498, %cond3A_499 : i32
      scf.if %cond3A_500 {
        %sub3A_547 = arith.constant 2 : i32
        %sub3A_548 = arith.subi %add3A_212, %sub3A_547 : i32
        %mul3A_549 = arith.constant 384 : i32
        %mul3A_550 = arith.muli %select_n3A_32, %mul3A_549 : i32
        %mul3A_551 = arith.constant 32 : i32
        %mul3A_552 = arith.muli %sub3A_548, %mul3A_551 : i32
        %add3A_553 = arith.addi %mul3A_550, %mul3A_552 : i32
        %jit3A_554 = arith.constant 512 : i32
        %div3A_555 = arith.divsi %add3A_553, %jit3A_554 : i32
        %sign3A_556 = arith.constant 0 : i32
        %sign3A_557 = arith.cmpi sgt, %add3A_553, %sign3A_556 : i32
        %sign3A_558 = arith.extui %sign3A_557 : i1 to i32
        %sign3A_559 = arith.constant 0 : i32
        %sign3A_560 = arith.cmpi slt, %add3A_553, %sign3A_559 : i32
        %sign3A_561 = arith.extui %sign3A_560 : i1 to i32
        %sign3A_562 = arith.subi %sign3A_558, %sign3A_561 : i32
        %sign3A_563 = arith.constant 0 : i32
        %sign3A_564 = arith.cmpi sgt, %jit3A_554, %sign3A_563 : i32
        %sign3A_565 = arith.extui %sign3A_564 : i1 to i32
        %sign3A_566 = arith.constant 0 : i32
        %sign3A_567 = arith.cmpi slt, %jit3A_554, %sign3A_566 : i32
        %sign3A_568 = arith.extui %sign3A_567 : i1 to i32
        %sign3A_569 = arith.subi %sign3A_565, %sign3A_568 : i32
        %ne3A_570 = arith.cmpi ne, %sign3A_562, %sign3A_569 : i32
        %rem3A_571 = arith.remsi %add3A_553, %jit3A_554 : i32
        %ne3A_572 = arith.constant 0 : i32
        %ne3A_573 = arith.cmpi ne, %rem3A_571, %ne3A_572 : i32
        %and3A_574 = arith.andi %ne3A_570, %ne3A_573 : i1
        %sub3A_575 = arith.constant 1 : i32
        %sub3A_576 = arith.subi %div3A_555, %sub3A_575 : i32
        %select_n3A_577 = arith.select %and3A_574, %sub3A_576, %div3A_555 : i32
        %mul3A_578 = arith.constant 512 : i32
        %mul3A_579 = arith.muli %select_n3A_577, %mul3A_578 : i32
        %sub3A_580 = arith.subi %add3A_553, %mul3A_579 : i32
        %sub3A_581 = arith.constant 24 : i32
        %sub3A_582 = arith.subi %add3A_18, %sub3A_581 : i32
        %dma_wait3A_583 = arith.constant 0 : i32
        %dma_wait3A_584 = tpu.memref_slice %arg7[%sub3A_582, %select_n3A_577, %sub3A_580, %dma_wait3A_583] : memref<8x3x512x512xf32, #tpu.memory_space<hbm>> -> memref<1x1x32x512xf32, #tpu.memory_space<hbm>>
        %dma_wait3A_585 = tpu.memref_squeeze %dma_wait3A_584 : memref<1x1x32x512xf32, #tpu.memory_space<hbm>> -> memref<32x512xf32, #tpu.memory_space<hbm>>
        %dma_wait3A_586 = arith.constant 0 : i32
        %dma_wait3A_587 = tpu.memref_slice %arg7[%sub3A_582, %select_n3A_577, %sub3A_580, %dma_wait3A_586] : memref<8x3x512x512xf32, #tpu.memory_space<hbm>> -> memref<1x1x32x512xf32, #tpu.memory_space<hbm>>
        %dma_wait3A_588 = tpu.memref_squeeze %dma_wait3A_587 : memref<1x1x32x512xf32, #tpu.memory_space<hbm>> -> memref<32x512xf32, #tpu.memory_space<hbm>>
        tpu.wait_dma2 semaphore(%arg23 : memref<!tpu.dma_semaphore, #tpu.memory_space<semaphore_mem>>) src(%arg16 : memref<32x512xf32, #tpu.memory_space<vmem>>) dst(%dma_wait3A_588 : memref<32x512xf32, #tpu.memory_space<hbm>>)
      } else {
      }
      %scan3A_501 = arith.constant 0 : i32
      %scan3A_502 = arith.constant 0 : i32
      %scan3A_503 = arith.constant 32 : i32
      %scan3A_504 = arith.addi %scan3A_502, %scan3A_503 : i32
      %scan3A_505 = arith.constant 1 : i32
      scf.for %scan3A_547 = %scan3A_502 to %scan3A_504 step %scan3A_505  : i32 {
        %get3A_548 = arith.index_cast %scan3A_547 : i32 to index
        %get3A_549 = arith.constant 0 : index
        %get3A_550 = tpu.vector_load %arg12[%get3A_548, %get3A_549] {strides = array<i32>} : memref<32x512xf32, #tpu.memory_space<vmem>>, vector<1x16xf32>,
        %get3A_551 = vector.shape_cast %get3A_550 : vector<1x16xf32> to vector<16xf32>
        %mul3A_552 = arith.mulf %get3A_47, %get3A_551 : vector<16xf32>
        %get3A_553 = arith.index_cast %scan3A_547 : i32 to index
        %get3A_554 = arith.constant 0 : index
        %get3A_555 = tpu.vector_load %arg14[%get3A_553, %get3A_554] {strides = array<i32>} : memref<32x512xf32, #tpu.memory_space<vmem>>, vector<1x16xf32>,
        %get3A_556 = vector.shape_cast %get3A_555 : vector<1x16xf32> to vector<16xf32>
        %mul3A_557 = arith.mulf %get3A_50, %get3A_556 : vector<16xf32>
        %add3A_558 = arith.addf %mul3A_552, %mul3A_557 : vector<16xf32>
        %swap3A = arith.index_cast %scan3A_547 : i32 to index
        %swap3A_559 = arith.constant 0 : index
        %swap3A_560 = tpu.vector_load %arg16[%swap3A, %swap3A_559] {strides = array<i32>} : memref<32x512xf32, #tpu.memory_space<vmem>>, vector<1x16xf32>,
        %swap3A_561 = vector.shape_cast %swap3A_560 : vector<1x16xf32> to vector<16xf32>
        %swap3A_562 = vector.shape_cast %add3A_558 : vector<16xf32> to vector<1x16xf32>
        tpu.vector_store %arg16[%swap3A, %swap3A_559], %swap3A_562 {strides = array<i32>} : memref<32x512xf32, #tpu.memory_space<vmem>>, vector<1x16xf32>,
        %get3A_563 = arith.index_cast %scan3A_547 : i32 to index
        %get3A_564 = arith.constant 16 : index
        %get3A_565 = tpu.vector_load %arg12[%get3A_563, %get3A_564] {strides = array<i32>} : memref<32x512xf32, #tpu.memory_space<vmem>>, vector<1x16xf32>,
        %get3A_566 = vector.shape_cast %get3A_565 : vector<1x16xf32> to vector<16xf32>
        %mul3A_567 = arith.mulf %get3A_47, %get3A_566 : vector<16xf32>
        %get3A_568 = arith.index_cast %scan3A_547 : i32 to index
        %get3A_569 = arith.constant 16 : index
        %get3A_570 = tpu.vector_load %arg14[%get3A_568, %get3A_569] {strides = array<i32>} : memref<32x512xf32, #tpu.memory_space<vmem>>, vector<1x16xf32>,
        %get3A_571 = vector.shape_cast %get3A_570 : vector<1x16xf32> to vector<16xf32>
        %mul3A_572 = arith.mulf %get3A_50, %get3A_571 : vector<16xf32>
        %add3A_573 = arith.addf %mul3A_567, %mul3A_572 : vector<16xf32>
        %swap3A_574 = arith.index_cast %scan3A_547 : i32 to index
        %swap3A_575 = arith.constant 16 : index
        %swap3A_576 = tpu.vector_load %arg16[%swap3A_574, %swap3A_575] {strides = array<i32>} : memref<32x512xf32, #tpu.memory_space<vmem>>, vector<1x16xf32>,
        %swap3A_577 = vector.shape_cast %swap3A_576 : vector<1x16xf32> to vector<16xf32>
        %swap3A_578 = vector.shape_cast %add3A_573 : vector<16xf32> to vector<1x16xf32>
        tpu.vector_store %arg16[%swap3A_574, %swap3A_575], %swap3A_578 {strides = array<i32>} : memref<32x512xf32, #tpu.memory_space<vmem>>, vector<1x16xf32>,
        %get3A_579 = arith.index_cast %scan3A_547 : i32 to index
        %get3A_580 = arith.constant 32 : index
        %get3A_581 = tpu.vector_load %arg12[%get3A_579, %get3A_580] {strides = array<i32>} : memref<32x512xf32, #tpu.memory_space<vmem>>, vector<1x16xf32>,
        %get3A_582 = vector.shape_cast %get3A_581 : vector<1x16xf32> to vector<16xf32>
        %mul3A_583 = arith.mulf %get3A_47, %get3A_582 : vector<16xf32>
        %get3A_584 = arith.index_cast %scan3A_547 : i32 to index
        %get3A_585 = arith.constant 32 : index
        %get3A_586 = tpu.vector_load %arg14[%get3A_584, %get3A_585] {strides = array<i32>} : memref<32x512xf32, #tpu.memory_space<vmem>>, vector<1x16xf32>,
        %get3A_587 = vector.shape_cast %get3A_586 : vector<1x16xf32> to vector<16xf32>
        %mul3A_588 = arith.mulf %get3A_50, %get3A_587 : vector<16xf32>
        %add3A_589 = arith.addf %mul3A_583, %mul3A_588 : vector<16xf32>
        %swap3A_590 = arith.index_cast %scan3A_547 : i32 to index
        %swap3A_591 = arith.constant 32 : index
        %swap3A_592 = tpu.vector_load %arg16[%swap3A_590, %swap3A_591] {strides = array<i32>} : memref<32x512xf32, #tpu.memory_space<vmem>>, vector<1x16xf32>,
        %swap3A_593 = vector.shape_cast %swap3A_592 : vector<1x16xf32> to vector<16xf32>
        %swap3A_594 = vector.shape_cast %add3A_589 : vector<16xf32> to vector<1x16xf32>
        tpu.vector_store %arg16[%swap3A_590, %swap3A_591], %swap3A_594 {strides = array<i32>} : memref<32x512xf32, #tpu.memory_space<vmem>>, vector<1x16xf32>,
        %get3A_595 = arith.index_cast %scan3A_547 : i32 to index
        %get3A_596 = arith.constant 48 : index
        %get3A_597 = tpu.vector_load %arg12[%get3A_595, %get3A_596] {strides = array<i32>} : memref<32x512xf32, #tpu.memory_space<vmem>>, vector<1x16xf32>,
        %get3A_598 = vector.shape_cast %get3A_597 : vector<1x16xf32> to vector<16xf32>
        %mul3A_599 = arith.mulf %get3A_47, %get3A_598 : vector<16xf32>
        %get3A_600 = arith.index_cast %scan3A_547 : i32 to index
        %get3A_601 = arith.constant 48 : index
        %get3A_602 = tpu.vector_load %arg14[%get3A_600, %get3A_601] {strides = array<i32>} : memref<32x512xf32, #tpu.memory_space<vmem>>, vector<1x16xf32>,
        %get3A_603 = vector.shape_cast %get3A_602 : vector<1x16xf32> to vector<16xf32>
        %mul3A_604 = arith.mulf %get3A_50, %get3A_603 : vector<16xf32>
        %add3A_605 = arith.addf %mul3A_599, %mul3A_604 : vector<16xf32>
        %swap3A_606 = arith.index_cast %scan3A_547 : i32 to index
        %swap3A_607 = arith.constant 48 : index
        %swap3A_608 = tpu.vector_load %arg16[%swap3A_606, %swap3A_607] {strides = array<i32>} : memref<32x512xf32, #tpu.memory_space<vmem>>, vector<1x16xf32>,
        %swap3A_609 = vector.shape_cast %swap3A_608 : vector<1x16xf32> to vector<16xf32>
        %swap3A_610 = vector.shape_cast %add3A_605 : vector<16xf32> to vector<1x16xf32>
        tpu.vector_store %arg16[%swap3A_606, %swap3A_607], %swap3A_610 {strides = array<i32>} : memref<32x512xf32, #tpu.memory_space<vmem>>, vector<1x16xf32>,
        %get3A_611 = arith.index_cast %scan3A_547 : i32 to index
        %get3A_612 = arith.constant 64 : index
        %get3A_613 = tpu.vector_load %arg12[%get3A_611, %get3A_612] {strides = array<i32>} : memref<32x512xf32, #tpu.memory_space<vmem>>, vector<1x16xf32>,
        %get3A_614 = vector.shape_cast %get3A_613 : vector<1x16xf32> to vector<16xf32>
        %mul3A_615 = arith.mulf %get3A_47, %get3A_614 : vector<16xf32>
        %get3A_616 = arith.index_cast %scan3A_547 : i32 to index
        %get3A_617 = arith.constant 64 : index
        %get3A_618 = tpu.vector_load %arg14[%get3A_616, %get3A_617] {strides = array<i32>} : memref<32x512xf32, #tpu.memory_space<vmem>>, vector<1x16xf32>,
        %get3A_619 = vector.shape_cast %get3A_618 : vector<1x16xf32> to vector<16xf32>
        %mul3A_620 = arith.mulf %get3A_50, %get3A_619 : vector<16xf32>
        %add3A_621 = arith.addf %mul3A_615, %mul3A_620 : vector<16xf32>
        %swap3A_622 = arith.index_cast %scan3A_547 : i32 to index
        %swap3A_623 = arith.constant 64 : index
        %swap3A_624 = tpu.vector_load %arg16[%swap3A_622, %swap3A_623] {strides = array<i32>} : memref<32x512xf32, #tpu.memory_space<vmem>>, vector<1x16xf32>,
        %swap3A_625 = vector.shape_cast %swap3A_624 : vector<1x16xf32> to vector<16xf32>
        %swap3A_626 = vector.shape_cast %add3A_621 : vector<16xf32> to vector<1x16xf32>
        tpu.vector_store %arg16[%swap3A_622, %swap3A_623], %swap3A_626 {strides = array<i32>} : memref<32x512xf32, #tpu.memory_space<vmem>>, vector<1x16xf32>,
        %get3A_627 = arith.index_cast %scan3A_547 : i32 to index
        %get3A_628 = arith.constant 80 : index
        %get3A_629 = tpu.vector_load %arg12[%get3A_627, %get3A_628] {strides = array<i32>} : memref<32x512xf32, #tpu.memory_space<vmem>>, vector<1x16xf32>,
        %get3A_630 = vector.shape_cast %get3A_629 : vector<1x16xf32> to vector<16xf32>
        %mul3A_631 = arith.mulf %get3A_47, %get3A_630 : vector<16xf32>
        %get3A_632 = arith.index_cast %scan3A_547 : i32 to index
        %get3A_633 = arith.constant 80 : index
        %get3A_634 = tpu.vector_load %arg14[%get3A_632, %get3A_633] {strides = array<i32>} : memref<32x512xf32, #tpu.memory_space<vmem>>, vector<1x16xf32>,
        %get3A_635 = vector.shape_cast %get3A_634 : vector<1x16xf32> to vector<16xf32>
        %mul3A_636 = arith.mulf %get3A_50, %get3A_635 : vector<16xf32>
        %add3A_637 = arith.addf %mul3A_631, %mul3A_636 : vector<16xf32>
        %swap3A_638 = arith.index_cast %scan3A_547 : i32 to index
        %swap3A_639 = arith.constant 80 : index
        %swap3A_640 = tpu.vector_load %arg16[%swap3A_638, %swap3A_639] {strides = array<i32>} : memref<32x512xf32, #tpu.memory_space<vmem>>, vector<1x16xf32>,
        %swap3A_641 = vector.shape_cast %swap3A_640 : vector<1x16xf32> to vector<16xf32>
        %swap3A_642 = vector.shape_cast %add3A_637 : vector<16xf32> to vector<1x16xf32>
        tpu.vector_store %arg16[%swap3A_638, %swap3A_639], %swap3A_642 {strides = array<i32>} : memref<32x512xf32, #tpu.memory_space<vmem>>, vector<1x16xf32>,
        %get3A_643 = arith.index_cast %scan3A_547 : i32 to index
        %get3A_644 = arith.constant 96 : index
        %get3A_645 = tpu.vector_load %arg12[%get3A_643, %get3A_644] {strides = array<i32>} : memref<32x512xf32, #tpu.memory_space<vmem>>, vector<1x16xf32>,
        %get3A_646 = vector.shape_cast %get3A_645 : vector<1x16xf32> to vector<16xf32>
        %mul3A_647 = arith.mulf %get3A_47, %get3A_646 : vector<16xf32>
        %get3A_648 = arith.index_cast %scan3A_547 : i32 to index
        %get3A_649 = arith.constant 96 : index
        %get3A_650 = tpu.vector_load %arg14[%get3A_648, %get3A_649] {strides = array<i32>} : memref<32x512xf32, #tpu.memory_space<vmem>>, vector<1x16xf32>,
        %get3A_651 = vector.shape_cast %get3A_650 : vector<1x16xf32> to vector<16xf32>
        %mul3A_652 = arith.mulf %get3A_50, %get3A_651 : vector<16xf32>
        %add3A_653 = arith.addf %mul3A_647, %mul3A_652 : vector<16xf32>
        %swap3A_654 = arith.index_cast %scan3A_547 : i32 to index
        %swap3A_655 = arith.constant 96 : index
        %swap3A_656 = tpu.vector_load %arg16[%swap3A_654, %swap3A_655] {strides = array<i32>} : memref<32x512xf32, #tpu.memory_space<vmem>>, vector<1x16xf32>,
        %swap3A_657 = vector.shape_cast %swap3A_656 : vector<1x16xf32> to vector<16xf32>
        %swap3A_658 = vector.shape_cast %add3A_653 : vector<16xf32> to vector<1x16xf32>
        tpu.vector_store %arg16[%swap3A_654, %swap3A_655], %swap3A_658 {strides = array<i32>} : memref<32x512xf32, #tpu.memory_space<vmem>>, vector<1x16xf32>,
        %get3A_659 = arith.index_cast %scan3A_547 : i32 to index
        %get3A_660 = arith.constant 112 : index
        %get3A_661 = tpu.vector_load %arg12[%get3A_659, %get3A_660] {strides = array<i32>} : memref<32x512xf32, #tpu.memory_space<vmem>>, vector<1x16xf32>,
        %get3A_662 = vector.shape_cast %get3A_661 : vector<1x16xf32> to vector<16xf32>
        %mul3A_663 = arith.mulf %get3A_47, %get3A_662 : vector<16xf32>
        %get3A_664 = arith.index_cast %scan3A_547 : i32 to index
        %get3A_665 = arith.constant 112 : index
        %get3A_666 = tpu.vector_load %arg14[%get3A_664, %get3A_665] {strides = array<i32>} : memref<32x512xf32, #tpu.memory_space<vmem>>, vector<1x16xf32>,
        %get3A_667 = vector.shape_cast %get3A_666 : vector<1x16xf32> to vector<16xf32>
        %mul3A_668 = arith.mulf %get3A_50, %get3A_667 : vector<16xf32>
        %add3A_669 = arith.addf %mul3A_663, %mul3A_668 : vector<16xf32>
        %swap3A_670 = arith.index_cast %scan3A_547 : i32 to index
        %swap3A_671 = arith.constant 112 : index
        %swap3A_672 = tpu.vector_load %arg16[%swap3A_670, %swap3A_671] {strides = array<i32>} : memref<32x512xf32, #tpu.memory_space<vmem>>, vector<1x16xf32>,
        %swap3A_673 = vector.shape_cast %swap3A_672 : vector<1x16xf32> to vector<16xf32>
        %swap3A_674 = vector.shape_cast %add3A_669 : vector<16xf32> to vector<1x16xf32>
        tpu.vector_store %arg16[%swap3A_670, %swap3A_671], %swap3A_674 {strides = array<i32>} : memref<32x512xf32, #tpu.memory_space<vmem>>, vector<1x16xf32>,
        %get3A_675 = arith.index_cast %scan3A_547 : i32 to index
        %get3A_676 = arith.constant 128 : index
        %get3A_677 = tpu.vector_load %arg12[%get3A_675, %get3A_676] {strides = array<i32>} : memref<32x512xf32, #tpu.memory_space<vmem>>, vector<1x16xf32>,
        %get3A_678 = vector.shape_cast %get3A_677 : vector<1x16xf32> to vector<16xf32>
        %mul3A_679 = arith.mulf %get3A_47, %get3A_678 : vector<16xf32>
        %get3A_680 = arith.index_cast %scan3A_547 : i32 to index
        %get3A_681 = arith.constant 128 : index
        %get3A_682 = tpu.vector_load %arg14[%get3A_680, %get3A_681] {strides = array<i32>} : memref<32x512xf32, #tpu.memory_space<vmem>>, vector<1x16xf32>,
        %get3A_683 = vector.shape_cast %get3A_682 : vector<1x16xf32> to vector<16xf32>
        %mul3A_684 = arith.mulf %get3A_50, %get3A_683 : vector<16xf32>
        %add3A_685 = arith.addf %mul3A_679, %mul3A_684 : vector<16xf32>
        %swap3A_686 = arith.index_cast %scan3A_547 : i32 to index
        %swap3A_687 = arith.constant 128 : index
        %swap3A_688 = tpu.vector_load %arg16[%swap3A_686, %swap3A_687] {strides = array<i32>} : memref<32x512xf32, #tpu.memory_space<vmem>>, vector<1x16xf32>,
        %swap3A_689 = vector.shape_cast %swap3A_688 : vector<1x16xf32> to vector<16xf32>
        %swap3A_690 = vector.shape_cast %add3A_685 : vector<16xf32> to vector<1x16xf32>
        tpu.vector_store %arg16[%swap3A_686, %swap3A_687], %swap3A_690 {strides = array<i32>} : memref<32x512xf32, #tpu.memory_space<vmem>>, vector<1x16xf32>,
        %get3A_691 = arith.index_cast %scan3A_547 : i32 to index
        %get3A_692 = arith.constant 144 : index
        %get3A_693 = tpu.vector_load %arg12[%get3A_691, %get3A_692] {strides = array<i32>} : memref<32x512xf32, #tpu.memory_space<vmem>>, vector<1x16xf32>,
        %get3A_694 = vector.shape_cast %get3A_693 : vector<1x16xf32> to vector<16xf32>
        %mul3A_695 = arith.mulf %get3A_47, %get3A_694 : vector<16xf32>
        %get3A_696 = arith.index_cast %scan3A_547 : i32 to index
        %get3A_697 = arith.constant 144 : index
        %get3A_698 = tpu.vector_load %arg14[%get3A_696, %get3A_697] {strides = array<i32>} : memref<32x512xf32, #tpu.memory_space<vmem>>, vector<1x16xf32>,
        %get3A_699 = vector.shape_cast %get3A_698 : vector<1x16xf32> to vector<16xf32>
        %mul3A_700 = arith.mulf %get3A_50, %get3A_699 : vector<16xf32>
        %add3A_701 = arith.addf %mul3A_695, %mul3A_700 : vector<16xf32>
        %swap3A_702 = arith.index_cast %scan3A_547 : i32 to index
        %swap3A_703 = arith.constant 144 : index
        %swap3A_704 = tpu.vector_load %arg16[%swap3A_702, %swap3A_703] {strides = array<i32>} : memref<32x512xf32, #tpu.memory_space<vmem>>, vector<1x16xf32>,
        %swap3A_705 = vector.shape_cast %swap3A_704 : vector<1x16xf32> to vector<16xf32>
        %swap3A_706 = vector.shape_cast %add3A_701 : vector<16xf32> to vector<1x16xf32>
        tpu.vector_store %arg16[%swap3A_702, %swap3A_703], %swap3A_706 {strides = array<i32>} : memref<32x512xf32, #tpu.memory_space<vmem>>, vector<1x16xf32>,
        %get3A_707 = arith.index_cast %scan3A_547 : i32 to index
        %get3A_708 = arith.constant 160 : index
        %get3A_709 = tpu.vector_load %arg12[%get3A_707, %get3A_708] {strides = array<i32>} : memref<32x512xf32, #tpu.memory_space<vmem>>, vector<1x16xf32>,
        %get3A_710 = vector.shape_cast %get3A_709 : vector<1x16xf32> to vector<16xf32>
        %mul3A_711 = arith.mulf %get3A_47, %get3A_710 : vector<16xf32>
        %get3A_712 = arith.index_cast %scan3A_547 : i32 to index
        %get3A_713 = arith.constant 160 : index
        %get3A_714 = tpu.vector_load %arg14[%get3A_712, %get3A_713] {strides = array<i32>} : memref<32x512xf32, #tpu.memory_space<vmem>>, vector<1x16xf32>,
        %get3A_715 = vector.shape_cast %get3A_714 : vector<1x16xf32> to vector<16xf32>
        %mul3A_716 = arith.mulf %get3A_50, %get3A_715 : vector<16xf32>
        %add3A_717 = arith.addf %mul3A_711, %mul3A_716 : vector<16xf32>
        %swap3A_718 = arith.index_cast %scan3A_547 : i32 to index
        %swap3A_719 = arith.constant 160 : index
        %swap3A_720 = tpu.vector_load %arg16[%swap3A_718, %swap3A_719] {strides = array<i32>} : memref<32x512xf32, #tpu.memory_space<vmem>>, vector<1x16xf32>,
        %swap3A_721 = vector.shape_cast %swap3A_720 : vector<1x16xf32> to vector<16xf32>
        %swap3A_722 = vector.shape_cast %add3A_717 : vector<16xf32> to vector<1x16xf32>
        tpu.vector_store %arg16[%swap3A_718, %swap3A_719], %swap3A_722 {strides = array<i32>} : memref<32x512xf32, #tpu.memory_space<vmem>>, vector<1x16xf32>,
        %get3A_723 = arith.index_cast %scan3A_547 : i32 to index
        %get3A_724 = arith.constant 176 : index
        %get3A_725 = tpu.vector_load %arg12[%get3A_723, %get3A_724] {strides = array<i32>} : memref<32x512xf32, #tpu.memory_space<vmem>>, vector<1x16xf32>,
        %get3A_726 = vector.shape_cast %get3A_725 : vector<1x16xf32> to vector<16xf32>
        %mul3A_727 = arith.mulf %get3A_47, %get3A_726 : vector<16xf32>
        %get3A_728 = arith.index_cast %scan3A_547 : i32 to index
        %get3A_729 = arith.constant 176 : index
        %get3A_730 = tpu.vector_load %arg14[%get3A_728, %get3A_729] {strides = array<i32>} : memref<32x512xf32, #tpu.memory_space<vmem>>, vector<1x16xf32>,
        %get3A_731 = vector.shape_cast %get3A_730 : vector<1x16xf32> to vector<16xf32>
        %mul3A_732 = arith.mulf %get3A_50, %get3A_731 : vector<16xf32>
        %add3A_733 = arith.addf %mul3A_727, %mul3A_732 : vector<16xf32>
        %swap3A_734 = arith.index_cast %scan3A_547 : i32 to index
        %swap3A_735 = arith.constant 176 : index
        %swap3A_736 = tpu.vector_load %arg16[%swap3A_734, %swap3A_735] {strides = array<i32>} : memref<32x512xf32, #tpu.memory_space<vmem>>, vector<1x16xf32>,
        %swap3A_737 = vector.shape_cast %swap3A_736 : vector<1x16xf32> to vector<16xf32>
        %swap3A_738 = vector.shape_cast %add3A_733 : vector<16xf32> to vector<1x16xf32>
        tpu.vector_store %arg16[%swap3A_734, %swap3A_735], %swap3A_738 {strides = array<i32>} : memref<32x512xf32, #tpu.memory_space<vmem>>, vector<1x16xf32>,
        %get3A_739 = arith.index_cast %scan3A_547 : i32 to index
        %get3A_740 = arith.constant 192 : index
        %get3A_741 = tpu.vector_load %arg12[%get3A_739, %get3A_740] {strides = array<i32>} : memref<32x512xf32, #tpu.memory_space<vmem>>, vector<1x16xf32>,
        %get3A_742 = vector.shape_cast %get3A_741 : vector<1x16xf32> to vector<16xf32>
        %mul3A_743 = arith.mulf %get3A_47, %get3A_742 : vector<16xf32>
        %get3A_744 = arith.index_cast %scan3A_547 : i32 to index
        %get3A_745 = arith.constant 192 : index
        %get3A_746 = tpu.vector_load %arg14[%get3A_744, %get3A_745] {strides = array<i32>} : memref<32x512xf32, #tpu.memory_space<vmem>>, vector<1x16xf32>,
        %get3A_747 = vector.shape_cast %get3A_746 : vector<1x16xf32> to vector<16xf32>
        %mul3A_748 = arith.mulf %get3A_50, %get3A_747 : vector<16xf32>
        %add3A_749 = arith.addf %mul3A_743, %mul3A_748 : vector<16xf32>
        %swap3A_750 = arith.index_cast %scan3A_547 : i32 to index
        %swap3A_751 = arith.constant 192 : index
        %swap3A_752 = tpu.vector_load %arg16[%swap3A_750, %swap3A_751] {strides = array<i32>} : memref<32x512xf32, #tpu.memory_space<vmem>>, vector<1x16xf32>,
        %swap3A_753 = vector.shape_cast %swap3A_752 : vector<1x16xf32> to vector<16xf32>
        %swap3A_754 = vector.shape_cast %add3A_749 : vector<16xf32> to vector<1x16xf32>
        tpu.vector_store %arg16[%swap3A_750, %swap3A_751], %swap3A_754 {strides = array<i32>} : memref<32x512xf32, #tpu.memory_space<vmem>>, vector<1x16xf32>,
        %get3A_755 = arith.index_cast %scan3A_547 : i32 to index
        %get3A_756 = arith.constant 208 : index
        %get3A_757 = tpu.vector_load %arg12[%get3A_755, %get3A_756] {strides = array<i32>} : memref<32x512xf32, #tpu.memory_space<vmem>>, vector<1x16xf32>,
        %get3A_758 = vector.shape_cast %get3A_757 : vector<1x16xf32> to vector<16xf32>
        %mul3A_759 = arith.mulf %get3A_47, %get3A_758 : vector<16xf32>
        %get3A_760 = arith.index_cast %scan3A_547 : i32 to index
        %get3A_761 = arith.constant 208 : index
        %get3A_762 = tpu.vector_load %arg14[%get3A_760, %get3A_761] {strides = array<i32>} : memref<32x512xf32, #tpu.memory_space<vmem>>, vector<1x16xf32>,
        %get3A_763 = vector.shape_cast %get3A_762 : vector<1x16xf32> to vector<16xf32>
        %mul3A_764 = arith.mulf %get3A_50, %get3A_763 : vector<16xf32>
        %add3A_765 = arith.addf %mul3A_759, %mul3A_764 : vector<16xf32>
        %swap3A_766 = arith.index_cast %scan3A_547 : i32 to index
        %swap3A_767 = arith.constant 208 : index
        %swap3A_768 = tpu.vector_load %arg16[%swap3A_766, %swap3A_767] {strides = array<i32>} : memref<32x512xf32, #tpu.memory_space<vmem>>, vector<1x16xf32>,
        %swap3A_769 = vector.shape_cast %swap3A_768 : vector<1x16xf32> to vector<16xf32>
        %swap3A_770 = vector.shape_cast %add3A_765 : vector<16xf32> to vector<1x16xf32>
        tpu.vector_store %arg16[%swap3A_766, %swap3A_767], %swap3A_770 {strides = array<i32>} : memref<32x512xf32, #tpu.memory_space<vmem>>, vector<1x16xf32>,
        %get3A_771 = arith.index_cast %scan3A_547 : i32 to index
        %get3A_772 = arith.constant 224 : index
        %get3A_773 = tpu.vector_load %arg12[%get3A_771, %get3A_772] {strides = array<i32>} : memref<32x512xf32, #tpu.memory_space<vmem>>, vector<1x16xf32>,
        %get3A_774 = vector.shape_cast %get3A_773 : vector<1x16xf32> to vector<16xf32>
        %mul3A_775 = arith.mulf %get3A_47, %get3A_774 : vector<16xf32>
        %get3A_776 = arith.index_cast %scan3A_547 : i32 to index
        %get3A_777 = arith.constant 224 : index
        %get3A_778 = tpu.vector_load %arg14[%get3A_776, %get3A_777] {strides = array<i32>} : memref<32x512xf32, #tpu.memory_space<vmem>>, vector<1x16xf32>,
        %get3A_779 = vector.shape_cast %get3A_778 : vector<1x16xf32> to vector<16xf32>
        %mul3A_780 = arith.mulf %get3A_50, %get3A_779 : vector<16xf32>
        %add3A_781 = arith.addf %mul3A_775, %mul3A_780 : vector<16xf32>
        %swap3A_782 = arith.index_cast %scan3A_547 : i32 to index
        %swap3A_783 = arith.constant 224 : index
        %swap3A_784 = tpu.vector_load %arg16[%swap3A_782, %swap3A_783] {strides = array<i32>} : memref<32x512xf32, #tpu.memory_space<vmem>>, vector<1x16xf32>,
        %swap3A_785 = vector.shape_cast %swap3A_784 : vector<1x16xf32> to vector<16xf32>
        %swap3A_786 = vector.shape_cast %add3A_781 : vector<16xf32> to vector<1x16xf32>
        tpu.vector_store %arg16[%swap3A_782, %swap3A_783], %swap3A_786 {strides = array<i32>} : memref<32x512xf32, #tpu.memory_space<vmem>>, vector<1x16xf32>,
        %get3A_787 = arith.index_cast %scan3A_547 : i32 to index
        %get3A_788 = arith.constant 240 : index
        %get3A_789 = tpu.vector_load %arg12[%get3A_787, %get3A_788] {strides = array<i32>} : memref<32x512xf32, #tpu.memory_space<vmem>>, vector<1x16xf32>,
        %get3A_790 = vector.shape_cast %get3A_789 : vector<1x16xf32> to vector<16xf32>
        %mul3A_791 = arith.mulf %get3A_47, %get3A_790 : vector<16xf32>
        %get3A_792 = arith.index_cast %scan3A_547 : i32 to index
        %get3A_793 = arith.constant 240 : index
        %get3A_794 = tpu.vector_load %arg14[%get3A_792, %get3A_793] {strides = array<i32>} : memref<32x512xf32, #tpu.memory_space<vmem>>, vector<1x16xf32>,
        %get3A_795 = vector.shape_cast %get3A_794 : vector<1x16xf32> to vector<16xf32>
        %mul3A_796 = arith.mulf %get3A_50, %get3A_795 : vector<16xf32>
        %add3A_797 = arith.addf %mul3A_791, %mul3A_796 : vector<16xf32>
        %swap3A_798 = arith.index_cast %scan3A_547 : i32 to index
        %swap3A_799 = arith.constant 240 : index
        %swap3A_800 = tpu.vector_load %arg16[%swap3A_798, %swap3A_799] {strides = array<i32>} : memref<32x512xf32, #tpu.memory_space<vmem>>, vector<1x16xf32>,
        %swap3A_801 = vector.shape_cast %swap3A_800 : vector<1x16xf32> to vector<16xf32>
        %swap3A_802 = vector.shape_cast %add3A_797 : vector<16xf32> to vector<1x16xf32>
        tpu.vector_store %arg16[%swap3A_798, %swap3A_799], %swap3A_802 {strides = array<i32>} : memref<32x512xf32, #tpu.memory_space<vmem>>, vector<1x16xf32>,
        %get3A_803 = arith.index_cast %scan3A_547 : i32 to index
        %get3A_804 = arith.constant 256 : index
        %get3A_805 = tpu.vector_load %arg12[%get3A_803, %get3A_804] {strides = array<i32>} : memref<32x512xf32, #tpu.memory_space<vmem>>, vector<1x16xf32>,
        %get3A_806 = vector.shape_cast %get3A_805 : vector<1x16xf32> to vector<16xf32>
        %mul3A_807 = arith.mulf %get3A_47, %get3A_806 : vector<16xf32>
        %get3A_808 = arith.index_cast %scan3A_547 : i32 to index
        %get3A_809 = arith.constant 256 : index
        %get3A_810 = tpu.vector_load %arg14[%get3A_808, %get3A_809] {strides = array<i32>} : memref<32x512xf32, #tpu.memory_space<vmem>>, vector<1x16xf32>,
        %get3A_811 = vector.shape_cast %get3A_810 : vector<1x16xf32> to vector<16xf32>
        %mul3A_812 = arith.mulf %get3A_50, %get3A_811 : vector<16xf32>
        %add3A_813 = arith.addf %mul3A_807, %mul3A_812 : vector<16xf32>
        %swap3A_814 = arith.index_cast %scan3A_547 : i32 to index
        %swap3A_815 = arith.constant 256 : index
        %swap3A_816 = tpu.vector_load %arg16[%swap3A_814, %swap3A_815] {strides = array<i32>} : memref<32x512xf32, #tpu.memory_space<vmem>>, vector<1x16xf32>,
        %swap3A_817 = vector.shape_cast %swap3A_816 : vector<1x16xf32> to vector<16xf32>
        %swap3A_818 = vector.shape_cast %add3A_813 : vector<16xf32> to vector<1x16xf32>
        tpu.vector_store %arg16[%swap3A_814, %swap3A_815], %swap3A_818 {strides = array<i32>} : memref<32x512xf32, #tpu.memory_space<vmem>>, vector<1x16xf32>,
        %get3A_819 = arith.index_cast %scan3A_547 : i32 to index
        %get3A_820 = arith.constant 272 : index
        %get3A_821 = tpu.vector_load %arg12[%get3A_819, %get3A_820] {strides = array<i32>} : memref<32x512xf32, #tpu.memory_space<vmem>>, vector<1x16xf32>,
        %get3A_822 = vector.shape_cast %get3A_821 : vector<1x16xf32> to vector<16xf32>
        %mul3A_823 = arith.mulf %get3A_47, %get3A_822 : vector<16xf32>
        %get3A_824 = arith.index_cast %scan3A_547 : i32 to index
        %get3A_825 = arith.constant 272 : index
        %get3A_826 = tpu.vector_load %arg14[%get3A_824, %get3A_825] {strides = array<i32>} : memref<32x512xf32, #tpu.memory_space<vmem>>, vector<1x16xf32>,
        %get3A_827 = vector.shape_cast %get3A_826 : vector<1x16xf32> to vector<16xf32>
        %mul3A_828 = arith.mulf %get3A_50, %get3A_827 : vector<16xf32>
        %add3A_829 = arith.addf %mul3A_823, %mul3A_828 : vector<16xf32>
        %swap3A_830 = arith.index_cast %scan3A_547 : i32 to index
        %swap3A_831 = arith.constant 272 : index
        %swap3A_832 = tpu.vector_load %arg16[%swap3A_830, %swap3A_831] {strides = array<i32>} : memref<32x512xf32, #tpu.memory_space<vmem>>, vector<1x16xf32>,
        %swap3A_833 = vector.shape_cast %swap3A_832 : vector<1x16xf32> to vector<16xf32>
        %swap3A_834 = vector.shape_cast %add3A_829 : vector<16xf32> to vector<1x16xf32>
        tpu.vector_store %arg16[%swap3A_830, %swap3A_831], %swap3A_834 {strides = array<i32>} : memref<32x512xf32, #tpu.memory_space<vmem>>, vector<1x16xf32>,
        %get3A_835 = arith.index_cast %scan3A_547 : i32 to index
        %get3A_836 = arith.constant 288 : index
        %get3A_837 = tpu.vector_load %arg12[%get3A_835, %get3A_836] {strides = array<i32>} : memref<32x512xf32, #tpu.memory_space<vmem>>, vector<1x16xf32>,
        %get3A_838 = vector.shape_cast %get3A_837 : vector<1x16xf32> to vector<16xf32>
        %mul3A_839 = arith.mulf %get3A_47, %get3A_838 : vector<16xf32>
        %get3A_840 = arith.index_cast %scan3A_547 : i32 to index
        %get3A_841 = arith.constant 288 : index
        %get3A_842 = tpu.vector_load %arg14[%get3A_840, %get3A_841] {strides = array<i32>} : memref<32x512xf32, #tpu.memory_space<vmem>>, vector<1x16xf32>,
        %get3A_843 = vector.shape_cast %get3A_842 : vector<1x16xf32> to vector<16xf32>
        %mul3A_844 = arith.mulf %get3A_50, %get3A_843 : vector<16xf32>
        %add3A_845 = arith.addf %mul3A_839, %mul3A_844 : vector<16xf32>
        %swap3A_846 = arith.index_cast %scan3A_547 : i32 to index
        %swap3A_847 = arith.constant 288 : index
        %swap3A_848 = tpu.vector_load %arg16[%swap3A_846, %swap3A_847] {strides = array<i32>} : memref<32x512xf32, #tpu.memory_space<vmem>>, vector<1x16xf32>,
        %swap3A_849 = vector.shape_cast %swap3A_848 : vector<1x16xf32> to vector<16xf32>
        %swap3A_850 = vector.shape_cast %add3A_845 : vector<16xf32> to vector<1x16xf32>
        tpu.vector_store %arg16[%swap3A_846, %swap3A_847], %swap3A_850 {strides = array<i32>} : memref<32x512xf32, #tpu.memory_space<vmem>>, vector<1x16xf32>,
        %get3A_851 = arith.index_cast %scan3A_547 : i32 to index
        %get3A_852 = arith.constant 304 : index
        %get3A_853 = tpu.vector_load %arg12[%get3A_851, %get3A_852] {strides = array<i32>} : memref<32x512xf32, #tpu.memory_space<vmem>>, vector<1x16xf32>,
        %get3A_854 = vector.shape_cast %get3A_853 : vector<1x16xf32> to vector<16xf32>
        %mul3A_855 = arith.mulf %get3A_47, %get3A_854 : vector<16xf32>
        %get3A_856 = arith.index_cast %scan3A_547 : i32 to index
        %get3A_857 = arith.constant 304 : index
        %get3A_858 = tpu.vector_load %arg14[%get3A_856, %get3A_857] {strides = array<i32>} : memref<32x512xf32, #tpu.memory_space<vmem>>, vector<1x16xf32>,
        %get3A_859 = vector.shape_cast %get3A_858 : vector<1x16xf32> to vector<16xf32>
        %mul3A_860 = arith.mulf %get3A_50, %get3A_859 : vector<16xf32>
        %add3A_861 = arith.addf %mul3A_855, %mul3A_860 : vector<16xf32>
        %swap3A_862 = arith.index_cast %scan3A_547 : i32 to index
        %swap3A_863 = arith.constant 304 : index
        %swap3A_864 = tpu.vector_load %arg16[%swap3A_862, %swap3A_863] {strides = array<i32>} : memref<32x512xf32, #tpu.memory_space<vmem>>, vector<1x16xf32>,
        %swap3A_865 = vector.shape_cast %swap3A_864 : vector<1x16xf32> to vector<16xf32>
        %swap3A_866 = vector.shape_cast %add3A_861 : vector<16xf32> to vector<1x16xf32>
        tpu.vector_store %arg16[%swap3A_862, %swap3A_863], %swap3A_866 {strides = array<i32>} : memref<32x512xf32, #tpu.memory_space<vmem>>, vector<1x16xf32>,
        %get3A_867 = arith.index_cast %scan3A_547 : i32 to index
        %get3A_868 = arith.constant 320 : index
        %get3A_869 = tpu.vector_load %arg12[%get3A_867, %get3A_868] {strides = array<i32>} : memref<32x512xf32, #tpu.memory_space<vmem>>, vector<1x16xf32>,
        %get3A_870 = vector.shape_cast %get3A_869 : vector<1x16xf32> to vector<16xf32>
        %mul3A_871 = arith.mulf %get3A_47, %get3A_870 : vector<16xf32>
        %get3A_872 = arith.index_cast %scan3A_547 : i32 to index
        %get3A_873 = arith.constant 320 : index
        %get3A_874 = tpu.vector_load %arg14[%get3A_872, %get3A_873] {strides = array<i32>} : memref<32x512xf32, #tpu.memory_space<vmem>>, vector<1x16xf32>,
        %get3A_875 = vector.shape_cast %get3A_874 : vector<1x16xf32> to vector<16xf32>
        %mul3A_876 = arith.mulf %get3A_50, %get3A_875 : vector<16xf32>
        %add3A_877 = arith.addf %mul3A_871, %mul3A_876 : vector<16xf32>
        %swap3A_878 = arith.index_cast %scan3A_547 : i32 to index
        %swap3A_879 = arith.constant 320 : index
        %swap3A_880 = tpu.vector_load %arg16[%swap3A_878, %swap3A_879] {strides = array<i32>} : memref<32x512xf32, #tpu.memory_space<vmem>>, vector<1x16xf32>,
        %swap3A_881 = vector.shape_cast %swap3A_880 : vector<1x16xf32> to vector<16xf32>
        %swap3A_882 = vector.shape_cast %add3A_877 : vector<16xf32> to vector<1x16xf32>
        tpu.vector_store %arg16[%swap3A_878, %swap3A_879], %swap3A_882 {strides = array<i32>} : memref<32x512xf32, #tpu.memory_space<vmem>>, vector<1x16xf32>,
        %get3A_883 = arith.index_cast %scan3A_547 : i32 to index
        %get3A_884 = arith.constant 336 : index
        %get3A_885 = tpu.vector_load %arg12[%get3A_883, %get3A_884] {strides = array<i32>} : memref<32x512xf32, #tpu.memory_space<vmem>>, vector<1x16xf32>,
        %get3A_886 = vector.shape_cast %get3A_885 : vector<1x16xf32> to vector<16xf32>
        %mul3A_887 = arith.mulf %get3A_47, %get3A_886 : vector<16xf32>
        %get3A_888 = arith.index_cast %scan3A_547 : i32 to index
        %get3A_889 = arith.constant 336 : index
        %get3A_890 = tpu.vector_load %arg14[%get3A_888, %get3A_889] {strides = array<i32>} : memref<32x512xf32, #tpu.memory_space<vmem>>, vector<1x16xf32>,
        %get3A_891 = vector.shape_cast %get3A_890 : vector<1x16xf32> to vector<16xf32>
        %mul3A_892 = arith.mulf %get3A_50, %get3A_891 : vector<16xf32>
        %add3A_893 = arith.addf %mul3A_887, %mul3A_892 : vector<16xf32>
        %swap3A_894 = arith.index_cast %scan3A_547 : i32 to index
        %swap3A_895 = arith.constant 336 : index
        %swap3A_896 = tpu.vector_load %arg16[%swap3A_894, %swap3A_895] {strides = array<i32>} : memref<32x512xf32, #tpu.memory_space<vmem>>, vector<1x16xf32>,
        %swap3A_897 = vector.shape_cast %swap3A_896 : vector<1x16xf32> to vector<16xf32>
        %swap3A_898 = vector.shape_cast %add3A_893 : vector<16xf32> to vector<1x16xf32>
        tpu.vector_store %arg16[%swap3A_894, %swap3A_895], %swap3A_898 {strides = array<i32>} : memref<32x512xf32, #tpu.memory_space<vmem>>, vector<1x16xf32>,
        %get3A_899 = arith.index_cast %scan3A_547 : i32 to index
        %get3A_900 = arith.constant 352 : index
        %get3A_901 = tpu.vector_load %arg12[%get3A_899, %get3A_900] {strides = array<i32>} : memref<32x512xf32, #tpu.memory_space<vmem>>, vector<1x16xf32>,
        %get3A_902 = vector.shape_cast %get3A_901 : vector<1x16xf32> to vector<16xf32>
        %mul3A_903 = arith.mulf %get3A_47, %get3A_902 : vector<16xf32>
        %get3A_904 = arith.index_cast %scan3A_547 : i32 to index
        %get3A_905 = arith.constant 352 : index
        %get3A_906 = tpu.vector_load %arg14[%get3A_904, %get3A_905] {strides = array<i32>} : memref<32x512xf32, #tpu.memory_space<vmem>>, vector<1x16xf32>,
        %get3A_907 = vector.shape_cast %get3A_906 : vector<1x16xf32> to vector<16xf32>
        %mul3A_908 = arith.mulf %get3A_50, %get3A_907 : vector<16xf32>
        %add3A_909 = arith.addf %mul3A_903, %mul3A_908 : vector<16xf32>
        %swap3A_910 = arith.index_cast %scan3A_547 : i32 to index
        %swap3A_911 = arith.constant 352 : index
        %swap3A_912 = tpu.vector_load %arg16[%swap3A_910, %swap3A_911] {strides = array<i32>} : memref<32x512xf32, #tpu.memory_space<vmem>>, vector<1x16xf32>,
        %swap3A_913 = vector.shape_cast %swap3A_912 : vector<1x16xf32> to vector<16xf32>
        %swap3A_914 = vector.shape_cast %add3A_909 : vector<16xf32> to vector<1x16xf32>
        tpu.vector_store %arg16[%swap3A_910, %swap3A_911], %swap3A_914 {strides = array<i32>} : memref<32x512xf32, #tpu.memory_space<vmem>>, vector<1x16xf32>,
        %get3A_915 = arith.index_cast %scan3A_547 : i32 to index
        %get3A_916 = arith.constant 368 : index
        %get3A_917 = tpu.vector_load %arg12[%get3A_915, %get3A_916] {strides = array<i32>} : memref<32x512xf32, #tpu.memory_space<vmem>>, vector<1x16xf32>,
        %get3A_918 = vector.shape_cast %get3A_917 : vector<1x16xf32> to vector<16xf32>
        %mul3A_919 = arith.mulf %get3A_47, %get3A_918 : vector<16xf32>
        %get3A_920 = arith.index_cast %scan3A_547 : i32 to index
        %get3A_921 = arith.constant 368 : index
        %get3A_922 = tpu.vector_load %arg14[%get3A_920, %get3A_921] {strides = array<i32>} : memref<32x512xf32, #tpu.memory_space<vmem>>, vector<1x16xf32>,
        %get3A_923 = vector.shape_cast %get3A_922 : vector<1x16xf32> to vector<16xf32>
        %mul3A_924 = arith.mulf %get3A_50, %get3A_923 : vector<16xf32>
        %add3A_925 = arith.addf %mul3A_919, %mul3A_924 : vector<16xf32>
        %swap3A_926 = arith.index_cast %scan3A_547 : i32 to index
        %swap3A_927 = arith.constant 368 : index
        %swap3A_928 = tpu.vector_load %arg16[%swap3A_926, %swap3A_927] {strides = array<i32>} : memref<32x512xf32, #tpu.memory_space<vmem>>, vector<1x16xf32>,
        %swap3A_929 = vector.shape_cast %swap3A_928 : vector<1x16xf32> to vector<16xf32>
        %swap3A_930 = vector.shape_cast %add3A_925 : vector<16xf32> to vector<1x16xf32>
        tpu.vector_store %arg16[%swap3A_926, %swap3A_927], %swap3A_930 {strides = array<i32>} : memref<32x512xf32, #tpu.memory_space<vmem>>, vector<1x16xf32>,
        %get3A_931 = arith.index_cast %scan3A_547 : i32 to index
        %get3A_932 = arith.constant 384 : index
        %get3A_933 = tpu.vector_load %arg12[%get3A_931, %get3A_932] {strides = array<i32>} : memref<32x512xf32, #tpu.memory_space<vmem>>, vector<1x16xf32>,
        %get3A_934 = vector.shape_cast %get3A_933 : vector<1x16xf32> to vector<16xf32>
        %mul3A_935 = arith.mulf %get3A_47, %get3A_934 : vector<16xf32>
        %get3A_936 = arith.index_cast %scan3A_547 : i32 to index
        %get3A_937 = arith.constant 384 : index
        %get3A_938 = tpu.vector_load %arg14[%get3A_936, %get3A_937] {strides = array<i32>} : memref<32x512xf32, #tpu.memory_space<vmem>>, vector<1x16xf32>,
        %get3A_939 = vector.shape_cast %get3A_938 : vector<1x16xf32> to vector<16xf32>
        %mul3A_940 = arith.mulf %get3A_50, %get3A_939 : vector<16xf32>
        %add3A_941 = arith.addf %mul3A_935, %mul3A_940 : vector<16xf32>
        %swap3A_942 = arith.index_cast %scan3A_547 : i32 to index
        %swap3A_943 = arith.constant 384 : index
        %swap3A_944 = tpu.vector_load %arg16[%swap3A_942, %swap3A_943] {strides = array<i32>} : memref<32x512xf32, #tpu.memory_space<vmem>>, vector<1x16xf32>,
        %swap3A_945 = vector.shape_cast %swap3A_944 : vector<1x16xf32> to vector<16xf32>
        %swap3A_946 = vector.shape_cast %add3A_941 : vector<16xf32> to vector<1x16xf32>
        tpu.vector_store %arg16[%swap3A_942, %swap3A_943], %swap3A_946 {strides = array<i32>} : memref<32x512xf32, #tpu.memory_space<vmem>>, vector<1x16xf32>,
        %get3A_947 = arith.index_cast %scan3A_547 : i32 to index
        %get3A_948 = arith.constant 400 : index
        %get3A_949 = tpu.vector_load %arg12[%get3A_947, %get3A_948] {strides = array<i32>} : memref<32x512xf32, #tpu.memory_space<vmem>>, vector<1x16xf32>,
        %get3A_950 = vector.shape_cast %get3A_949 : vector<1x16xf32> to vector<16xf32>
        %mul3A_951 = arith.mulf %get3A_47, %get3A_950 : vector<16xf32>
        %get3A_952 = arith.index_cast %scan3A_547 : i32 to index
        %get3A_953 = arith.constant 400 : index
        %get3A_954 = tpu.vector_load %arg14[%get3A_952, %get3A_953] {strides = array<i32>} : memref<32x512xf32, #tpu.memory_space<vmem>>, vector<1x16xf32>,
        %get3A_955 = vector.shape_cast %get3A_954 : vector<1x16xf32> to vector<16xf32>
        %mul3A_956 = arith.mulf %get3A_50, %get3A_955 : vector<16xf32>
        %add3A_957 = arith.addf %mul3A_951, %mul3A_956 : vector<16xf32>
        %swap3A_958 = arith.index_cast %scan3A_547 : i32 to index
        %swap3A_959 = arith.constant 400 : index
        %swap3A_960 = tpu.vector_load %arg16[%swap3A_958, %swap3A_959] {strides = array<i32>} : memref<32x512xf32, #tpu.memory_space<vmem>>, vector<1x16xf32>,
        %swap3A_961 = vector.shape_cast %swap3A_960 : vector<1x16xf32> to vector<16xf32>
        %swap3A_962 = vector.shape_cast %add3A_957 : vector<16xf32> to vector<1x16xf32>
        tpu.vector_store %arg16[%swap3A_958, %swap3A_959], %swap3A_962 {strides = array<i32>} : memref<32x512xf32, #tpu.memory_space<vmem>>, vector<1x16xf32>,
        %get3A_963 = arith.index_cast %scan3A_547 : i32 to index
        %get3A_964 = arith.constant 416 : index
        %get3A_965 = tpu.vector_load %arg12[%get3A_963, %get3A_964] {strides = array<i32>} : memref<32x512xf32, #tpu.memory_space<vmem>>, vector<1x16xf32>,
        %get3A_966 = vector.shape_cast %get3A_965 : vector<1x16xf32> to vector<16xf32>
        %mul3A_967 = arith.mulf %get3A_47, %get3A_966 : vector<16xf32>
        %get3A_968 = arith.index_cast %scan3A_547 : i32 to index
        %get3A_969 = arith.constant 416 : index
        %get3A_970 = tpu.vector_load %arg14[%get3A_968, %get3A_969] {strides = array<i32>} : memref<32x512xf32, #tpu.memory_space<vmem>>, vector<1x16xf32>,
        %get3A_971 = vector.shape_cast %get3A_970 : vector<1x16xf32> to vector<16xf32>
        %mul3A_972 = arith.mulf %get3A_50, %get3A_971 : vector<16xf32>
        %add3A_973 = arith.addf %mul3A_967, %mul3A_972 : vector<16xf32>
        %swap3A_974 = arith.index_cast %scan3A_547 : i32 to index
        %swap3A_975 = arith.constant 416 : index
        %swap3A_976 = tpu.vector_load %arg16[%swap3A_974, %swap3A_975] {strides = array<i32>} : memref<32x512xf32, #tpu.memory_space<vmem>>, vector<1x16xf32>,
        %swap3A_977 = vector.shape_cast %swap3A_976 : vector<1x16xf32> to vector<16xf32>
        %swap3A_978 = vector.shape_cast %add3A_973 : vector<16xf32> to vector<1x16xf32>
        tpu.vector_store %arg16[%swap3A_974, %swap3A_975], %swap3A_978 {strides = array<i32>} : memref<32x512xf32, #tpu.memory_space<vmem>>, vector<1x16xf32>,
        %get3A_979 = arith.index_cast %scan3A_547 : i32 to index
        %get3A_980 = arith.constant 432 : index
        %get3A_981 = tpu.vector_load %arg12[%get3A_979, %get3A_980] {strides = array<i32>} : memref<32x512xf32, #tpu.memory_space<vmem>>, vector<1x16xf32>,
        %get3A_982 = vector.shape_cast %get3A_981 : vector<1x16xf32> to vector<16xf32>
        %mul3A_983 = arith.mulf %get3A_47, %get3A_982 : vector<16xf32>
        %get3A_984 = arith.index_cast %scan3A_547 : i32 to index
        %get3A_985 = arith.constant 432 : index
        %get3A_986 = tpu.vector_load %arg14[%get3A_984, %get3A_985] {strides = array<i32>} : memref<32x512xf32, #tpu.memory_space<vmem>>, vector<1x16xf32>,
        %get3A_987 = vector.shape_cast %get3A_986 : vector<1x16xf32> to vector<16xf32>
        %mul3A_988 = arith.mulf %get3A_50, %get3A_987 : vector<16xf32>
        %add3A_989 = arith.addf %mul3A_983, %mul3A_988 : vector<16xf32>
        %swap3A_990 = arith.index_cast %scan3A_547 : i32 to index
        %swap3A_991 = arith.constant 432 : index
        %swap3A_992 = tpu.vector_load %arg16[%swap3A_990, %swap3A_991] {strides = array<i32>} : memref<32x512xf32, #tpu.memory_space<vmem>>, vector<1x16xf32>,
        %swap3A_993 = vector.shape_cast %swap3A_992 : vector<1x16xf32> to vector<16xf32>
        %swap3A_994 = vector.shape_cast %add3A_989 : vector<16xf32> to vector<1x16xf32>
        tpu.vector_store %arg16[%swap3A_990, %swap3A_991], %swap3A_994 {strides = array<i32>} : memref<32x512xf32, #tpu.memory_space<vmem>>, vector<1x16xf32>,
        %get3A_995 = arith.index_cast %scan3A_547 : i32 to index
        %get3A_996 = arith.constant 448 : index
        %get3A_997 = tpu.vector_load %arg12[%get3A_995, %get3A_996] {strides = array<i32>} : memref<32x512xf32, #tpu.memory_space<vmem>>, vector<1x16xf32>,
        %get3A_998 = vector.shape_cast %get3A_997 : vector<1x16xf32> to vector<16xf32>
        %mul3A_999 = arith.mulf %get3A_47, %get3A_998 : vector<16xf32>
        %get3A_1000 = arith.index_cast %scan3A_547 : i32 to index
        %get3A_1001 = arith.constant 448 : index
        %get3A_1002 = tpu.vector_load %arg14[%get3A_1000, %get3A_1001] {strides = array<i32>} : memref<32x512xf32, #tpu.memory_space<vmem>>, vector<1x16xf32>,
        %get3A_1003 = vector.shape_cast %get3A_1002 : vector<1x16xf32> to vector<16xf32>
        %mul3A_1004 = arith.mulf %get3A_50, %get3A_1003 : vector<16xf32>
        %add3A_1005 = arith.addf %mul3A_999, %mul3A_1004 : vector<16xf32>
        %swap3A_1006 = arith.index_cast %scan3A_547 : i32 to index
        %swap3A_1007 = arith.constant 448 : index
        %swap3A_1008 = tpu.vector_load %arg16[%swap3A_1006, %swap3A_1007] {strides = array<i32>} : memref<32x512xf32, #tpu.memory_space<vmem>>, vector<1x16xf32>,
        %swap3A_1009 = vector.shape_cast %swap3A_1008 : vector<1x16xf32> to vector<16xf32>
        %swap3A_1010 = vector.shape_cast %add3A_1005 : vector<16xf32> to vector<1x16xf32>
        tpu.vector_store %arg16[%swap3A_1006, %swap3A_1007], %swap3A_1010 {strides = array<i32>} : memref<32x512xf32, #tpu.memory_space<vmem>>, vector<1x16xf32>,
        %get3A_1011 = arith.index_cast %scan3A_547 : i32 to index
        %get3A_1012 = arith.constant 464 : index
        %get3A_1013 = tpu.vector_load %arg12[%get3A_1011, %get3A_1012] {strides = array<i32>} : memref<32x512xf32, #tpu.memory_space<vmem>>, vector<1x16xf32>,
        %get3A_1014 = vector.shape_cast %get3A_1013 : vector<1x16xf32> to vector<16xf32>
        %mul3A_1015 = arith.mulf %get3A_47, %get3A_1014 : vector<16xf32>
        %get3A_1016 = arith.index_cast %scan3A_547 : i32 to index
        %get3A_1017 = arith.constant 464 : index
        %get3A_1018 = tpu.vector_load %arg14[%get3A_1016, %get3A_1017] {strides = array<i32>} : memref<32x512xf32, #tpu.memory_space<vmem>>, vector<1x16xf32>,
        %get3A_1019 = vector.shape_cast %get3A_1018 : vector<1x16xf32> to vector<16xf32>
        %mul3A_1020 = arith.mulf %get3A_50, %get3A_1019 : vector<16xf32>
        %add3A_1021 = arith.addf %mul3A_1015, %mul3A_1020 : vector<16xf32>
        %swap3A_1022 = arith.index_cast %scan3A_547 : i32 to index
        %swap3A_1023 = arith.constant 464 : index
        %swap3A_1024 = tpu.vector_load %arg16[%swap3A_1022, %swap3A_1023] {strides = array<i32>} : memref<32x512xf32, #tpu.memory_space<vmem>>, vector<1x16xf32>,
        %swap3A_1025 = vector.shape_cast %swap3A_1024 : vector<1x16xf32> to vector<16xf32>
        %swap3A_1026 = vector.shape_cast %add3A_1021 : vector<16xf32> to vector<1x16xf32>
        tpu.vector_store %arg16[%swap3A_1022, %swap3A_1023], %swap3A_1026 {strides = array<i32>} : memref<32x512xf32, #tpu.memory_space<vmem>>, vector<1x16xf32>,
        %get3A_1027 = arith.index_cast %scan3A_547 : i32 to index
        %get3A_1028 = arith.constant 480 : index
        %get3A_1029 = tpu.vector_load %arg12[%get3A_1027, %get3A_1028] {strides = array<i32>} : memref<32x512xf32, #tpu.memory_space<vmem>>, vector<1x16xf32>,
        %get3A_1030 = vector.shape_cast %get3A_1029 : vector<1x16xf32> to vector<16xf32>
        %mul3A_1031 = arith.mulf %get3A_47, %get3A_1030 : vector<16xf32>
        %get3A_1032 = arith.index_cast %scan3A_547 : i32 to index
        %get3A_1033 = arith.constant 480 : index
        %get3A_1034 = tpu.vector_load %arg14[%get3A_1032, %get3A_1033] {strides = array<i32>} : memref<32x512xf32, #tpu.memory_space<vmem>>, vector<1x16xf32>,
        %get3A_1035 = vector.shape_cast %get3A_1034 : vector<1x16xf32> to vector<16xf32>
        %mul3A_1036 = arith.mulf %get3A_50, %get3A_1035 : vector<16xf32>
        %add3A_1037 = arith.addf %mul3A_1031, %mul3A_1036 : vector<16xf32>
        %swap3A_1038 = arith.index_cast %scan3A_547 : i32 to index
        %swap3A_1039 = arith.constant 480 : index
        %swap3A_1040 = tpu.vector_load %arg16[%swap3A_1038, %swap3A_1039] {strides = array<i32>} : memref<32x512xf32, #tpu.memory_space<vmem>>, vector<1x16xf32>,
        %swap3A_1041 = vector.shape_cast %swap3A_1040 : vector<1x16xf32> to vector<16xf32>
        %swap3A_1042 = vector.shape_cast %add3A_1037 : vector<16xf32> to vector<1x16xf32>
        tpu.vector_store %arg16[%swap3A_1038, %swap3A_1039], %swap3A_1042 {strides = array<i32>} : memref<32x512xf32, #tpu.memory_space<vmem>>, vector<1x16xf32>,
        %get3A_1043 = arith.index_cast %scan3A_547 : i32 to index
        %get3A_1044 = arith.constant 496 : index
        %get3A_1045 = tpu.vector_load %arg12[%get3A_1043, %get3A_1044] {strides = array<i32>} : memref<32x512xf32, #tpu.memory_space<vmem>>, vector<1x16xf32>,
        %get3A_1046 = vector.shape_cast %get3A_1045 : vector<1x16xf32> to vector<16xf32>
        %mul3A_1047 = arith.mulf %get3A_47, %get3A_1046 : vector<16xf32>
        %get3A_1048 = arith.index_cast %scan3A_547 : i32 to index
        %get3A_1049 = arith.constant 496 : index
        %get3A_1050 = tpu.vector_load %arg14[%get3A_1048, %get3A_1049] {strides = array<i32>} : memref<32x512xf32, #tpu.memory_space<vmem>>, vector<1x16xf32>,
        %get3A_1051 = vector.shape_cast %get3A_1050 : vector<1x16xf32> to vector<16xf32>
        %mul3A_1052 = arith.mulf %get3A_50, %get3A_1051 : vector<16xf32>
        %add3A_1053 = arith.addf %mul3A_1047, %mul3A_1052 : vector<16xf32>
        %swap3A_1054 = arith.index_cast %scan3A_547 : i32 to index
        %swap3A_1055 = arith.constant 496 : index
        %swap3A_1056 = tpu.vector_load %arg16[%swap3A_1054, %swap3A_1055] {strides = array<i32>} : memref<32x512xf32, #tpu.memory_space<vmem>>, vector<1x16xf32>,
        %swap3A_1057 = vector.shape_cast %swap3A_1056 : vector<1x16xf32> to vector<16xf32>
        %swap3A_1058 = vector.shape_cast %add3A_1053 : vector<16xf32> to vector<1x16xf32>
        tpu.vector_store %arg16[%swap3A_1054, %swap3A_1055], %swap3A_1058 {strides = array<i32>} : memref<32x512xf32, #tpu.memory_space<vmem>>, vector<1x16xf32>,
      }
      %scan3A_506 = arith.constant 32 : i32
      %mul3A_507 = arith.constant 384 : i32
      %mul3A_508 = arith.muli %select_n3A_32, %mul3A_507 : i32
      %mul3A_509 = arith.constant 32 : i32
      %mul3A_510 = arith.muli %add3A_212, %mul3A_509 : i32
      %add3A_511 = arith.addi %mul3A_508, %mul3A_510 : i32
      %jit3A_512 = arith.constant 512 : i32
      %div3A_513 = arith.divsi %add3A_511, %jit3A_512 : i32
      %sign3A_514 = arith.constant 0 : i32
      %sign3A_515 = arith.cmpi sgt, %add3A_511, %sign3A_514 : i32
      %sign3A_516 = arith.extui %sign3A_515 : i1 to i32
      %sign3A_517 = arith.constant 0 : i32
      %sign3A_518 = arith.cmpi slt, %add3A_511, %sign3A_517 : i32
      %sign3A_519 = arith.extui %sign3A_518 : i1 to i32
      %sign3A_520 = arith.subi %sign3A_516, %sign3A_519 : i32
      %sign3A_521 = arith.constant 0 : i32
      %sign3A_522 = arith.cmpi sgt, %jit3A_512, %sign3A_521 : i32
      %sign3A_523 = arith.extui %sign3A_522 : i1 to i32
      %sign3A_524 = arith.constant 0 : i32
      %sign3A_525 = arith.cmpi slt, %jit3A_512, %sign3A_524 : i32
      %sign3A_526 = arith.extui %sign3A_525 : i1 to i32
      %sign3A_527 = arith.subi %sign3A_523, %sign3A_526 : i32
      %ne3A_528 = arith.cmpi ne, %sign3A_520, %sign3A_527 : i32
      %rem3A_529 = arith.remsi %add3A_511, %jit3A_512 : i32
      %ne3A_530 = arith.constant 0 : i32
      %ne3A_531 = arith.cmpi ne, %rem3A_529, %ne3A_530 : i32
      %and3A_532 = arith.andi %ne3A_528, %ne3A_531 : i1
      %sub3A_533 = arith.constant 1 : i32
      %sub3A_534 = arith.subi %div3A_513, %sub3A_533 : i32
      %select_n3A_535 = arith.select %and3A_532, %sub3A_534, %div3A_513 : i32
      %mul3A_536 = arith.constant 512 : i32
      %mul3A_537 = arith.muli %select_n3A_535, %mul3A_536 : i32
      %sub3A_538 = arith.subi %add3A_511, %mul3A_537 : i32
      %sub3A_539 = arith.constant 24 : i32
      %sub3A_540 = arith.subi %add3A_18, %sub3A_539 : i32
      %dma_start3A_541 = arith.constant 0 : i32
      %dma_start3A_542 = tpu.memref_slice %arg7[%sub3A_540, %select_n3A_535, %sub3A_538, %dma_start3A_541] : memref<8x3x512x512xf32, #tpu.memory_space<hbm>> -> memref<1x1x32x512xf32, #tpu.memory_space<hbm>>
      %dma_start3A_543 = tpu.memref_squeeze %dma_start3A_542 : memref<1x1x32x512xf32, #tpu.memory_space<hbm>> -> memref<32x512xf32, #tpu.memory_space<hbm>>
      %dma_start3A_544 = arith.constant 0 : i32
      %dma_start3A_545 = tpu.memref_slice %arg7[%sub3A_540, %select_n3A_535, %sub3A_538, %dma_start3A_544] : memref<8x3x512x512xf32, #tpu.memory_space<hbm>> -> memref<1x1x32x512xf32, #tpu.memory_space<hbm>>
      %dma_start3A_546 = tpu.memref_squeeze %dma_start3A_545 : memref<1x1x32x512xf32, #tpu.memory_space<hbm>> -> memref<32x512xf32, #tpu.memory_space<hbm>>
      tpu.enqueue_dma source(%arg16 : memref<32x512xf32, #tpu.memory_space<vmem>>) target(%dma_start3A_546 : memref<32x512xf32, #tpu.memory_space<hbm>>) target_semaphore(%arg23 : memref<!tpu.dma_semaphore, #tpu.memory_space<semaphore_mem>>)
    }
    %scan3A_129 = arith.constant 6 : i32
    %mul3A_130 = arith.constant 384 : i32
    %mul3A_131 = arith.muli %select_n3A_32, %mul3A_130 : i32
    %add3A_132 = arith.constant 320 : i32
    %add3A_133 = arith.addi %mul3A_131, %add3A_132 : i32
    %jit3A_134 = arith.constant 512 : i32
    %div3A_135 = arith.divsi %add3A_133, %jit3A_134 : i32
    %sign3A_136 = arith.constant 0 : i32
    %sign3A_137 = arith.cmpi sgt, %add3A_133, %sign3A_136 : i32
    %sign3A_138 = arith.extui %sign3A_137 : i1 to i32
    %sign3A_139 = arith.constant 0 : i32
    %sign3A_140 = arith.cmpi slt, %add3A_133, %sign3A_139 : i32
    %sign3A_141 = arith.extui %sign3A_140 : i1 to i32
    %sign3A_142 = arith.subi %sign3A_138, %sign3A_141 : i32
    %sign3A_143 = arith.constant 0 : i32
    %sign3A_144 = arith.cmpi sgt, %jit3A_134, %sign3A_143 : i32
    %sign3A_145 = arith.extui %sign3A_144 : i1 to i32
    %sign3A_146 = arith.constant 0 : i32
    %sign3A_147 = arith.cmpi slt, %jit3A_134, %sign3A_146 : i32
    %sign3A_148 = arith.extui %sign3A_147 : i1 to i32
    %sign3A_149 = arith.subi %sign3A_145, %sign3A_148 : i32
    %ne3A_150 = arith.cmpi ne, %sign3A_142, %sign3A_149 : i32
    %rem3A_151 = arith.remsi %add3A_133, %jit3A_134 : i32
    %ne3A_152 = arith.constant 0 : i32
    %ne3A_153 = arith.cmpi ne, %rem3A_151, %ne3A_152 : i32
    %and3A_154 = arith.andi %ne3A_150, %ne3A_153 : i1
    %sub3A_155 = arith.constant 1 : i32
    %sub3A_156 = arith.subi %div3A_135, %sub3A_155 : i32
    %select_n3A_157 = arith.select %and3A_154, %sub3A_156, %div3A_135 : i32
    %mul3A_158 = arith.constant 512 : i32
    %mul3A_159 = arith.muli %select_n3A_157, %mul3A_158 : i32
    %sub3A_160 = arith.subi %add3A_133, %mul3A_159 : i32
    %sub3A_161 = arith.constant 24 : i32
    %sub3A_162 = arith.subi %add3A_18, %sub3A_161 : i32
    %dma_wait3A_163 = arith.constant 0 : i32
    %dma_wait3A_164 = tpu.memref_slice %arg7[%sub3A_162, %select_n3A_157, %sub3A_160, %dma_wait3A_163] : memref<8x3x512x512xf32, #tpu.memory_space<hbm>> -> memref<1x1x32x512xf32, #tpu.memory_space<hbm>>
    %dma_wait3A_165 = tpu.memref_squeeze %dma_wait3A_164 : memref<1x1x32x512xf32, #tpu.memory_space<hbm>> -> memref<32x512xf32, #tpu.memory_space<hbm>>
    %dma_wait3A_166 = arith.constant 0 : i32
    %dma_wait3A_167 = tpu.memref_slice %arg7[%sub3A_162, %select_n3A_157, %sub3A_160, %dma_wait3A_166] : memref<8x3x512x512xf32, #tpu.memory_space<hbm>> -> memref<1x1x32x512xf32, #tpu.memory_space<hbm>>
    %dma_wait3A_168 = tpu.memref_squeeze %dma_wait3A_167 : memref<1x1x32x512xf32, #tpu.memory_space<hbm>> -> memref<32x512xf32, #tpu.memory_space<hbm>>
    tpu.wait_dma2 semaphore(%arg22 : memref<!tpu.dma_semaphore, #tpu.memory_space<semaphore_mem>>) src(%arg15 : memref<32x512xf32, #tpu.memory_space<vmem>>) dst(%dma_wait3A_168 : memref<32x512xf32, #tpu.memory_space<hbm>>)
    %mul3A_169 = arith.constant 384 : i32
    %mul3A_170 = arith.muli %select_n3A_32, %mul3A_169 : i32
    %add3A_171 = arith.constant 352 : i32
    %add3A_172 = arith.addi %mul3A_170, %add3A_171 : i32
    %jit3A_173 = arith.constant 512 : i32
    %div3A_174 = arith.divsi %add3A_172, %jit3A_173 : i32
    %sign3A_175 = arith.constant 0 : i32
    %sign3A_176 = arith.cmpi sgt, %add3A_172, %sign3A_175 : i32
    %sign3A_177 = arith.extui %sign3A_176 : i1 to i32
    %sign3A_178 = arith.constant 0 : i32
    %sign3A_179 = arith.cmpi slt, %add3A_172, %sign3A_178 : i32
    %sign3A_180 = arith.extui %sign3A_179 : i1 to i32
    %sign3A_181 = arith.subi %sign3A_177, %sign3A_180 : i32
    %sign3A_182 = arith.constant 0 : i32
    %sign3A_183 = arith.cmpi sgt, %jit3A_173, %sign3A_182 : i32
    %sign3A_184 = arith.extui %sign3A_183 : i1 to i32
    %sign3A_185 = arith.constant 0 : i32
    %sign3A_186 = arith.cmpi slt, %jit3A_173, %sign3A_185 : i32
    %sign3A_187 = arith.extui %sign3A_186 : i1 to i32
    %sign3A_188 = arith.subi %sign3A_184, %sign3A_187 : i32
    %ne3A_189 = arith.cmpi ne, %sign3A_181, %sign3A_188 : i32
    %rem3A_190 = arith.remsi %add3A_172, %jit3A_173 : i32
    %ne3A_191 = arith.constant 0 : i32
    %ne3A_192 = arith.cmpi ne, %rem3A_190, %ne3A_191 : i32
    %and3A_193 = arith.andi %ne3A_189, %ne3A_192 : i1
    %sub3A_194 = arith.constant 1 : i32
    %sub3A_195 = arith.subi %div3A_174, %sub3A_194 : i32
    %select_n3A_196 = arith.select %and3A_193, %sub3A_195, %div3A_174 : i32
    %mul3A_197 = arith.constant 512 : i32
    %mul3A_198 = arith.muli %select_n3A_196, %mul3A_197 : i32
    %sub3A_199 = arith.subi %add3A_172, %mul3A_198 : i32
    %sub3A_200 = arith.constant 24 : i32
    %sub3A_201 = arith.subi %add3A_18, %sub3A_200 : i32
    %dma_wait3A_202 = arith.constant 0 : i32
    %dma_wait3A_203 = tpu.memref_slice %arg7[%sub3A_201, %select_n3A_196, %sub3A_199, %dma_wait3A_202] : memref<8x3x512x512xf32, #tpu.memory_space<hbm>> -> memref<1x1x32x512xf32, #tpu.memory_space<hbm>>
    %dma_wait3A_204 = tpu.memref_squeeze %dma_wait3A_203 : memref<1x1x32x512xf32, #tpu.memory_space<hbm>> -> memref<32x512xf32, #tpu.memory_space<hbm>>
    %dma_wait3A_205 = arith.constant 0 : i32
    %dma_wait3A_206 = tpu.memref_slice %arg7[%sub3A_201, %select_n3A_196, %sub3A_199, %dma_wait3A_205] : memref<8x3x512x512xf32, #tpu.memory_space<hbm>> -> memref<1x1x32x512xf32, #tpu.memory_space<hbm>>
    %dma_wait3A_207 = tpu.memref_squeeze %dma_wait3A_206 : memref<1x1x32x512xf32, #tpu.memory_space<hbm>> -> memref<32x512xf32, #tpu.memory_space<hbm>>
    tpu.wait_dma2 semaphore(%arg23 : memref<!tpu.dma_semaphore, #tpu.memory_space<semaphore_mem>>) src(%arg16 : memref<32x512xf32, #tpu.memory_space<vmem>>) dst(%dma_wait3A_207 : memref<32x512xf32, #tpu.memory_space<hbm>>)
    return
  }
}

module attributes {stable_mosaic.version = 14 : i64} {
  func.func @_combine_body(%arg0: i32, %arg1: memref<32xi32, #tpu.memory_space<smem>>, %arg2: memref<1000xf32, #tpu.memory_space<smem>>, %arg3: memref<1000xf32, #tpu.memory_space<smem>>, %arg4: memref<1x3x512x512xf32, #tpu.memory_space<vmem>>, %arg5: memref<1x3x512x512xf32, #tpu.memory_space<vmem>>, %arg6: memref<1x3x512x512xf32, #tpu.memory_space<vmem>>) attributes {dimension_semantics = [#tpu.dimension_semantics<arbitrary>], iteration_bounds = array<i64: 24>, scalar_prefetch = 0 : i64, scratch_operands = 0 : i64, tpu.core_type = #tpu.core_type<tc>, window_params = [{transform_indices = @transform_0, window_bounds = array<i64: 32>}, {transform_indices = @transform_1, window_bounds = array<i64: 1000>}, {transform_indices = @transform_2, window_bounds = array<i64: 1000>}, {transform_indices = @transform_3, window_bounds = array<i64: 1, 3, 512, 512>}, {transform_indices = @transform_4, window_bounds = array<i64: 1, 3, 512, 512>}, {transform_indices = @transform_5, window_bounds = array<i64: 1, 3, 512, 512>}]} {
    %get3A = arith.index_cast %arg0 : i32 to index
    %get3A_0 = memref.load %arg1[%get3A] : memref<32xi32, #tpu.memory_space<smem>>
    %get3A_1 = arith.index_cast %get3A_0 : i32 to index
    %get3A_2 = memref.load %arg2[%get3A_1] : memref<1000xf32, #tpu.memory_space<smem>>
    %get3A_3 = arith.index_cast %get3A_0 : i32 to index
    %get3A_4 = memref.load %arg3[%get3A_3] : memref<1000xf32, #tpu.memory_space<smem>>
    %get3A_5 = arith.constant 0 : index
    %get3A_6 = arith.constant 0 : index
    %get3A_7 = arith.constant 0 : index
    %get3A_8 = arith.constant 0 : index
    %get3A_9 = vector.load %arg4[%get3A_5, %get3A_6, %get3A_7, %get3A_8] : memref<1x3x512x512xf32, #tpu.memory_space<vmem>>, vector<1x3x512x512xf32>
    %mul3A = vector.broadcast %get3A_2 : f32 to vector<1x3x512x512xf32>
    %mul3A_10 = arith.mulf %mul3A, %get3A_9 : vector<1x3x512x512xf32>
    %get3A_11 = arith.constant 0 : index
    %get3A_12 = arith.constant 0 : index
    %get3A_13 = arith.constant 0 : index
    %get3A_14 = arith.constant 0 : index
    %get3A_15 = vector.load %arg5[%get3A_11, %get3A_12, %get3A_13, %get3A_14] : memref<1x3x512x512xf32, #tpu.memory_space<vmem>>, vector<1x3x512x512xf32>
    %mul3A_16 = vector.broadcast %get3A_4 : f32 to vector<1x3x512x512xf32>
    %mul3A_17 = arith.mulf %mul3A_16, %get3A_15 : vector<1x3x512x512xf32>
    %add3A = arith.addf %mul3A_10, %mul3A_17 : vector<1x3x512x512xf32>
    %swap3A = arith.constant 0 : index
    %swap3A_18 = arith.constant 0 : index
    %swap3A_19 = arith.constant 0 : index
    %swap3A_20 = arith.constant 0 : index
    %swap3A_21 = vector.load %arg6[%swap3A, %swap3A_18, %swap3A_19, %swap3A_20] : memref<1x3x512x512xf32, #tpu.memory_space<vmem>>, vector<1x3x512x512xf32>
    tpu.vector_store %arg6[%swap3A, %swap3A_18, %swap3A_19, %swap3A_20], %add3A {strides = array<i32>} : memref<1x3x512x512xf32, #tpu.memory_space<vmem>>, vector<1x3x512x512xf32>,
    return
  }
  func.func @transform_0(%arg0: i32) -> i32 {
    %c0_i32 = arith.constant 0 : i32
    %c0_i32_0 = arith.constant 0 : i32
    return %c0_i32 : i32
  }
  func.func @transform_1(%arg0: i32) -> i32 {
    %c0_i32 = arith.constant 0 : i32
    %c0_i32_0 = arith.constant 0 : i32
    return %c0_i32 : i32
  }
  func.func @transform_2(%arg0: i32) -> i32 {
    %c0_i32 = arith.constant 0 : i32
    %c0_i32_0 = arith.constant 0 : i32
    return %c0_i32 : i32
  }
  func.func @transform_3(%arg0: i32) -> (i32, i32, i32, i32) {
    %c0_i32 = arith.constant 0 : i32
    %c0_i32_0 = arith.constant 0 : i32
    %c0_i32_1 = arith.constant 0 : i32
    %c0_i32_2 = arith.constant 0 : i32
    return %arg0, %c0_i32, %c0_i32_0, %c0_i32_1 : i32, i32, i32, i32
  }
  func.func @transform_4(%arg0: i32) -> (i32, i32, i32, i32) {
    %c0_i32 = arith.constant 0 : i32
    %c0_i32_0 = arith.constant 0 : i32
    %c0_i32_1 = arith.constant 0 : i32
    %c0_i32_2 = arith.constant 0 : i32
    return %arg0, %c0_i32, %c0_i32_0, %c0_i32_1 : i32, i32, i32, i32
  }
  func.func @transform_5(%arg0: i32) -> (i32, i32, i32, i32) {
    %c0_i32 = arith.constant 0 : i32
    %c0_i32_0 = arith.constant 0 : i32
    %c0_i32_1 = arith.constant 0 : i32
    %c0_i32_2 = arith.constant 0 : i32
    return %arg0, %c0_i32, %c0_i32_0, %c0_i32_1 : i32, i32, i32, i32
  }
}

</mosaic_0001>

<sc_bundles>
// kernel: kernel.4.cloned.1.call-start
scs
__scs_entry_jumppad:
0x0: {  	(pc) =	sbr.rel $0x88, $3  }
0x1: {  	(tag) =	ssettag $0x0;
	lr =	simm.s32 $0x1  }
0x2: {  	[smem:$0x3F9C] =	sst lr;
	_ =	strace $0xD0000000  }
0x3: {  	_ = 	snop  }
0x4: {  	_ = 	snop  }
0x5: {  	_ = 	snop  }
0x6: {  	_ = 	snop  }
0x7: {  	_ = 	snop  }
__scs_overlays_trampoline_lowered:
0x8: {  	[smem:$0x3FAB] =	sst s0  }
0x9: {  	[smem:$0x3FAC] =	sst s1  }
0xa: {  	[smem:$0x3FAD] =	sst s2  }
0xb: {  	[smem:$0x3FAE] =	sst s3  }
0xc: {  	[smem:$0x3FAF] =	sst s4  }
0xd: {  	[smem:$0x3FB0] =	sst s5  }
0xe: {  	[smem:$0x3FB1] =	sst s6  }
0xf: {  	[smem:$0x3FB2] =	sst s7  }
0x10: {  	[smem:$0x3FB3] =	sst s8  }
0x11: {  	[smem:$0x3FB4] =	sst s9;
	s0 =	simm.s32 @!p0 $0x0  }
0x12: {  	s1 =	sld [smem:$0x3F9A];
	s0 =	simm.s32 @p0 $0x1  }
0x13: {  	[smem:$0x3FB5] =	sst s0;
	s0 =	simm.s32 @!p1 $0x0  }
0x14: {  	s2 =	sld [smem:$0x3F99];
	s0 =	simm.s32 @p1 $0x1  }
0x15: {  	[smem:$0x3FB6] =	sst s0;
	s0 =	simm.s32 @!p2 $0x0  }
0x16: {  	s3 =	sld [smem:$0x3FDB];
	s0 =	simm.s32 @p2 $0x1  }
0x17: {  	s4 =	simm.s32 $0x1BF5;
	[smem:$0x3FB8] =	sst s0  }
0x18: {  	s0 =	sld [smem:$0x3F9B];
	_ =	swait.ge [sflag:s4], $0x0  }
0x19: {  	s7 =	sld [smem:$0x3F9C]  }
0x1a: {  	s8 =	sadd.s32 $0xFFFFE003, lr  }
0x1b: {  	s9 =	sadd.s32 $0xFFFFFEF7, lr;
	s5 =	simm.s32 $0xFFFFFFFF;
	p2 =	slt.u32 s8, $0xFFFFF086  }
0x1c: {  	p1 =	slt.u32 s9, $0xF7A;
	s5 =	simm.s32 @!p2 $0x0  }
0x1d: {  	s5 =	simm.s32 @p1 $0x1;
	p0 =	seq.s32 s7, s2  }
0x1e: {  	s7 =	smul.u32 @!p0 $0xF7A, s2;
	p2 =	seq.s32 @!p0 s5, $0x0  }
0x1f: {  	s9 =	smul.u32 $0xF7A, s1;
	s8 =	simm.s32 @!p0 $0x1BF5;
	p2 =	por !p2, p0  }
0x20: {  	[sflag:s8] =	ssyncset.s32 @!p0 $0xFFFFF086;
	s6 =	sadd.s32 @!p0 s3, s7;
	s7 =	simm.s32 @!p0 $0x108  }
0x21: {  	s3 =	sadd.s32 s3, s9;
	s6 =	sadd.s32 @!p0 $0x88, s6;
	s7 =	simm.s32 @p2 $0x1082  }
0x22: {  	[simem:s7], [sflag:s8] =	dma.local @!p0 [hbm:s6], $0xF7A  }
0x23: {  	s9 =	sor.u32 $0xD0000000, s2;
	s6 =	simm.s32 $0x108;
	_ =	swait.ge @!p0 [sflag:s8], $0x0  }
0x24: {  	s3 =	sadd.s32 $0x88, s3;
	s6 =	simm.s32 @!p1 $0x1082;
	[sflag:s4] =	ssyncset.s32 $0xFFFFF086  }
0x25: {  	[simem:s6], [sflag:s4] =	dma.local [hbm:s3], $0xF7A  }
0x26: {  	[smem:$0x3F9C] =	sst s1;
	(tag) =	ssettag s2;
	_ =	strace s9  }
0x27: {  	s1 =	sld [smem:$0x3FAC]  }
0x28: {  	s2 =	sld [smem:$0x3FAD]  }
0x29: {  	s4 =	sld [smem:$0x3FAF]  }
0x2a: {  	p0 =	seq.s32 s5, $0x0;
	s5 =	sld [smem:$0x3FB0]  }
0x2b: {  	s6 =	sld [smem:$0x3FB1]  }
0x2c: {  	s7 =	sld [smem:$0x3FB2]  }
0x2d: {  	s3 =	simm.s32 $0x108;
	s8 =	sld [smem:$0x3FB3]  }
0x2e: {  	s3 =	simm.s32 @!p0 $0x1082;
	s9 =	sld [smem:$0x3FB4]  }
0x2f: {  	lr =	sadd.s32 s0, s3;
	s0 =	sld [smem:$0x3FAB]  }
0x30: {  	s3 =	sld [smem:$0x3FAE]  }
0x31: {  	[smem:$0x3FB7] =	sst s10  }
0x32: {  	s10 =	sld [smem:$0x3FB5];
	_ =	sdelay $0x3  }
0x33: {  	p0 =	seq.s32 s10, $0x1;
	s10 =	sld [smem:$0x3FB7];
	_ =	sdelay $0x3  }
0x34: {  	[smem:$0x3FB7] =	sst s10  }
0x35: {  	s10 =	sld [smem:$0x3FB6];
	_ =	sdelay $0x3  }
0x36: {  	p1 =	seq.s32 s10, $0x1;
	s10 =	sld [smem:$0x3FB7];
	_ =	sdelay $0x3  }
0x37: {  	[smem:$0x3FB7] =	sst s10  }
0x38: {  	s10 =	sld [smem:$0x3FB8]  }
0x39: {  	_ = 	snop;
	(pc) =	sbr.ind lr, $3  }
0x3a: {  	_ = 	snop  }
0x3b: {  	_ = 	snop  }
0x3c: {  	p2 =	seq.s32 s10, $0x1;
	s10 =	sld [smem:$0x3FB7]  }
0x3d: {  	_ =	shalt  }
0x3e: {  	_ =	shalt  }
0x3f: {  	_ =	shalt  }
0x40: {  	_ =	shalt  }
0x41: {  	_ =	shalt  }
0x42: {  	_ =	shalt  }
0x43: {  	_ =	shalt  }
0x44: {  	_ =	shalt  }
0x45: {  	_ =	shalt  }
0x46: {  	_ =	shalt  }
0x47: {  	_ =	shalt  }
0x48: {  	_ =	shalt  }
0x49: {  	_ =	shalt  }
0x4a: {  	_ =	shalt  }
0x4b: {  	_ =	shalt  }
0x4c: {  	_ =	shalt  }
0x4d: {  	_ =	shalt  }
0x4e: {  	_ =	shalt  }
0x4f: {  	_ =	shalt  }
0x50: {  	_ =	shalt  }
0x51: {  	_ =	shalt  }
0x52: {  	_ =	shalt  }
0x53: {  	_ =	shalt  }
0x54: {  	_ =	shalt  }
0x55: {  	_ =	shalt  }
0x56: {  	_ =	shalt  }
0x57: {  	_ =	shalt  }
0x58: {  	_ =	shalt  }
0x59: {  	_ =	shalt  }
0x5a: {  	_ =	shalt  }
0x5b: {  	_ =	shalt  }
0x5c: {  	_ =	shalt  }
0x5d: {  	_ =	shalt  }
0x5e: {  	_ =	shalt  }
0x5f: {  	_ =	shalt  }
0x60: {  	_ =	shalt  }
0x61: {  	_ =	shalt  }
0x62: {  	_ =	shalt  }
0x63: {  	_ =	shalt  }
0x64: {  	_ =	shalt  }
0x65: {  	_ =	shalt  }
0x66: {  	_ =	shalt  }
0x67: {  	_ =	shalt  }
0x68: {  	_ =	shalt  }
0x69: {  	_ =	shalt  }
0x6a: {  	_ =	shalt  }
0x6b: {  	_ =	shalt  }
0x6c: {  	_ =	shalt  }
0x6d: {  	_ =	shalt  }
0x6e: {  	_ =	shalt  }
0x6f: {  	_ =	shalt  }
0x70: {  	_ =	shalt  }
0x71: {  	_ =	shalt  }
0x72: {  	_ =	shalt  }
0x73: {  	_ =	shalt  }
0x74: {  	_ =	shalt  }
0x75: {  	_ =	shalt  }
0x76: {  	_ =	shalt  }
0x77: {  	_ =	shalt  }
0x78: {  	_ =	shalt  }
0x79: {  	_ =	shalt  }
0x7a: {  	_ =	shalt  }
0x7b: {  	_ =	shalt  }
0x7c: {  	_ =	shalt  }
0x7d: {  	_ =	shalt  }
0x7e: {  	_ =	shalt  }
0x7f: {  	_ =	shalt  }
0x80: {  	_ =	shalt  }
0x81: {  	_ =	shalt  }
0x82: {  	_ =	shalt  }
0x83: {  	_ =	shalt  }
0x84: {  	_ =	shalt  }
0x85: {  	_ =	shalt  }
0x86: {  	_ =	shalt  }
0x87: {  	_ =	shalt  }
.Lfunc_end0:
.L_simem_size_0:
called_computation_lowered:
.L_overlay_start_0:
0x88: {  	s2 =	sld [smem:$0x3FD9]  }
0x89: {  	s3 =	sld [smem:$0x3FFE];
	_ =	sdelay $0x1  }
0x8a: {  	s1 =	srdreg.scid  }
0x8b: {  	s0 =	sand.u32 $0x1, s1  }
0x8c: {  	s17 =	sshll.u32 s0, $0xA;
	s2 =	sadd.s32 s3, s2  }
0x8d: {  	s2 =	sadd.s32 s2, s17  }
0x8e: {  	[smem:$0x3FC3] =	sst s2  }
0x8f: {  	_ = 	snop  }
0x90: {  	s2 =	sld [smem:$0x3FC9]  }
0x91: {  	s18 =	sld [smem:$0x3FC8]  }
0x92: {  	s4 =	sld [smem:$0x3FC7]  }
0x93: {  	s5 =	sld [smem:$0x3FC6]  }
0x94: {  	s6 =	sld [smem:$0x3FC5];
	(tm) =	ssettm $0x1  }
0x95: {  	s7 =	sld [smem:$0x3FFB];
	_ =	sdelay $0x3  }
0x96: {  	_ =	strace s7  }
0x97: {  	s7 =	sld [smem:$0x3FFC];
	_ =	sdelay $0x3  }
0x98: {  	_ =	strace s7  }
0x99: {  	s7 =	sld [smem:$0x3FFD];
	_ =	sdelay $0x3  }
0x9a: {  	_ =	strace s7  }
0x9b: {  	_ =	strace $0x8FFFFFFF  }
0x9c: {  	s19 =	sld [smem:$0x3FDB];
	_ =	sdelay $0x1  }
0x9d: {  	s8 =	simm.s32 $_scs_section_size  }
0x9e: {  	s9 =	simm.s32 $_size__tile_overlayer_lowered;
	s10 =	simm.s32 $_tile_overlayer_lowered  }
0x9f: {  	s22 =	simm.s32 $0x1BFF;
	s21 =	sshll.u32 s10, $0x1;
	s7 =	sadd.s32 s8, s19  }
0xa0: {  	s11 =	simm.s32 $0x0;
	s20 =	sshll.u32 s9, $0x1;
	s9 =	sadd.s32 s21, s7  }
0xa1: {  	[timem:s11], [sflag:s22] =	dma.local [hbm:s9], s20  }
0xa2: {  	_ =	swait.ge [sflag:s22], s20  }
0xa3: {  	s8 =	ssub.s32 $0x0, s20;
	[sflag:s22] =	ssyncset.done $0x0  }
0xa4: {  	[sflag:s22] =	ssyncadd.s32 s8;
	_ =	sdelay $0x1  }
0xa5: {  	s23 =	simm.s32 $0x1B8B  }
0xa6: {  	_ =	swait.ge [sflag:s23], $0x1  }
0xa7: {  	[sflag:s23] =	ssyncset.done $0x0  }
0xa8: {  	s25 =	simm.s32 $0x1B8E;
	s24 =	sld [smem:$0x3FFE];
	[sflag:s23] =	ssyncadd.s32 $0xFFFFFFFF  }
0xa9: {  	s26 =	simm.s32 $execute0_lowered;
	[smem:$0x3FD2] =	sst s25  }
0xaa: {  	s9 =	sshll.u32 s26, $0x1;
	_ =	strace $0x80000046;
	[dreg:$0x1] =	wrdreg $0xFFFFFFFF  }
0xab: {  	s28 =	simm.s32 $_size_execute0_lowered;
	s7 =	sadd.s32 s7, s9;
	[dreg:$0x0] =	wrdreg $0x0  }
0xac: {  	s9 =	sshll.u32 s28, $0x1;
	[dreg:$0x2] =	wrdreg s7  }
0xad: {  	[dreg:$0x3] =	wrdreg s9  }
0xae: {  	[dreg:$0x4] =	wrdreg $0xC0  }
0xaf: {  	_ =	task [dreg:s11], $0x5FFFF  }
0xb0: {  	[dreg:$0x1] =	wrdreg $0xFFFFFFFF  }
0xb1: {  	[dreg:$0x0] =	wrdreg $0x60  }
0xb2: {  	[dreg:$0x2] =	wrdreg s2  }
0xb3: {  	[dreg:$0x3] =	wrdreg s18  }
0xb4: {  	[dreg:$0x4] =	wrdreg s4  }
0xb5: {  	[dreg:$0x5] =	wrdreg s5  }
0xb6: {  	[dreg:$0x6] =	wrdreg s6  }
0xb7: {  	[dreg:$0x7] =	wrdreg s24  }
0xb8: {  	[dreg:$0x8] =	wrdreg $0x9  }
0xb9: {  	_ =	task.clear_ibuf [dreg:s11], $0x9FFFF;
	_ =	strace $0x90000046  }
0xba: {  	s29 =	simm.s32 $0x9;
	_ =	strace $0x80000048  }
0xbb: {  	_ =	swait.ge [sflag:s29], $0x1  }
0xbc: {  	[sflag:s29] =	ssyncadd.s32 $0xFFFFFFFF  }
0xbd: {  	_ =	strace $0x90000048  }
0xbe: {  	_ =	sfence  }
0xbf: {  	s30 =	sld [smem:$0x0];
	_ =	sdelay $0x2  }
0xc0: {  	s31 =	sshll.u32 s1, $0xD;
	s1 =	sshrl.u32 s1, $0x2  }
0xc1: {  	s3 =	sand.u32 $0x4000, s31;
	s1 =	sadd.s32 s1, s30  }
0xc2: {  	s0 =	sor.u32 s3, s0;
	s1 =	sshll.u32 s1, $0x11  }
0xc3: {  	s0 =	sor.u32 s1, s0  }
0xc4: {  	s0 =	sadd.s32 $0x8F2B, s0  }
0xc5: {  	[sflag:s0] =	ssyncadd.remote.s32 $0x1  }
0xc6: {  	_ =	sfence.sel $0xFFFF  }
0xc7: {  	[dreg:$0x0] =	wrdreg $0xFFFFFFFF;
	(pc) =	sbr.abs _section_cstart, $3  }
0xc8: {  	[dreg:$0x1] =	wrdreg $0xFFFFFFFF  }
0xc9: {  	_ =	task.clear_ibuf [dreg:s11], $0x2FFFF;
	_ =	strace $0x9FFFFFFF  }
0xca: {  	(tm) =	ssettm $0x7FFFFFFF  }
0xcb: {  	_ =	shalt  }
tec
execute0_lowered:
.L_overlay_start_1:
0x0: {  	(tag) =	ssettag $0x1  }
0x1: {  	s1 =	rddreg [dreg:$0x0];
	s4 =	stileid.u32  }
0x2: {  	s3 =	rddreg [dreg:$0x2];
	s0 =	srdreg.scid  }
0x3: {  	s5 =	rddreg [dreg:$0x5];
	s7 =	simm.s32 $0x0;
	s17 =	simm.s32 $0x1  }
0x4: {  	s23 =	simm.s32 $0x2;
	s28 =	simm.s32 $0x10180;
	s29 =	simm.s32 $0x3  }
0x5: {  	s30 =	simm.s32 $0x5;
	s31 =	simm.s32 $0x14180;
	s2 =	sshll.u32 s4, $0x1  }
0x6: {  	s0 =	sand.u32 $0x1, s0;
	s4 =	sshrl.u32 s4, $0x1;
	s2 =	sand.u32 $0x2, s2  }
0x7: {  	[smem:$0x7FF] =	sst s7;
	s14 =	smul.u32 $0xC0000, s4;
	s2 =	sor.u32 s0, s2  }
0x8: {  	s6 =	sor.u32 $0x18, s4;
	s0 =	ssub.s32 $0x2, s0;
	s9 =	smul.u32 $0x30000, s2  }
0x9: {  	_ =	strace $0x80000047;
	s8 =	smul.u32 $0xC0000, s6;
	s25 =	sshrl.u32 s0, $0x1  }
0xa: {  	s0 =	ssub.s32 s0, s25;
	s25 =	simm.s32 $0x4180;
	s10 =	sand.u32 $0xC0000, s9  }
0xb: {  	s11 =	sand.u32 $0x30000, s9;
	s9 =	sadd.s32 $0xA00, s5;
	s10 =	sadd.s32 s8, s10  }
0xc: {  	s16 =	smax.u32 s0, $0x1;
	s24 =	sor.u32 s11, s10;
	s10 =	smul.u32 $0x180, s2  }
0xd: {  	s0 =	simm.s32 $0x7;
	s26 =	sshrl.u32 s24, $0x3;
	s24 =	simm.s32 $0x4  }
0xe: {  	s5 =	sadd.s32 s1, s26;
	s2 =	sadd.s32 s3, s26;
	s13 =	sor.u32 $0x20, s10  }
0xf: {  	s15 =	sor.u32 $0x40, s10;
	s26 =	simm.s32 $0xC180;
	[dreg:$0x7] =	wrdreg s5  }
0x10: {  	vm0 =	vmmov $0xffff;
	v0 =	vmov s6;
	[dreg:$0x8] =	wrdreg s2;
	s5 =	simm.s32 $0x6;
	s2 =	simm.s32 $0x0  }
.LBB2_1:
0x11: {  	_ =	sdelay $0x2  }
0x12: {  	s4 =	rddreg [dreg:$0x1]  }
0x13: {  	[tilespmem:s7], [sflag:$0x1] =	stream.indirect_vreg.gather [hbm4b:s4+s7], $0x1, v0, vm0, $0xb8;
	[tilespmem:$0x18180] =	vst v63  }
0x14: {  	_ =	swait.ge [sflag:s17], $0x10  }
0x15: {  	[sflag:s17] =	ssyncset.done $0x0  }
0x16: {  	[sflag:s17] =	ssyncadd.s32 $0xFFFFFFF0  }
0x17: {  	s6 =	simm.s32 $0x10;
	s11 =	simm.s32 $0x80;
	s22 =	rddreg [dreg:$0x3]  }
0x18: {  	[tilespmem:s11], [sflag:$0x1] =	stream.indirect.gather [hbm4b:s22+s6], $0x1, s7, s6, $0xb8;
	[tilespmem:$0x18180] =	vst v63  }
0x19: {  	_ =	swait.ge [sflag:s17], $0x10  }
0x1a: {  	[sflag:s17] =	ssyncset.done $0x0  }
0x1b: {  	[sflag:s17] =	ssyncadd.s32 $0xFFFFFFF0  }
0x1c: {  	s18 =	simm.s32 $0x100;
	s12 =	rddreg [dreg:$0x4]  }
0x1d: {  	[tilespmem:s18], [sflag:$0x1] =	stream.indirect.gather [hbm4b:s12+s6], $0x1, s7, s6, $0xb8;
	[tilespmem:$0x18180] =	vst v63  }
0x1e: {  	_ =	swait.ge [sflag:s17], $0x10  }
0x1f: {  	[sflag:s17] =	ssyncset.done $0x0  }
0x20: {  	[sflag:s17] =	ssyncadd.s32 $0xFFFFFFF0  }
0x21: {  	v2 =	vld [tilespmem:$0x100]  }
0x22: {  	s20 =	simm.s32 $0x180;
	s19 =	rddreg [dreg:$0x7];
	v1 =	vld [tilespmem:$0x80]  }
0x23: {  	[tilespmem:s20], [sflag:$0x2] =	stream.linear.gather [hbm4b:s19+s7], $0x4000, $0x38;
	[tilespmem:$0x18180] =	vst v63  }
0x24: {  	s4 =	simm.s32 $0x0;
	s22 =	simm.s32 $0x8180;
	s21 =	rddreg [dreg:$0x8]  }
0x25: {  	[tilespmem:s22], [sflag:$0x4] =	stream.linear.gather [hbm4b:s21+s7], $0x4000, $0x38;
	[tilespmem:$0x18180] =	vst v63  }
.LBB2_2:
0x26: {  	s19 =	sshll.u32 s4, $0x6;
	_ =	swait.ge [sflag:s23], $0x4000  }
0x27: {  	[sflag:s23] =	ssyncset.done $0x0;
	s6 =	sadd.s32 s19, s13  }
0x28: {  	[sflag:s23] =	ssyncadd.s32 $0xFFFFC000;
	s6 =	sshll.u32 s6, $0x9  }
0x29: {  	_ =	swait.ge [sflag:s24], $0x4000;
	s11 =	sadd.s32 s8, s6  }
0x2a: {  	[sflag:s24] =	ssyncset.done $0x0;
	s11 =	sshrl.u32 s11, $0x3  }
0x2b: {  	[sflag:s24] =	ssyncadd.s32 $0xFFFFC000;
	s18 =	sadd.s32 s1, s11  }
0x2c: {  	[tilespmem:s25], [sflag:$0x3] =	stream.linear.gather [hbm4b:s18+s7], $0x4000, $0x38;
	[tilespmem:$0x18180] =	vst v63  }
0x2d: {  	p0 =	seq.s32 s4, $0x0;
	s11 =	sadd.s32 s3, s11  }
0x2e: {  	[tilespmem:s26], [sflag:$0x5] =	stream.linear.gather [hbm4b:s11+s7], $0x4000, $0x38;
	[tilespmem:$0x18180] =	vst v63  }
0x2f: {  	s11 =	simm.s32 @!p0 $0x6  }
0x30: {  	s12 =	simm.s32 $0x0;
	_ =	swait.ge @!p0 [sflag:s11], $0x4000  }
0x31: {  	s20 =	sand.u32 $0x3000, s12;
	s18 =	sand.u32 $0x380, s12;
	[sflag:s11] =	ssyncset.done @!p0 $0x0  }
0x32: {  	s20 =	sor.u32 s18, s20;
	[sflag:s11] =	ssyncadd.s32 @!p0 $0xFFFFC000  }
0x33: {  	v3 =	vld [tilespmem:s20+$0xDF0]  }
0x34: {  	v4 =	vld [tilespmem:s20+$0x8DF0]  }
0x35: {  	v5 =	vld [tilespmem:s20+$0x180]  }
0x36: {  	v6 =	vld [tilespmem:s20+$0x8180]  }
0x37: {  	v7 =	vld [tilespmem:s20+$0x190]  }
0x38: {  	v8 =	vld [tilespmem:s20+$0x8190]  }
0x39: {  	v9 =	vld [tilespmem:s20+$0x1A0];
	v3 =	vmul.f32 v3, v1;
	v4 =	vmul.f32 v4, v2  }
0x3a: {  	v10 =	vld [tilespmem:s20+$0x81A0]  }
0x3b: {  	v11 =	vld [tilespmem:s20+$0x1B0];
	v5 =	vmul.f32 v5, v1;
	v6 =	vmul.f32 v6, v2;
	v3 =	vadd.f32 v4, v3  }
0x3c: {  	v4 =	vld [tilespmem:s20+$0x81B0]  }
0x3d: {  	v12 =	vld [tilespmem:s20+$0x1C0];
	v5 =	vadd.f32 v6, v5;
	v6 =	vmul.f32 v8, v2;
	[tilespmem:s20+$0x10DF0] =	vst v3;
	v3 =	vmul.f32 v7, v1  }
0x3e: {  	v7 =	vld [tilespmem:s20+$0x81C0]  }
0x3f: {  	v8 =	vmul.f32 v10, v2;
	[tilespmem:s20+$0x10180] =	vst v5;
	v5 =	vld [tilespmem:s20+$0x1D0];
	v3 =	vadd.f32 v6, v3;
	v6 =	vmul.f32 v9, v1  }
0x40: {  	v9 =	vld [tilespmem:s20+$0x81D0]  }
0x41: {  	v10 =	vld [tilespmem:s20+$0x81E0];
	v4 =	vmul.f32 v4, v2;
	[tilespmem:s20+$0x10190] =	vst v3;
	v3 =	vadd.f32 v8, v6;
	v8 =	vmul.f32 v11, v1  }
0x42: {  	v6 =	vld [tilespmem:s20+$0x1E0]  }
0x43: {  	v11 =	vld [tilespmem:s20+$0x81F0];
	v7 =	vmul.f32 v7, v2;
	[tilespmem:s20+$0x101A0] =	vst v3;
	v3 =	vadd.f32 v4, v8;
	v8 =	vmul.f32 v12, v1  }
0x44: {  	v4 =	vld [tilespmem:s20+$0x1F0]  }
0x45: {  	v5 =	vmul.f32 v5, v1;
	[tilespmem:s20+$0x101B0] =	vst v3;
	v3 =	vadd.f32 v7, v8;
	v7 =	vld [tilespmem:s20+$0x580];
	v8 =	vmul.f32 v9, v2  }
0x46: {  	v9 =	vld [tilespmem:s20+$0x8580]  }
0x47: {  	v6 =	vmul.f32 v6, v1;
	[tilespmem:s20+$0x101C0] =	vst v3;
	v3 =	vadd.f32 v8, v5;
	v5 =	vld [tilespmem:s20+$0x590];
	v8 =	vmul.f32 v10, v2  }
0x48: {  	v10 =	vld [tilespmem:s20+$0x8590]  }
0x49: {  	v4 =	vmul.f32 v4, v1;
	[tilespmem:s20+$0x101D0] =	vst v3;
	v3 =	vadd.f32 v8, v6;
	v6 =	vld [tilespmem:s20+$0x5A0];
	v8 =	vmul.f32 v11, v2  }
0x4a: {  	v11 =	vld [tilespmem:s20+$0x85A0]  }
0x4b: {  	v7 =	vmul.f32 v7, v1;
	[tilespmem:s20+$0x101E0] =	vst v3;
	v3 =	vadd.f32 v8, v4;
	v4 =	vld [tilespmem:s20+$0x5B0];
	v8 =	vmul.f32 v9, v2  }
0x4c: {  	v9 =	vld [tilespmem:s20+$0x85B0]  }
0x4d: {  	v5 =	vmul.f32 v5, v1;
	[tilespmem:s20+$0x101F0] =	vst v3;
	v3 =	vadd.f32 v8, v7;
	v7 =	vld [tilespmem:s20+$0x5C0];
	v8 =	vmul.f32 v10, v2  }
0x4e: {  	v10 =	vld [tilespmem:s20+$0x85C0]  }
0x4f: {  	v6 =	vmul.f32 v6, v1;
	[tilespmem:s20+$0x10580] =	vst v3;
	v3 =	vadd.f32 v8, v5;
	v5 =	vld [tilespmem:s20+$0x5D0];
	v8 =	vmul.f32 v11, v2  }
0x50: {  	v11 =	vld [tilespmem:s20+$0x85D0]  }
0x51: {  	v4 =	vmul.f32 v4, v1;
	[tilespmem:s20+$0x10590] =	vst v3;
	v3 =	vadd.f32 v8, v6;
	v6 =	vld [tilespmem:s20+$0x5E0];
	v8 =	vmul.f32 v9, v2  }
0x52: {  	v9 =	vld [tilespmem:s20+$0x85E0]  }
0x53: {  	v7 =	vmul.f32 v7, v1;
	[tilespmem:s20+$0x105A0] =	vst v3;
	v3 =	vadd.f32 v8, v4;
	v4 =	vld [tilespmem:s20+$0x5F0];
	v8 =	vmul.f32 v10, v2  }
0x54: {  	v10 =	vld [tilespmem:s20+$0x85F0]  }
0x55: {  	v5 =	vmul.f32 v5, v1;
	[tilespmem:s20+$0x105B0] =	vst v3;
	v3 =	vadd.f32 v8, v7;
	v7 =	vld [tilespmem:s20+$0x980];
	v8 =	vmul.f32 v11, v2  }
0x56: {  	v11 =	vld [tilespmem:s20+$0x8980]  }
0x57: {  	v6 =	vmul.f32 v6, v1;
	[tilespmem:s20+$0x105C0] =	vst v3;
	v3 =	vadd.f32 v8, v5;
	v5 =	vld [tilespmem:s20+$0x990];
	v8 =	vmul.f32 v9, v2  }
0x58: {  	v9 =	vld [tilespmem:s20+$0x8990]  }
0x59: {  	v4 =	vmul.f32 v4, v1;
	[tilespmem:s20+$0x105D0] =	vst v3;
	v3 =	vadd.f32 v8, v6;
	v6 =	vld [tilespmem:s20+$0x9A0];
	v8 =	vmul.f32 v10, v2  }
0x5a: {  	v10 =	vld [tilespmem:s20+$0x89A0]  }
0x5b: {  	v7 =	vmul.f32 v7, v1;
	[tilespmem:s20+$0x105E0] =	vst v3;
	v3 =	vadd.f32 v8, v4;
	v4 =	vld [tilespmem:s20+$0x9B0];
	v8 =	vmul.f32 v11, v2  }
0x5c: {  	v11 =	vld [tilespmem:s20+$0x89B0]  }
0x5d: {  	v5 =	vmul.f32 v5, v1;
	[tilespmem:s20+$0x105F0] =	vst v3;
	v3 =	vadd.f32 v8, v7;
	v7 =	vld [tilespmem:s20+$0x9C0];
	v8 =	vmul.f32 v9, v2  }
0x5e: {  	v9 =	vld [tilespmem:s20+$0x89C0]  }
0x5f: {  	v6 =	vmul.f32 v6, v1;
	[tilespmem:s20+$0x10980] =	vst v3;
	v3 =	vadd.f32 v8, v5;
	v5 =	vld [tilespmem:s20+$0x9D0];
	v8 =	vmul.f32 v10, v2  }
0x60: {  	v10 =	vld [tilespmem:s20+$0x89D0]  }
0x61: {  	v4 =	vmul.f32 v4, v1;
	[tilespmem:s20+$0x10990] =	vst v3;
	v3 =	vadd.f32 v8, v6;
	v6 =	vld [tilespmem:s20+$0x9E0];
	v8 =	vmul.f32 v11, v2  }
0x62: {  	v11 =	vld [tilespmem:s20+$0x89E0]  }
0x63: {  	v7 =	vmul.f32 v7, v1;
	[tilespmem:s20+$0x109A0] =	vst v3;
	v3 =	vadd.f32 v8, v4;
	v4 =	vld [tilespmem:s20+$0x9F0];
	v8 =	vmul.f32 v9, v2  }
0x64: {  	v9 =	vld [tilespmem:s20+$0x89F0]  }
0x65: {  	v5 =	vmul.f32 v5, v1;
	[tilespmem:s20+$0x109B0] =	vst v3;
	v3 =	vadd.f32 v8, v7;
	v7 =	vld [tilespmem:s20+$0xD80];
	v8 =	vmul.f32 v10, v2  }
0x66: {  	v10 =	vld [tilespmem:s20+$0x8D80]  }
0x67: {  	v6 =	vmul.f32 v6, v1;
	[tilespmem:s20+$0x109C0] =	vst v3;
	v3 =	vadd.f32 v8, v5;
	v5 =	vld [tilespmem:s20+$0xD90];
	v8 =	vmul.f32 v11, v2  }
0x68: {  	v11 =	vld [tilespmem:s20+$0x8D90]  }
0x69: {  	v4 =	vmul.f32 v4, v1;
	[tilespmem:s20+$0x109D0] =	vst v3;
	v3 =	vadd.f32 v8, v6;
	v6 =	vld [tilespmem:s20+$0xDA0];
	v8 =	vmul.f32 v9, v2  }
0x6a: {  	v9 =	vld [tilespmem:s20+$0x8DA0]  }
0x6b: {  	v63 =	vld [tilespmem:s20+$0x8DB0];
	[tilespmem:s20+$0x109E0] =	vst v3;
	v3 =	vadd.f32 v8, v4;
	v4 =	vmul.f32 v7, v1;
	v7 =	vmul.f32 v10, v2  }
0x6c: {  	v8 =	vld [tilespmem:s20+$0xDB0]  }
0x6d: {  	v5 =	vmul.f32 v5, v1;
	v10 =	vmul.f32 v11, v2;
	[tilespmem:s20+$0x109F0] =	vst v3;
	v3 =	vadd.f32 v7, v4;
	v7 =	vld [tilespmem:s20+$0xDC0]  }
0x6e: {  	v4 =	vld [tilespmem:s20+$0x8DC0]  }
0x6f: {  	v10 =	vadd.f32 v10, v5;
	v5 =	vld [tilespmem:s20+$0xDD0];
	v11 =	vmul.f32 v6, v1;
	v9 =	vmul.f32 v9, v2  }
0x70: {  	s21 =	simm.s32 $0x200;
	s22 =	simm.s32 $0x80;
	[tilespmem:s20+$0x10D80] =	vst v3;
	v3 =	vld [tilespmem:s20+$0x8DD0]  }
0x71: {  	s12 =	sand.u32 $0x380, s22;
	s11 =	sand.u32 $0x3000, s21;
	v6 =	vld [tilespmem:s20+$0xDE0];
	[tilespmem:s20+$0x10D90] =	vst v10;
	v8 =	vmul.f32 v8, v1;
	v10 =	vadd.f32 v9, v11;
	v11 =	vmul.f32 v63, v2  }
0x72: {  	s18 =	simm.s32 $0x400;
	s21 =	sadd.s32 s10, s19;
	s11 =	sor.u32 s12, s11;
	v9 =	vmul.f32 v7, v1;
	v7 =	vld [tilespmem:s20+$0x8DE0]  }
.LBB2_3:
0x73: {  	p0 =	sne.s32 s18, $0x3E00;
	v12 =	vld [tilespmem:s11+$0xDF0];
	[tilespmem:s20+$0x10DA0] =	vst v10;
	v8 =	vadd.f32 v11, v8;
	v4 =	vmul.f32 v4, v2  }
0x74: {  	v10 =	vld [tilespmem:s11+$0x8DF0];
	v5 =	vmul.f32 v5, v1  }
0x75: {  	v11 =	vld [tilespmem:s11+$0x180];
	[tilespmem:s20+$0x10DB0] =	vst v8;
	v4 =	vadd.f32 v4, v9;
	v3 =	vmul.f32 v3, v2  }
0x76: {  	v8 =	vld [tilespmem:s11+$0x8180];
	v6 =	vmul.f32 v6, v1  }
0x77: {  	v9 =	vld [tilespmem:s11+$0x190];
	[tilespmem:s20+$0x10DC0] =	vst v4;
	v3 =	vadd.f32 v3, v5;
	v4 =	vmul.f32 v7, v2  }
0x78: {  	v5 =	vld [tilespmem:s11+$0x8190]  }
0x79: {  	v12 =	vmul.f32 v12, v1;
	v7 =	vld [tilespmem:s11+$0x1A0];
	v10 =	vmul.f32 v10, v2;
	[tilespmem:s20+$0x10DD0] =	vst v3;
	v3 =	vadd.f32 v4, v6  }
0x7a: {  	v4 =	vmul.f32 v11, v1;
	v6 =	vld [tilespmem:s11+$0x81A0]  }
0x7b: {  	v8 =	vmul.f32 v8, v2;
	v11 =	vld [tilespmem:s11+$0x1B0];
	v10 =	vadd.f32 v10, v12;
	[tilespmem:s20+$0x10DE0] =	vst v3;
	s20 =	smov.u32 s11  }
0x7c: {  	v3 =	vmul.f32 v9, v1;
	v9 =	vld [tilespmem:s20+$0x81B0]  }
0x7d: {  	v4 =	vadd.f32 v8, v4;
	v5 =	vmul.f32 v5, v2;
	v8 =	vld [tilespmem:s20+$0x1C0];
	[tilespmem:s20+$0x10DF0] =	vst v10  }
0x7e: {  	v7 =	vmul.f32 v7, v1;
	v10 =	vld [tilespmem:s20+$0x81C0]  }
0x7f: {  	[tilespmem:s20+$0x10180] =	vst v4;
	v3 =	vadd.f32 v5, v3;
	v4 =	vmul.f32 v6, v2;
	v5 =	vld [tilespmem:s20+$0x1D0]  }
0x80: {  	v6 =	vmul.f32 v11, v1;
	v11 =	vld [tilespmem:s20+$0x81D0]  }
0x81: {  	[tilespmem:s20+$0x10190] =	vst v3;
	v3 =	vadd.f32 v4, v7;
	v4 =	vmul.f32 v9, v2;
	v7 =	vld [tilespmem:s20+$0x1E0]  }
0x82: {  	v8 =	vmul.f32 v8, v1;
	v9 =	vld [tilespmem:s20+$0x81E0]  }
0x83: {  	[tilespmem:s20+$0x101A0] =	vst v3;
	v3 =	vadd.f32 v4, v6;
	v4 =	vmul.f32 v10, v2;
	v6 =	vld [tilespmem:s20+$0x1F0]  }
0x84: {  	v5 =	vmul.f32 v5, v1;
	v10 =	vld [tilespmem:s20+$0x81F0]  }
0x85: {  	[tilespmem:s20+$0x101B0] =	vst v3;
	v3 =	vadd.f32 v4, v8;
	v4 =	vmul.f32 v11, v2;
	v8 =	vld [tilespmem:s20+$0x580]  }
0x86: {  	v7 =	vmul.f32 v7, v1;
	v11 =	vld [tilespmem:s20+$0x8580]  }
0x87: {  	[tilespmem:s20+$0x101C0] =	vst v3;
	v3 =	vadd.f32 v4, v5;
	v4 =	vmul.f32 v9, v2;
	v5 =	vld [tilespmem:s20+$0x590]  }
0x88: {  	v6 =	vmul.f32 v6, v1;
	v9 =	vld [tilespmem:s20+$0x8590]  }
0x89: {  	[tilespmem:s20+$0x101D0] =	vst v3;
	v3 =	vadd.f32 v4, v7;
	v4 =	vmul.f32 v10, v2;
	v7 =	vld [tilespmem:s20+$0x5A0]  }
0x8a: {  	v8 =	vmul.f32 v8, v1;
	v10 =	vld [tilespmem:s20+$0x85A0]  }
0x8b: {  	[tilespmem:s20+$0x101E0] =	vst v3;
	v3 =	vadd.f32 v4, v6;
	v4 =	vmul.f32 v11, v2;
	v6 =	vld [tilespmem:s20+$0x5B0]  }
0x8c: {  	v5 =	vmul.f32 v5, v1;
	v11 =	vld [tilespmem:s20+$0x85B0]  }
0x8d: {  	[tilespmem:s20+$0x101F0] =	vst v3;
	v3 =	vadd.f32 v4, v8;
	v4 =	vmul.f32 v9, v2;
	v8 =	vld [tilespmem:s20+$0x5C0]  }
0x8e: {  	v7 =	vmul.f32 v7, v1;
	v9 =	vld [tilespmem:s20+$0x85C0]  }
0x8f: {  	[tilespmem:s20+$0x10580] =	vst v3;
	v3 =	vadd.f32 v4, v5;
	v4 =	vmul.f32 v10, v2;
	v5 =	vld [tilespmem:s20+$0x5D0]  }
0x90: {  	v6 =	vmul.f32 v6, v1;
	v10 =	vld [tilespmem:s20+$0x85D0]  }
0x91: {  	[tilespmem:s20+$0x10590] =	vst v3;
	v3 =	vadd.f32 v4, v7;
	v4 =	vmul.f32 v11, v2;
	v7 =	vld [tilespmem:s20+$0x5E0]  }
0x92: {  	v8 =	vmul.f32 v8, v1;
	v11 =	vld [tilespmem:s20+$0x85E0]  }
0x93: {  	[tilespmem:s20+$0x105A0] =	vst v3;
	v3 =	vadd.f32 v4, v6;
	v4 =	vmul.f32 v9, v2;
	v6 =	vld [tilespmem:s20+$0x5F0]  }
0x94: {  	v5 =	vmul.f32 v5, v1;
	v9 =	vld [tilespmem:s20+$0x85F0]  }
0x95: {  	[tilespmem:s20+$0x105B0] =	vst v3;
	v3 =	vadd.f32 v4, v8;
	v4 =	vmul.f32 v10, v2;
	v8 =	vld [tilespmem:s20+$0x980]  }
0x96: {  	v7 =	vmul.f32 v7, v1;
	v10 =	vld [tilespmem:s20+$0x8980]  }
0x97: {  	[tilespmem:s20+$0x105C0] =	vst v3;
	v3 =	vadd.f32 v4, v5;
	v4 =	vmul.f32 v11, v2;
	v5 =	vld [tilespmem:s20+$0x990]  }
0x98: {  	v6 =	vmul.f32 v6, v1;
	v11 =	vld [tilespmem:s20+$0x8990]  }
0x99: {  	[tilespmem:s20+$0x105D0] =	vst v3;
	v3 =	vadd.f32 v4, v7;
	v4 =	vmul.f32 v9, v2;
	v7 =	vld [tilespmem:s20+$0x9A0]  }
0x9a: {  	v8 =	vmul.f32 v8, v1;
	v9 =	vld [tilespmem:s20+$0x89A0]  }
0x9b: {  	[tilespmem:s20+$0x105E0] =	vst v3;
	v3 =	vadd.f32 v4, v6;
	v4 =	vmul.f32 v10, v2;
	v6 =	vld [tilespmem:s20+$0x9B0]  }
0x9c: {  	v5 =	vmul.f32 v5, v1;
	v10 =	vld [tilespmem:s20+$0x89B0]  }
0x9d: {  	[tilespmem:s20+$0x105F0] =	vst v3;
	v3 =	vadd.f32 v4, v8;
	v4 =	vmul.f32 v11, v2;
	v8 =	vld [tilespmem:s20+$0x9C0]  }
0x9e: {  	v7 =	vmul.f32 v7, v1;
	v11 =	vld [tilespmem:s20+$0x89C0]  }
0x9f: {  	[tilespmem:s20+$0x10980] =	vst v3;
	v3 =	vadd.f32 v4, v5;
	v4 =	vmul.f32 v9, v2;
	v5 =	vld [tilespmem:s20+$0x9D0]  }
0xa0: {  	v6 =	vmul.f32 v6, v1;
	v9 =	vld [tilespmem:s20+$0x89D0]  }
0xa1: {  	[tilespmem:s20+$0x10990] =	vst v3;
	v3 =	vadd.f32 v4, v7;
	v4 =	vmul.f32 v10, v2;
	v7 =	vld [tilespmem:s20+$0x9E0]  }
0xa2: {  	v8 =	vmul.f32 v8, v1;
	v10 =	vld [tilespmem:s20+$0x89E0]  }
0xa3: {  	[tilespmem:s20+$0x109A0] =	vst v3;
	v3 =	vadd.f32 v4, v6;
	v4 =	vmul.f32 v11, v2;
	v6 =	vld [tilespmem:s20+$0x9F0]  }
0xa4: {  	v5 =	vmul.f32 v5, v1;
	v11 =	vld [tilespmem:s20+$0x89F0]  }
0xa5: {  	[tilespmem:s20+$0x109B0] =	vst v3;
	v3 =	vadd.f32 v4, v8;
	v4 =	vmul.f32 v9, v2;
	v8 =	vld [tilespmem:s20+$0xD80]  }
0xa6: {  	v7 =	vmul.f32 v7, v1;
	v9 =	vld [tilespmem:s20+$0x8D80]  }
0xa7: {  	[tilespmem:s20+$0x109C0] =	vst v3;
	v3 =	vadd.f32 v4, v5;
	v4 =	vmul.f32 v10, v2;
	v5 =	vld [tilespmem:s20+$0xD90]  }
0xa8: {  	v6 =	vmul.f32 v6, v1;
	v10 =	vld [tilespmem:s20+$0x8D90]  }
0xa9: {  	[tilespmem:s20+$0x109D0] =	vst v3;
	v3 =	vadd.f32 v4, v7;
	v4 =	vmul.f32 v11, v2;
	v7 =	vld [tilespmem:s20+$0xDA0]  }
0xaa: {  	v8 =	vmul.f32 v8, v1;
	v11 =	vld [tilespmem:s20+$0x8DA0]  }
0xab: {  	[tilespmem:s20+$0x109E0] =	vst v3;
	v3 =	vadd.f32 v4, v6;
	v4 =	vmul.f32 v9, v2;
	v6 =	vld [tilespmem:s20+$0xDB0]  }
0xac: {  	v5 =	vmul.f32 v5, v1;
	v9 =	vld [tilespmem:s20+$0x8DB0]  }
0xad: {  	[tilespmem:s20+$0x109F0] =	vst v3;
	v3 =	vadd.f32 v4, v8;
	v8 =	vmul.f32 v10, v2;
	v12 =	vld [tilespmem:s20+$0xDC0]  }
.Ltmp0:
0xae: {  	v7 =	vmul.f32 v7, v1;
	v4 =	vld [tilespmem:s20+$0x8DC0];
	(pc) =	sbr.rel @p0 .LBB2_3-.Ltmp0, $4  }
0xaf: {  	[tilespmem:s20+$0x10D80] =	vst v3;
	v10 =	vadd.f32 v8, v5;
	v11 =	vmul.f32 v11, v2;
	v5 =	vld [tilespmem:s20+$0xDD0]  }
0xb0: {  	s22 =	sadd.s32 $0x80, s22;
	v8 =	vmul.f32 v6, v1;
	v3 =	vld [tilespmem:s20+$0x8DD0]  }
0xb1: {  	s12 =	sand.u32 $0x380, s22;
	s11 =	sand.u32 $0x3000, s18;
	[tilespmem:s20+$0x10D90] =	vst v10;
	v10 =	vadd.f32 v11, v7;
	v11 =	vmul.f32 v9, v2;
	v6 =	vld [tilespmem:s20+$0xDE0]  }
0xb2: {  	s18 =	sadd.s32 $0x200, s18;
	s11 =	sor.u32 s12, s11;
	v9 =	vmul.f32 v12, v1;
	v7 =	vld [tilespmem:s20+$0x8DE0]  }
0xb3: {  	v12 =	vld [tilespmem:s11+$0xDF0];
	[tilespmem:s20+$0x10DA0] =	vst v10;
	v8 =	vadd.f32 v11, v8;
	v4 =	vmul.f32 v4, v2  }
0xb4: {  	v10 =	vld [tilespmem:s11+$0x8DF0]  }
0xb5: {  	v11 =	vld [tilespmem:s11+$0x180];
	v5 =	vmul.f32 v5, v1;
	[tilespmem:s20+$0x10DB0] =	vst v8;
	v4 =	vadd.f32 v4, v9;
	v3 =	vmul.f32 v3, v2  }
0xb6: {  	v8 =	vld [tilespmem:s11+$0x8180]  }
0xb7: {  	v9 =	vld [tilespmem:s11+$0x190];
	[tilespmem:s20+$0x10DC0] =	vst v4;
	v3 =	vadd.f32 v3, v5;
	v5 =	vmul.f32 v6, v1;
	v6 =	vmul.f32 v7, v2  }
0xb8: {  	v4 =	vld [tilespmem:s11+$0x8190]  }
0xb9: {  	v7 =	vld [tilespmem:s11+$0x1A0];
	[tilespmem:s20+$0x10DD0] =	vst v3;
	v3 =	vadd.f32 v6, v5  }
0xba: {  	v6 =	vmul.f32 v12, v1;
	v10 =	vmul.f32 v10, v2;
	v5 =	vld [tilespmem:s11+$0x81A0]  }
0xbb: {  	v60 =	vld [tilespmem:s11+$0x1B0];
	[tilespmem:s20+$0x10DE0] =	vst v3  }
0xbc: {  	v3 =	vmul.f32 v11, v1;
	v8 =	vmul.f32 v8, v2;
	v6 =	vadd.f32 v10, v6;
	v10 =	vld [tilespmem:s11+$0x81B0]  }
0xbd: {  	v11 =	vld [tilespmem:s11+$0x1C0]  }
0xbe: {  	v61 =	vld [tilespmem:s11+$0x8DE0];
	v3 =	vadd.f32 v8, v3;
	[tilespmem:s11+$0x10DF0] =	vst v6;
	v6 =	vmul.f32 v9, v1;
	v4 =	vmul.f32 v4, v2  }
0xbf: {  	v8 =	vld [tilespmem:s11+$0x81C0]  }
0xc0: {  	[tilespmem:s11+$0x10180] =	vst v3;
	v3 =	vadd.f32 v4, v6;
	v4 =	vld [tilespmem:s11+$0x1D0];
	v6 =	vmul.f32 v7, v1;
	v5 =	vmul.f32 v5, v2  }
0xc1: {  	v7 =	vld [tilespmem:s11+$0x81D0]  }
0xc2: {  	[tilespmem:s11+$0x10190] =	vst v3;
	v3 =	vadd.f32 v5, v6;
	v5 =	vld [tilespmem:s11+$0x1E0];
	v6 =	vmul.f32 v60, v1;
	v9 =	vmul.f32 v10, v2  }
0xc3: {  	v10 =	vld [tilespmem:s11+$0x81E0]  }
0xc4: {  	v8 =	vmul.f32 v8, v2;
	[tilespmem:s11+$0x101A0] =	vst v3;
	v3 =	vadd.f32 v9, v6;
	v6 =	vld [tilespmem:s11+$0x1F0];
	v9 =	vmul.f32 v11, v1  }
0xc5: {  	v11 =	vld [tilespmem:s11+$0x81F0]  }
0xc6: {  	v4 =	vmul.f32 v4, v1;
	v7 =	vmul.f32 v7, v2;
	[tilespmem:s11+$0x101B0] =	vst v3;
	v3 =	vadd.f32 v8, v9;
	v8 =	vld [tilespmem:s11+$0x580]  }
0xc7: {  	v9 =	vld [tilespmem:s11+$0x8580]  }
0xc8: {  	v5 =	vmul.f32 v5, v1;
	[tilespmem:s11+$0x101C0] =	vst v3;
	v3 =	vadd.f32 v7, v4;
	v4 =	vld [tilespmem:s11+$0x590];
	v7 =	vmul.f32 v10, v2  }
0xc9: {  	v10 =	vld [tilespmem:s11+$0x8590]  }
0xca: {  	v6 =	vmul.f32 v6, v1;
	[tilespmem:s11+$0x101D0] =	vst v3;
	v3 =	vadd.f32 v7, v5;
	v5 =	vld [tilespmem:s11+$0x5A0];
	v7 =	vmul.f32 v11, v2  }
0xcb: {  	v11 =	vld [tilespmem:s11+$0x85A0]  }
0xcc: {  	[tilespmem:s11+$0x101E0] =	vst v3;
	v3 =	vadd.f32 v7, v6;
	v6 =	vld [tilespmem:s11+$0x5B0];
	v7 =	vmul.f32 v8, v1;
	v8 =	vmul.f32 v9, v2  }
0xcd: {  	v9 =	vld [tilespmem:s11+$0x85B0]  }
0xce: {  	v4 =	vmul.f32 v4, v1;
	[tilespmem:s11+$0x101F0] =	vst v3;
	v3 =	vadd.f32 v8, v7;
	v7 =	vld [tilespmem:s11+$0x5C0];
	v8 =	vmul.f32 v10, v2  }
0xcf: {  	v10 =	vld [tilespmem:s11+$0x85C0]  }
0xd0: {  	v5 =	vmul.f32 v5, v1;
	[tilespmem:s11+$0x10580] =	vst v3;
	v3 =	vadd.f32 v8, v4;
	v4 =	vld [tilespmem:s11+$0x5D0];
	v8 =	vmul.f32 v11, v2  }
0xd1: {  	v11 =	vld [tilespmem:s11+$0x85D0]  }
0xd2: {  	v6 =	vmul.f32 v6, v1;
	[tilespmem:s11+$0x10590] =	vst v3;
	v3 =	vadd.f32 v8, v5;
	v5 =	vld [tilespmem:s11+$0x5E0];
	v8 =	vmul.f32 v9, v2  }
0xd3: {  	v9 =	vld [tilespmem:s11+$0x85E0]  }
0xd4: {  	v7 =	vmul.f32 v7, v1;
	[tilespmem:s11+$0x105A0] =	vst v3;
	v3 =	vadd.f32 v8, v6;
	v6 =	vld [tilespmem:s11+$0x5F0];
	v8 =	vmul.f32 v10, v2  }
0xd5: {  	v10 =	vld [tilespmem:s11+$0x85F0]  }
0xd6: {  	v4 =	vmul.f32 v4, v1;
	[tilespmem:s11+$0x105B0] =	vst v3;
	v3 =	vadd.f32 v8, v7;
	v7 =	vld [tilespmem:s11+$0x980];
	v8 =	vmul.f32 v11, v2  }
0xd7: {  	v11 =	vld [tilespmem:s11+$0x8980]  }
0xd8: {  	v5 =	vmul.f32 v5, v1;
	[tilespmem:s11+$0x105C0] =	vst v3;
	v3 =	vadd.f32 v8, v4;
	v4 =	vld [tilespmem:s11+$0x990];
	v8 =	vmul.f32 v9, v2  }
0xd9: {  	v9 =	vld [tilespmem:s11+$0x8990]  }
0xda: {  	v6 =	vmul.f32 v6, v1;
	[tilespmem:s11+$0x105D0] =	vst v3;
	v3 =	vadd.f32 v8, v5;
	v5 =	vld [tilespmem:s11+$0x9A0];
	v8 =	vmul.f32 v10, v2  }
0xdb: {  	v10 =	vld [tilespmem:s11+$0x89A0]  }
0xdc: {  	v7 =	vmul.f32 v7, v1;
	[tilespmem:s11+$0x105E0] =	vst v3;
	v3 =	vadd.f32 v8, v6;
	v6 =	vld [tilespmem:s11+$0x9B0];
	v8 =	vmul.f32 v11, v2  }
0xdd: {  	v11 =	vld [tilespmem:s11+$0x89B0]  }
0xde: {  	v4 =	vmul.f32 v4, v1;
	[tilespmem:s11+$0x105F0] =	vst v3;
	v3 =	vadd.f32 v8, v7;
	v7 =	vld [tilespmem:s11+$0x9C0];
	v8 =	vmul.f32 v9, v2  }
0xdf: {  	v9 =	vld [tilespmem:s11+$0x89C0]  }
0xe0: {  	v5 =	vmul.f32 v5, v1;
	[tilespmem:s11+$0x10980] =	vst v3;
	v3 =	vadd.f32 v8, v4;
	v4 =	vld [tilespmem:s11+$0x9D0];
	v8 =	vmul.f32 v10, v2  }
0xe1: {  	v10 =	vld [tilespmem:s11+$0x89D0]  }
0xe2: {  	v6 =	vmul.f32 v6, v1;
	[tilespmem:s11+$0x10990] =	vst v3;
	v3 =	vadd.f32 v8, v5;
	v5 =	vld [tilespmem:s11+$0x9E0];
	v8 =	vmul.f32 v11, v2  }
0xe3: {  	v11 =	vld [tilespmem:s11+$0x89E0]  }
0xe4: {  	v7 =	vmul.f32 v7, v1;
	[tilespmem:s11+$0x109A0] =	vst v3;
	v3 =	vadd.f32 v8, v6;
	v6 =	vld [tilespmem:s11+$0x9F0];
	v8 =	vmul.f32 v9, v2  }
0xe5: {  	v9 =	vld [tilespmem:s11+$0x89F0]  }
0xe6: {  	v4 =	vmul.f32 v4, v1;
	[tilespmem:s11+$0x109B0] =	vst v3;
	v3 =	vadd.f32 v8, v7;
	v7 =	vld [tilespmem:s11+$0xD80];
	v8 =	vmul.f32 v10, v2  }
0xe7: {  	v10 =	vld [tilespmem:s11+$0x8D80]  }
0xe8: {  	v5 =	vmul.f32 v5, v1;
	[tilespmem:s11+$0x109C0] =	vst v3;
	v3 =	vadd.f32 v8, v4;
	v4 =	vld [tilespmem:s11+$0xD90];
	v8 =	vmul.f32 v11, v2  }
0xe9: {  	v11 =	vld [tilespmem:s11+$0x8D90]  }
0xea: {  	v6 =	vmul.f32 v6, v1;
	[tilespmem:s11+$0x109D0] =	vst v3;
	v3 =	vadd.f32 v8, v5;
	v5 =	vld [tilespmem:s11+$0xDA0];
	v8 =	vmul.f32 v9, v2  }
0xeb: {  	v9 =	vld [tilespmem:s11+$0x8DA0]  }
0xec: {  	v7 =	vmul.f32 v7, v1;
	[tilespmem:s11+$0x109E0] =	vst v3;
	v3 =	vadd.f32 v8, v6;
	v6 =	vld [tilespmem:s11+$0xDB0];
	v8 =	vmul.f32 v10, v2  }
0xed: {  	v10 =	vld [tilespmem:s11+$0x8DB0]  }
0xee: {  	v4 =	vmul.f32 v4, v1;
	[tilespmem:s11+$0x109F0] =	vst v3;
	v3 =	vadd.f32 v8, v7;
	v7 =	vld [tilespmem:s11+$0xDC0];
	v8 =	vmul.f32 v11, v2  }
0xef: {  	v11 =	vld [tilespmem:s11+$0x8DC0]  }
0xf0: {  	[tilespmem:s11+$0x10D80] =	vst v3;
	v3 =	vadd.f32 v8, v4;
	v4 =	vld [tilespmem:s11+$0xDD0]  }
0xf1: {  	v8 =	vld [tilespmem:s11+$0x8DD0]  }
0xf2: {  	[tilespmem:s11+$0x10D90] =	vst v3;
	v3 =	vld [tilespmem:s11+$0xDE0]  }
0xf3: {  	v5 =	vmul.f32 v5, v1;
	v9 =	vmul.f32 v9, v2  }
0xf4: {  	v6 =	vmul.f32 v6, v1;
	v10 =	vmul.f32 v10, v2  }
0xf5: {  	v5 =	vadd.f32 v9, v5;
	v7 =	vmul.f32 v7, v1;
	v9 =	vmul.f32 v11, v2  }
0xf6: {  	v6 =	vadd.f32 v10, v6;
	v4 =	vmul.f32 v4, v1;
	v8 =	vmul.f32 v8, v2  }
0xf7: {  	[tilespmem:s11+$0x10DA0] =	vst v5;
	v5 =	vadd.f32 v9, v7;
	v7 =	vmul.f32 v61, v2;
	v3 =	vmul.f32 v3, v1  }
0xf8: {  	s12 =	sshll.u32 s21, $0x9;
	[tilespmem:s11+$0x10DB0] =	vst v6;
	v4 =	vadd.f32 v8, v4  }
0xf9: {  	s12 =	sadd.s32 s14, s12;
	[tilespmem:s11+$0x10DC0] =	vst v5;
	v3 =	vadd.f32 v7, v3  }
0xfa: {  	s12 =	sshrl.u32 s12, $0x3;
	[tilespmem:s11+$0x10DD0] =	vst v4  }
0xfb: {  	s18 =	sadd.s32 s9, s12;
	[tilespmem:s11+$0x10DE0] =	vst v3  }
0xfc: {  	[hbm4b:s18+s7] =	stream.linear.scatter [tilespmem:s28], [sflag:$0x6], $0x4000, $0x38;
	[tilespmem:$0x18180] =	vst v63  }
0xfd: {  	p0 =	seq.s32 s4, $0x5;
	_ =	swait.ge [sflag:s29], $0x4000  }
0xfe: {  	s11 =	sadd.s32 @!p0 s19, s15;
	[sflag:s29] =	ssyncset.done $0x0  }
0xff: {  	s11 =	sshll.u32 @!p0 s11, $0x9;
	[sflag:s29] =	ssyncadd.s32 $0xFFFFC000  }
0x100: {  	s11 =	sadd.s32 @!p0 s8, s11;
	_ =	swait.ge [sflag:s30], $0x4000  }
0x101: {  	s19 =	simm.s32 @!p0 $0x180;
	s11 =	sshrl.u32 @!p0 s11, $0x3;
	[sflag:s30] =	ssyncset.done $0x0  }
0x102: {  	s18 =	simm.s32 @!p0 $0x0;
	s12 =	sadd.s32 @!p0 s1, s11;
	[sflag:s30] =	ssyncadd.s32 $0xFFFFC000  }
0x103: {  	[tilespmem:s19], [sflag:$0x2] =	stream.linear.gather @!p0 [hbm4b:s12+s18], $0x4000, $0x38;
	[tilespmem:$0x18180] =	vst v63  }
0x104: {  	p1 =	seq.s32 @!p0 s4, $0x0;
	s11 =	sadd.s32 @!p0 s3, s11;
	s12 =	simm.s32 @!p0 $0x8180  }
0x105: {  	[tilespmem:s12], [sflag:$0x4] =	stream.linear.gather @!p0 [hbm4b:s11+s18], $0x4000, $0x38;
	[tilespmem:$0x18180] =	vst v63  }
0x106: {  	p0 =	por p0, !p1  }
0x107: {  	s19 =	simm.s32 $0x0;
	_ =	swait.ge @p0 [sflag:s0], $0x4000  }
0x108: {  	s20 =	sand.u32 $0x3000, s19;
	s11 =	sand.u32 $0x380, s19;
	[sflag:s0] =	ssyncset.done @p0 $0x0  }
0x109: {  	s19 =	sor.u32 s11, s20;
	[sflag:s0] =	ssyncadd.s32 @p0 $0xFFFFC000  }
0x10a: {  	v3 =	vld [tilespmem:s19+$0x4DF0]  }
0x10b: {  	v4 =	vld [tilespmem:s19+$0xCDF0]  }
0x10c: {  	v5 =	vld [tilespmem:s19+$0x4180]  }
0x10d: {  	v6 =	vld [tilespmem:s19+$0xC180]  }
0x10e: {  	v7 =	vld [tilespmem:s19+$0x4190]  }
0x10f: {  	v8 =	vld [tilespmem:s19+$0xC190]  }
0x110: {  	v9 =	vld [tilespmem:s19+$0x41A0];
	v3 =	vmul.f32 v3, v1;
	v4 =	vmul.f32 v4, v2  }
0x111: {  	v10 =	vld [tilespmem:s19+$0xC1A0]  }
0x112: {  	v11 =	vld [tilespmem:s19+$0x41B0];
	v5 =	vmul.f32 v5, v1;
	v6 =	vmul.f32 v6, v2;
	v3 =	vadd.f32 v4, v3  }
0x113: {  	v4 =	vld [tilespmem:s19+$0xC1B0]  }
0x114: {  	v62 =	vld [tilespmem:s19+$0x41C0];
	v5 =	vadd.f32 v6, v5;
	v6 =	vmul.f32 v8, v2;
	[tilespmem:s19+$0x14DF0] =	vst v3;
	v3 =	vmul.f32 v7, v1  }
0x115: {  	v7 =	vld [tilespmem:s19+$0xC1C0]  }
0x116: {  	v8 =	vmul.f32 v10, v2;
	[tilespmem:s19+$0x14180] =	vst v5;
	v5 =	vld [tilespmem:s19+$0x41D0];
	v3 =	vadd.f32 v6, v3;
	v6 =	vmul.f32 v9, v1  }
0x117: {  	v9 =	vld [tilespmem:s19+$0xC1D0]  }
0x118: {  	v10 =	vld [tilespmem:s19+$0xC1E0];
	v4 =	vmul.f32 v4, v2;
	[tilespmem:s19+$0x14190] =	vst v3;
	v3 =	vadd.f32 v8, v6;
	v8 =	vmul.f32 v11, v1  }
0x119: {  	v6 =	vld [tilespmem:s19+$0x41E0]  }
0x11a: {  	v11 =	vld [tilespmem:s19+$0xC1F0];
	v7 =	vmul.f32 v7, v2;
	[tilespmem:s19+$0x141A0] =	vst v3;
	v3 =	vadd.f32 v4, v8;
	v8 =	vmul.f32 v62, v1  }
0x11b: {  	v4 =	vld [tilespmem:s19+$0x41F0]  }
0x11c: {  	v5 =	vmul.f32 v5, v1;
	[tilespmem:s19+$0x141B0] =	vst v3;
	v3 =	vadd.f32 v7, v8;
	v7 =	vld [tilespmem:s19+$0x4580];
	v8 =	vmul.f32 v9, v2  }
0x11d: {  	v9 =	vld [tilespmem:s19+$0xC580]  }
0x11e: {  	v6 =	vmul.f32 v6, v1;
	[tilespmem:s19+$0x141C0] =	vst v3;
	v3 =	vadd.f32 v8, v5;
	v5 =	vld [tilespmem:s19+$0x4590];
	v8 =	vmul.f32 v10, v2  }
0x11f: {  	v10 =	vld [tilespmem:s19+$0xC590]  }
0x120: {  	v4 =	vmul.f32 v4, v1;
	[tilespmem:s19+$0x141D0] =	vst v3;
	v3 =	vadd.f32 v8, v6;
	v6 =	vld [tilespmem:s19+$0x45A0];
	v8 =	vmul.f32 v11, v2  }
0x121: {  	v11 =	vld [tilespmem:s19+$0xC5A0]  }
0x122: {  	v7 =	vmul.f32 v7, v1;
	[tilespmem:s19+$0x141E0] =	vst v3;
	v3 =	vadd.f32 v8, v4;
	v4 =	vld [tilespmem:s19+$0x45B0];
	v8 =	vmul.f32 v9, v2  }
0x123: {  	v9 =	vld [tilespmem:s19+$0xC5B0]  }
0x124: {  	v5 =	vmul.f32 v5, v1;
	[tilespmem:s19+$0x141F0] =	vst v3;
	v3 =	vadd.f32 v8, v7;
	v7 =	vld [tilespmem:s19+$0x45C0];
	v8 =	vmul.f32 v10, v2  }
0x125: {  	v10 =	vld [tilespmem:s19+$0xC5C0]  }
0x126: {  	v6 =	vmul.f32 v6, v1;
	[tilespmem:s19+$0x14580] =	vst v3;
	v3 =	vadd.f32 v8, v5;
	v5 =	vld [tilespmem:s19+$0x45D0];
	v8 =	vmul.f32 v11, v2  }
0x127: {  	v11 =	vld [tilespmem:s19+$0xC5D0]  }
0x128: {  	v4 =	vmul.f32 v4, v1;
	[tilespmem:s19+$0x14590] =	vst v3;
	v3 =	vadd.f32 v8, v6;
	v6 =	vld [tilespmem:s19+$0x45E0];
	v8 =	vmul.f32 v9, v2  }
0x129: {  	v9 =	vld [tilespmem:s19+$0xC5E0]  }
0x12a: {  	v7 =	vmul.f32 v7, v1;
	[tilespmem:s19+$0x145A0] =	vst v3;
	v3 =	vadd.f32 v8, v4;
	v4 =	vld [tilespmem:s19+$0x45F0];
	v8 =	vmul.f32 v10, v2  }
0x12b: {  	v10 =	vld [tilespmem:s19+$0xC5F0]  }
0x12c: {  	v5 =	vmul.f32 v5, v1;
	[tilespmem:s19+$0x145B0] =	vst v3;
	v3 =	vadd.f32 v8, v7;
	v7 =	vld [tilespmem:s19+$0x4980];
	v8 =	vmul.f32 v11, v2  }
0x12d: {  	v11 =	vld [tilespmem:s19+$0xC980]  }
0x12e: {  	v6 =	vmul.f32 v6, v1;
	[tilespmem:s19+$0x145C0] =	vst v3;
	v3 =	vadd.f32 v8, v5;
	v5 =	vld [tilespmem:s19+$0x4990];
	v8 =	vmul.f32 v9, v2  }
0x12f: {  	v9 =	vld [tilespmem:s19+$0xC990]  }
0x130: {  	v4 =	vmul.f32 v4, v1;
	[tilespmem:s19+$0x145D0] =	vst v3;
	v3 =	vadd.f32 v8, v6;
	v6 =	vld [tilespmem:s19+$0x49A0];
	v8 =	vmul.f32 v10, v2  }
0x131: {  	v10 =	vld [tilespmem:s19+$0xC9A0]  }
0x132: {  	v7 =	vmul.f32 v7, v1;
	[tilespmem:s19+$0x145E0] =	vst v3;
	v3 =	vadd.f32 v8, v4;
	v4 =	vld [tilespmem:s19+$0x49B0];
	v8 =	vmul.f32 v11, v2  }
0x133: {  	v11 =	vld [tilespmem:s19+$0xC9B0]  }
0x134: {  	v5 =	vmul.f32 v5, v1;
	[tilespmem:s19+$0x145F0] =	vst v3;
	v3 =	vadd.f32 v8, v7;
	v7 =	vld [tilespmem:s19+$0x49C0];
	v8 =	vmul.f32 v9, v2  }
0x135: {  	v9 =	vld [tilespmem:s19+$0xC9C0]  }
0x136: {  	v6 =	vmul.f32 v6, v1;
	[tilespmem:s19+$0x14980] =	vst v3;
	v3 =	vadd.f32 v8, v5;
	v5 =	vld [tilespmem:s19+$0x49D0];
	v8 =	vmul.f32 v10, v2  }
0x137: {  	v10 =	vld [tilespmem:s19+$0xC9D0]  }
0x138: {  	v4 =	vmul.f32 v4, v1;
	[tilespmem:s19+$0x14990] =	vst v3;
	v3 =	vadd.f32 v8, v6;
	v6 =	vld [tilespmem:s19+$0x49E0];
	v8 =	vmul.f32 v11, v2  }
0x139: {  	v11 =	vld [tilespmem:s19+$0xC9E0]  }
0x13a: {  	v7 =	vmul.f32 v7, v1;
	[tilespmem:s19+$0x149A0] =	vst v3;
	v3 =	vadd.f32 v8, v4;
	v4 =	vld [tilespmem:s19+$0x49F0];
	v8 =	vmul.f32 v9, v2  }
0x13b: {  	v9 =	vld [tilespmem:s19+$0xC9F0]  }
0x13c: {  	v5 =	vmul.f32 v5, v1;
	[tilespmem:s19+$0x149B0] =	vst v3;
	v3 =	vadd.f32 v8, v7;
	v7 =	vld [tilespmem:s19+$0x4D80];
	v8 =	vmul.f32 v10, v2  }
0x13d: {  	v10 =	vld [tilespmem:s19+$0xCD80]  }
0x13e: {  	v6 =	vmul.f32 v6, v1;
	[tilespmem:s19+$0x149C0] =	vst v3;
	v3 =	vadd.f32 v8, v5;
	v5 =	vld [tilespmem:s19+$0x4D90];
	v8 =	vmul.f32 v11, v2  }
0x13f: {  	v11 =	vld [tilespmem:s19+$0xCD90]  }
0x140: {  	v4 =	vmul.f32 v4, v1;
	[tilespmem:s19+$0x149D0] =	vst v3;
	v3 =	vadd.f32 v8, v6;
	v6 =	vld [tilespmem:s19+$0x4DA0];
	v8 =	vmul.f32 v9, v2  }
0x141: {  	v9 =	vld [tilespmem:s19+$0xCDA0]  }
0x142: {  	v63 =	vld [tilespmem:s19+$0xCDB0];
	[tilespmem:s19+$0x149E0] =	vst v3;
	v3 =	vadd.f32 v8, v4;
	v4 =	vmul.f32 v7, v1;
	v7 =	vmul.f32 v10, v2  }
0x143: {  	v8 =	vld [tilespmem:s19+$0x4DB0]  }
0x144: {  	v5 =	vmul.f32 v5, v1;
	v10 =	vmul.f32 v11, v2;
	[tilespmem:s19+$0x149F0] =	vst v3;
	v3 =	vadd.f32 v7, v4;
	v7 =	vld [tilespmem:s19+$0x4DC0]  }
0x145: {  	v4 =	vld [tilespmem:s19+$0xCDC0]  }
0x146: {  	v10 =	vadd.f32 v10, v5;
	v5 =	vld [tilespmem:s19+$0x4DD0];
	v11 =	vmul.f32 v6, v1;
	v9 =	vmul.f32 v9, v2  }
0x147: {  	s21 =	simm.s32 $0x200;
	s20 =	simm.s32 $0x80;
	[tilespmem:s19+$0x14D80] =	vst v3;
	v3 =	vld [tilespmem:s19+$0xCDD0]  }
0x148: {  	s11 =	sand.u32 $0x3000, s21;
	s22 =	sand.u32 $0x380, s20;
	v6 =	vld [tilespmem:s19+$0x4DE0];
	[tilespmem:s19+$0x14D90] =	vst v10;
	v8 =	vmul.f32 v8, v1;
	v10 =	vadd.f32 v9, v11;
	v11 =	vmul.f32 v63, v2  }
0x149: {  	s18 =	simm.s32 $0x400;
	s11 =	sor.u32 s22, s11;
	v9 =	vmul.f32 v7, v1;
	v7 =	vld [tilespmem:s19+$0xCDE0]  }
.LBB2_5:
0x14a: {  	p0 =	sne.s32 s18, $0x3E00;
	v12 =	vld [tilespmem:s11+$0x4DF0];
	[tilespmem:s19+$0x14DA0] =	vst v10;
	v8 =	vadd.f32 v11, v8;
	v4 =	vmul.f32 v4, v2  }
0x14b: {  	v10 =	vld [tilespmem:s11+$0xCDF0];
	v5 =	vmul.f32 v5, v1  }
0x14c: {  	v11 =	vld [tilespmem:s11+$0x4180];
	[tilespmem:s19+$0x14DB0] =	vst v8;
	v4 =	vadd.f32 v4, v9;
	v3 =	vmul.f32 v3, v2  }
0x14d: {  	v8 =	vld [tilespmem:s11+$0xC180];
	v6 =	vmul.f32 v6, v1  }
0x14e: {  	v9 =	vld [tilespmem:s11+$0x4190];
	[tilespmem:s19+$0x14DC0] =	vst v4;
	v3 =	vadd.f32 v3, v5;
	v4 =	vmul.f32 v7, v2  }
0x14f: {  	v5 =	vld [tilespmem:s11+$0xC190]  }
0x150: {  	v12 =	vmul.f32 v12, v1;
	v7 =	vld [tilespmem:s11+$0x41A0];
	v10 =	vmul.f32 v10, v2;
	[tilespmem:s19+$0x14DD0] =	vst v3;
	v3 =	vadd.f32 v4, v6  }
0x151: {  	v4 =	vmul.f32 v11, v1;
	v6 =	vld [tilespmem:s11+$0xC1A0]  }
0x152: {  	v8 =	vmul.f32 v8, v2;
	v11 =	vld [tilespmem:s11+$0x41B0];
	v10 =	vadd.f32 v10, v12;
	[tilespmem:s19+$0x14DE0] =	vst v3;
	s19 =	smov.u32 s11  }
0x153: {  	v3 =	vmul.f32 v9, v1;
	v9 =	vld [tilespmem:s19+$0xC1B0]  }
0x154: {  	v4 =	vadd.f32 v8, v4;
	v5 =	vmul.f32 v5, v2;
	v8 =	vld [tilespmem:s19+$0x41C0];
	[tilespmem:s19+$0x14DF0] =	vst v10  }
0x155: {  	v7 =	vmul.f32 v7, v1;
	v10 =	vld [tilespmem:s19+$0xC1C0]  }
0x156: {  	[tilespmem:s19+$0x14180] =	vst v4;
	v3 =	vadd.f32 v5, v3;
	v4 =	vmul.f32 v6, v2;
	v5 =	vld [tilespmem:s19+$0x41D0]  }
0x157: {  	v6 =	vmul.f32 v11, v1;
	v11 =	vld [tilespmem:s19+$0xC1D0]  }
0x158: {  	[tilespmem:s19+$0x14190] =	vst v3;
	v3 =	vadd.f32 v4, v7;
	v4 =	vmul.f32 v9, v2;
	v7 =	vld [tilespmem:s19+$0x41E0]  }
0x159: {  	v8 =	vmul.f32 v8, v1;
	v9 =	vld [tilespmem:s19+$0xC1E0]  }
0x15a: {  	[tilespmem:s19+$0x141A0] =	vst v3;
	v3 =	vadd.f32 v4, v6;
	v4 =	vmul.f32 v10, v2;
	v6 =	vld [tilespmem:s19+$0x41F0]  }
0x15b: {  	v5 =	vmul.f32 v5, v1;
	v10 =	vld [tilespmem:s19+$0xC1F0]  }
0x15c: {  	[tilespmem:s19+$0x141B0] =	vst v3;
	v3 =	vadd.f32 v4, v8;
	v4 =	vmul.f32 v11, v2;
	v8 =	vld [tilespmem:s19+$0x4580]  }
0x15d: {  	v7 =	vmul.f32 v7, v1;
	v11 =	vld [tilespmem:s19+$0xC580]  }
0x15e: {  	[tilespmem:s19+$0x141C0] =	vst v3;
	v3 =	vadd.f32 v4, v5;
	v4 =	vmul.f32 v9, v2;
	v5 =	vld [tilespmem:s19+$0x4590]  }
0x15f: {  	v6 =	vmul.f32 v6, v1;
	v9 =	vld [tilespmem:s19+$0xC590]  }
0x160: {  	[tilespmem:s19+$0x141D0] =	vst v3;
	v3 =	vadd.f32 v4, v7;
	v4 =	vmul.f32 v10, v2;
	v7 =	vld [tilespmem:s19+$0x45A0]  }
0x161: {  	v8 =	vmul.f32 v8, v1;
	v10 =	vld [tilespmem:s19+$0xC5A0]  }
0x162: {  	[tilespmem:s19+$0x141E0] =	vst v3;
	v3 =	vadd.f32 v4, v6;
	v4 =	vmul.f32 v11, v2;
	v6 =	vld [tilespmem:s19+$0x45B0]  }
0x163: {  	v5 =	vmul.f32 v5, v1;
	v11 =	vld [tilespmem:s19+$0xC5B0]  }
0x164: {  	[tilespmem:s19+$0x141F0] =	vst v3;
	v3 =	vadd.f32 v4, v8;
	v4 =	vmul.f32 v9, v2;
	v8 =	vld [tilespmem:s19+$0x45C0]  }
0x165: {  	v7 =	vmul.f32 v7, v1;
	v9 =	vld [tilespmem:s19+$0xC5C0]  }
0x166: {  	[tilespmem:s19+$0x14580] =	vst v3;
	v3 =	vadd.f32 v4, v5;
	v4 =	vmul.f32 v10, v2;
	v5 =	vld [tilespmem:s19+$0x45D0]  }
0x167: {  	v6 =	vmul.f32 v6, v1;
	v10 =	vld [tilespmem:s19+$0xC5D0]  }
0x168: {  	[tilespmem:s19+$0x14590] =	vst v3;
	v3 =	vadd.f32 v4, v7;
	v4 =	vmul.f32 v11, v2;
	v7 =	vld [tilespmem:s19+$0x45E0]  }
0x169: {  	v8 =	vmul.f32 v8, v1;
	v11 =	vld [tilespmem:s19+$0xC5E0]  }
0x16a: {  	[tilespmem:s19+$0x145A0] =	vst v3;
	v3 =	vadd.f32 v4, v6;
	v4 =	vmul.f32 v9, v2;
	v6 =	vld [tilespmem:s19+$0x45F0]  }
0x16b: {  	v5 =	vmul.f32 v5, v1;
	v9 =	vld [tilespmem:s19+$0xC5F0]  }
0x16c: {  	[tilespmem:s19+$0x145B0] =	vst v3;
	v3 =	vadd.f32 v4, v8;
	v4 =	vmul.f32 v10, v2;
	v8 =	vld [tilespmem:s19+$0x4980]  }
0x16d: {  	v7 =	vmul.f32 v7, v1;
	v10 =	vld [tilespmem:s19+$0xC980]  }
0x16e: {  	[tilespmem:s19+$0x145C0] =	vst v3;
	v3 =	vadd.f32 v4, v5;
	v4 =	vmul.f32 v11, v2;
	v5 =	vld [tilespmem:s19+$0x4990]  }
0x16f: {  	v6 =	vmul.f32 v6, v1;
	v11 =	vld [tilespmem:s19+$0xC990]  }
0x170: {  	[tilespmem:s19+$0x145D0] =	vst v3;
	v3 =	vadd.f32 v4, v7;
	v4 =	vmul.f32 v9, v2;
	v7 =	vld [tilespmem:s19+$0x49A0]  }
0x171: {  	v8 =	vmul.f32 v8, v1;
	v9 =	vld [tilespmem:s19+$0xC9A0]  }
0x172: {  	[tilespmem:s19+$0x145E0] =	vst v3;
	v3 =	vadd.f32 v4, v6;
	v4 =	vmul.f32 v10, v2;
	v6 =	vld [tilespmem:s19+$0x49B0]  }
0x173: {  	v5 =	vmul.f32 v5, v1;
	v10 =	vld [tilespmem:s19+$0xC9B0]  }
0x174: {  	[tilespmem:s19+$0x145F0] =	vst v3;
	v3 =	vadd.f32 v4, v8;
	v4 =	vmul.f32 v11, v2;
	v8 =	vld [tilespmem:s19+$0x49C0]  }
0x175: {  	v7 =	vmul.f32 v7, v1;
	v11 =	vld [tilespmem:s19+$0xC9C0]  }
0x176: {  	[tilespmem:s19+$0x14980] =	vst v3;
	v3 =	vadd.f32 v4, v5;
	v4 =	vmul.f32 v9, v2;
	v5 =	vld [tilespmem:s19+$0x49D0]  }
0x177: {  	v6 =	vmul.f32 v6, v1;
	v9 =	vld [tilespmem:s19+$0xC9D0]  }
0x178: {  	[tilespmem:s19+$0x14990] =	vst v3;
	v3 =	vadd.f32 v4, v7;
	v4 =	vmul.f32 v10, v2;
	v7 =	vld [tilespmem:s19+$0x49E0]  }
0x179: {  	v8 =	vmul.f32 v8, v1;
	v10 =	vld [tilespmem:s19+$0xC9E0]  }
0x17a: {  	[tilespmem:s19+$0x149A0] =	vst v3;
	v3 =	vadd.f32 v4, v6;
	v4 =	vmul.f32 v11, v2;
	v6 =	vld [tilespmem:s19+$0x49F0]  }
0x17b: {  	v5 =	vmul.f32 v5, v1;
	v11 =	vld [tilespmem:s19+$0xC9F0]  }
0x17c: {  	[tilespmem:s19+$0x149B0] =	vst v3;
	v3 =	vadd.f32 v4, v8;
	v4 =	vmul.f32 v9, v2;
	v8 =	vld [tilespmem:s19+$0x4D80]  }
0x17d: {  	v7 =	vmul.f32 v7, v1;
	v9 =	vld [tilespmem:s19+$0xCD80]  }
0x17e: {  	[tilespmem:s19+$0x149C0] =	vst v3;
	v3 =	vadd.f32 v4, v5;
	v4 =	vmul.f32 v10, v2;
	v5 =	vld [tilespmem:s19+$0x4D90]  }
0x17f: {  	v6 =	vmul.f32 v6, v1;
	v10 =	vld [tilespmem:s19+$0xCD90]  }
0x180: {  	[tilespmem:s19+$0x149D0] =	vst v3;
	v3 =	vadd.f32 v4, v7;
	v4 =	vmul.f32 v11, v2;
	v7 =	vld [tilespmem:s19+$0x4DA0]  }
0x181: {  	v8 =	vmul.f32 v8, v1;
	v11 =	vld [tilespmem:s19+$0xCDA0]  }
0x182: {  	[tilespmem:s19+$0x149E0] =	vst v3;
	v3 =	vadd.f32 v4, v6;
	v4 =	vmul.f32 v9, v2;
	v6 =	vld [tilespmem:s19+$0x4DB0]  }
0x183: {  	v5 =	vmul.f32 v5, v1;
	v9 =	vld [tilespmem:s19+$0xCDB0]  }
0x184: {  	[tilespmem:s19+$0x149F0] =	vst v3;
	v3 =	vadd.f32 v4, v8;
	v8 =	vmul.f32 v10, v2;
	v12 =	vld [tilespmem:s19+$0x4DC0]  }
.Ltmp1:
0x185: {  	v7 =	vmul.f32 v7, v1;
	v4 =	vld [tilespmem:s19+$0xCDC0];
	(pc) =	sbr.rel @p0 .LBB2_5-.Ltmp1, $4  }
0x186: {  	[tilespmem:s19+$0x14D80] =	vst v3;
	v10 =	vadd.f32 v8, v5;
	v11 =	vmul.f32 v11, v2;
	v5 =	vld [tilespmem:s19+$0x4DD0]  }
0x187: {  	s20 =	sadd.s32 $0x80, s20;
	v8 =	vmul.f32 v6, v1;
	v3 =	vld [tilespmem:s19+$0xCDD0]  }
0x188: {  	s12 =	sand.u32 $0x380, s20;
	s11 =	sand.u32 $0x3000, s18;
	[tilespmem:s19+$0x14D90] =	vst v10;
	v10 =	vadd.f32 v11, v7;
	v11 =	vmul.f32 v9, v2;
	v6 =	vld [tilespmem:s19+$0x4DE0]  }
0x189: {  	s18 =	sadd.s32 $0x200, s18;
	s11 =	sor.u32 s12, s11;
	v9 =	vmul.f32 v12, v1;
	v7 =	vld [tilespmem:s19+$0xCDE0]  }
0x18a: {  	v12 =	vld [tilespmem:s11+$0x4DF0];
	[tilespmem:s19+$0x14DA0] =	vst v10;
	v8 =	vadd.f32 v11, v8;
	v4 =	vmul.f32 v4, v2  }
0x18b: {  	v10 =	vld [tilespmem:s11+$0xCDF0]  }
0x18c: {  	v25 =	vld [tilespmem:s11+$0x4180];
	v5 =	vmul.f32 v5, v1;
	[tilespmem:s19+$0x14DB0] =	vst v8;
	v4 =	vadd.f32 v4, v9;
	v3 =	vmul.f32 v3, v2  }
0x18d: {  	v8 =	vld [tilespmem:s11+$0xC180]  }
0x18e: {  	v26 =	vld [tilespmem:s11+$0x4190];
	v27 =	vmul.f32 v6, v1;
	[tilespmem:s19+$0x14DC0] =	vst v4;
	v3 =	vadd.f32 v3, v5;
	v28 =	vmul.f32 v7, v2  }
0x18f: {  	v4 =	vld [tilespmem:s11+$0xC190]  }
0x190: {  	v29 =	vld [tilespmem:s11+$0x41A0];
	[tilespmem:s19+$0x14DD0] =	vst v3;
	v3 =	vadd.f32 v28, v27  }
0x191: {  	v30 =	vld [tilespmem:s11+$0xC1A0]  }
0x192: {  	v32 =	vld [tilespmem:s11+$0x41B0];
	[tilespmem:s19+$0x14DE0] =	vst v3  }
0x193: {  	v3 =	vmul.f32 v25, v1;
	v8 =	vmul.f32 v8, v2;
	v33 =	vld [tilespmem:s11+$0xC1B0]  }
0x194: {  	v34 =	vld [tilespmem:s11+$0x41C0]  }
0x195: {  	v35 =	vmul.f32 v26, v1;
	v36 =	vld [tilespmem:s11+$0xC1C0];
	v3 =	vadd.f32 v8, v3;
	v4 =	vmul.f32 v4, v2  }
0x196: {  	v37 =	vld [tilespmem:s11+$0x41D0]  }
0x197: {  	v39 =	vld [tilespmem:s11+$0xC1D0];
	v38 =	vmul.f32 v29, v1;
	[tilespmem:s11+$0x14180] =	vst v3;
	v3 =	vadd.f32 v4, v35;
	v5 =	vmul.f32 v30, v2  }
0x198: {  	v40 =	vld [tilespmem:s11+$0x41E0]  }
0x199: {  	v43 =	vld [tilespmem:s11+$0xC1E0];
	v41 =	vmul.f32 v32, v1;
	[tilespmem:s11+$0x14190] =	vst v3;
	v3 =	vadd.f32 v5, v38;
	v42 =	vmul.f32 v33, v2  }
0x19a: {  	v44 =	vld [tilespmem:s11+$0x41F0]  }
0x19b: {  	v46 =	vld [tilespmem:s11+$0xC1F0];
	v45 =	vmul.f32 v34, v1;
	v8 =	vmul.f32 v36, v2;
	[tilespmem:s11+$0x141A0] =	vst v3;
	v3 =	vadd.f32 v42, v41  }
0x19c: {  	v31 =	vmul.f32 v12, v1;
	v10 =	vmul.f32 v10, v2;
	v47 =	vld [tilespmem:s11+$0x4580]  }
0x19d: {  	v48 =	vld [tilespmem:s11+$0xC580];
	v4 =	vmul.f32 v37, v1;
	v7 =	vmul.f32 v39, v2;
	[tilespmem:s11+$0x141B0] =	vst v3;
	v3 =	vadd.f32 v8, v45  }
0x19e: {  	v6 =	vadd.f32 v10, v31;
	v49 =	vld [tilespmem:s11+$0x4590]  }
0x19f: {  	v51 =	vld [tilespmem:s11+$0xC590];
	v5 =	vmul.f32 v40, v1;
	v50 =	vmul.f32 v43, v2;
	[tilespmem:s11+$0x141C0] =	vst v3;
	v3 =	vadd.f32 v7, v4  }
0x1a0: {  	v52 =	vld [tilespmem:s11+$0x45A0];
	[tilespmem:s11+$0x14DF0] =	vst v6  }
0x1a1: {  	v54 =	vld [tilespmem:s11+$0xC5A0];
	v6 =	vmul.f32 v44, v1;
	v53 =	vmul.f32 v46, v2;
	[tilespmem:s11+$0x141D0] =	vst v3;
	v3 =	vadd.f32 v50, v5  }
0x1a2: {  	v55 =	vld [tilespmem:s11+$0x45B0]  }
0x1a3: {  	v58 =	vld [tilespmem:s11+$0xC5B0];
	v56 =	vmul.f32 v47, v1;
	v57 =	vmul.f32 v48, v2;
	[tilespmem:s11+$0x141E0] =	vst v3;
	v3 =	vadd.f32 v53, v6  }
0x1a4: {  	v59 =	vld [tilespmem:s11+$0x45C0]  }
0x1a5: {  	v61 =	vld [tilespmem:s11+$0xC5C0];
	v60 =	vmul.f32 v51, v2;
	v4 =	vmul.f32 v49, v1;
	[tilespmem:s11+$0x141F0] =	vst v3;
	v3 =	vadd.f32 v57, v56  }
0x1a6: {  	v62 =	vld [tilespmem:s11+$0x45D0]  }
0x1a7: {  	v12 =	vld [tilespmem:s11+$0xC5D0];
	v63 =	vmul.f32 v54, v2;
	v5 =	vmul.f32 v52, v1;
	[tilespmem:s11+$0x14580] =	vst v3;
	v3 =	vadd.f32 v60, v4  }
0x1a8: {  	v13 =	vld [tilespmem:s11+$0x45E0]  }
0x1a9: {  	v15 =	vld [tilespmem:s11+$0xC5E0];
	v14 =	vmul.f32 v58, v2;
	v6 =	vmul.f32 v55, v1;
	[tilespmem:s11+$0x14590] =	vst v3;
	v3 =	vadd.f32 v63, v5  }
0x1aa: {  	v16 =	vld [tilespmem:s11+$0x45F0]  }
0x1ab: {  	v18 =	vld [tilespmem:s11+$0xC5F0];
	v17 =	vmul.f32 v61, v2;
	v7 =	vmul.f32 v59, v1;
	[tilespmem:s11+$0x145A0] =	vst v3;
	v3 =	vadd.f32 v14, v6  }
0x1ac: {  	v19 =	vld [tilespmem:s11+$0x4980]  }
0x1ad: {  	v21 =	vld [tilespmem:s11+$0xC980];
	v20 =	vmul.f32 v12, v2;
	v4 =	vmul.f32 v62, v1;
	[tilespmem:s11+$0x145B0] =	vst v3;
	v3 =	vadd.f32 v17, v7  }
0x1ae: {  	v22 =	vld [tilespmem:s11+$0x4990]  }
0x1af: {  	v24 =	vld [tilespmem:s11+$0xC990];
	v23 =	vmul.f32 v15, v2;
	v5 =	vmul.f32 v13, v1;
	[tilespmem:s11+$0x145C0] =	vst v3;
	v3 =	vadd.f32 v20, v4  }
0x1b0: {  	v25 =	vld [tilespmem:s11+$0x49A0]  }
0x1b1: {  	v27 =	vld [tilespmem:s11+$0xC9A0];
	v26 =	vmul.f32 v18, v2;
	v6 =	vmul.f32 v16, v1;
	[tilespmem:s11+$0x145D0] =	vst v3;
	v3 =	vadd.f32 v23, v5  }
0x1b2: {  	v28 =	vld [tilespmem:s11+$0x49B0]  }
0x1b3: {  	v31 =	vld [tilespmem:s11+$0x49C0];
	v29 =	vmul.f32 v21, v2;
	v7 =	vmul.f32 v19, v1;
	[tilespmem:s11+$0x145E0] =	vst v3;
	v3 =	vadd.f32 v26, v6  }
0x1b4: {  	v30 =	vld [tilespmem:s11+$0xC9B0]  }
0x1b5: {  	v32 =	vmul.f32 v24, v2;
	v33 =	vld [tilespmem:s11+$0xC9C0];
	v4 =	vmul.f32 v22, v1;
	[tilespmem:s11+$0x145F0] =	vst v3;
	v3 =	vadd.f32 v29, v7  }
0x1b6: {  	v34 =	vld [tilespmem:s11+$0x49D0]  }
0x1b7: {  	v35 =	vmul.f32 v27, v2;
	v36 =	vld [tilespmem:s11+$0xC9D0];
	v5 =	vmul.f32 v25, v1;
	[tilespmem:s11+$0x14980] =	vst v3;
	v3 =	vadd.f32 v32, v4  }
0x1b8: {  	v37 =	vld [tilespmem:s11+$0x49E0]  }
0x1b9: {  	v39 =	vld [tilespmem:s11+$0xC9E0];
	v38 =	vmul.f32 v30, v2;
	v6 =	vmul.f32 v28, v1;
	[tilespmem:s11+$0x14990] =	vst v3;
	v3 =	vadd.f32 v35, v5  }
0x1ba: {  	v40 =	vld [tilespmem:s11+$0x49F0]  }
0x1bb: {  	v43 =	vld [tilespmem:s11+$0x4D80];
	v41 =	vmul.f32 v33, v2;
	v7 =	vmul.f32 v31, v1;
	[tilespmem:s11+$0x149A0] =	vst v3;
	v3 =	vadd.f32 v38, v6  }
0x1bc: {  	v42 =	vld [tilespmem:s11+$0xC9F0]  }
0x1bd: {  	v46 =	vld [tilespmem:s11+$0x4D90];
	v44 =	vmul.f32 v36, v2;
	v4 =	vmul.f32 v34, v1;
	[tilespmem:s11+$0x149B0] =	vst v3;
	v3 =	vadd.f32 v41, v7  }
0x1be: {  	v45 =	vld [tilespmem:s11+$0xCD80]  }
0x1bf: {  	v48 =	vld [tilespmem:s11+$0xCD90];
	v47 =	vmul.f32 v39, v2;
	v5 =	vmul.f32 v37, v1;
	[tilespmem:s11+$0x149C0] =	vst v3;
	v3 =	vadd.f32 v44, v4  }
0x1c0: {  	v51 =	vld [tilespmem:s11+$0xCDA0]  }
0x1c1: {  	v54 =	vld [tilespmem:s11+$0xCDB0];
	v50 =	vmul.f32 v42, v2;
	v6 =	vmul.f32 v40, v1;
	[tilespmem:s11+$0x149D0] =	vst v3;
	v3 =	vadd.f32 v47, v5  }
0x1c2: {  	v58 =	vld [tilespmem:s11+$0x4DD0]  }
0x1c3: {  	v49 =	vld [tilespmem:s11+$0x4DA0];
	v53 =	vmul.f32 v45, v2;
	v7 =	vmul.f32 v43, v1;
	[tilespmem:s11+$0x149E0] =	vst v3;
	v3 =	vadd.f32 v50, v6  }
0x1c4: {  	v59 =	vld [tilespmem:s11+$0xCDD0]  }
0x1c5: {  	v52 =	vld [tilespmem:s11+$0x4DB0];
	v56 =	vmul.f32 v48, v2;
	v4 =	vmul.f32 v46, v1;
	[tilespmem:s11+$0x149F0] =	vst v3;
	v3 =	vadd.f32 v53, v7  }
0x1c6: {  	v55 =	vld [tilespmem:s11+$0x4DC0]  }
0x1c7: {  	v57 =	vld [tilespmem:s11+$0xCDC0];
	[tilespmem:s11+$0x14D80] =	vst v3;
	v3 =	vadd.f32 v56, v4  }
0x1c8: {  	v60 =	vld [tilespmem:s11+$0xCDE0]  }
0x1c9: {  	[tilespmem:s11+$0x14D90] =	vst v3;
	v3 =	vld [tilespmem:s11+$0x4DE0]  }
0x1ca: {  	v9 =	vmul.f32 v51, v2;
	v5 =	vmul.f32 v49, v1  }
0x1cb: {  	v10 =	vmul.f32 v54, v2;
	v6 =	vmul.f32 v52, v1  }
0x1cc: {  	v61 =	vmul.f32 v57, v2;
	v5 =	vadd.f32 v9, v5;
	v7 =	vmul.f32 v55, v1  }
0x1cd: {  	s4 =	sadd.s32 $0x1, s4;
	v8 =	vmul.f32 v59, v2;
	v6 =	vadd.f32 v10, v6;
	v4 =	vmul.f32 v58, v1  }
0x1ce: {  	p0 =	sne.s32 s4, $0x6;
	v63 =	vmul.f32 v60, v2;
	[tilespmem:s11+$0x14DA0] =	vst v5;
	v62 =	vadd.f32 v61, v7;
	v3 =	vmul.f32 v3, v1  }
.Ltmp2:
0x1cf: {  	[tilespmem:s11+$0x14DB0] =	vst v6;
	v4 =	vadd.f32 v8, v4;
	(pc) =	sbr.rel @p0 .LBB2_2-.Ltmp2, $4  }
0x1d0: {  	s6 =	sadd.s32 s14, s6;
	[tilespmem:s11+$0x14DC0] =	vst v62;
	v3 =	vadd.f32 v63, v3  }
0x1d1: {  	s6 =	sshrl.u32 s6, $0x3;
	[tilespmem:s11+$0x14DD0] =	vst v4  }
0x1d2: {  	s6 =	sadd.s32 s9, s6;
	[tilespmem:s11+$0x14DE0] =	vst v3  }
0x1d3: {  	[hbm4b:s6+s7] =	stream.linear.scatter [tilespmem:s31], [sflag:$0x7], $0x4000, $0x38;
	[tilespmem:$0x18180] =	vst v63  }
0x1d4: {  	s2 =	sadd.s32 $0x1, s2  }
0x1d5: {  	_ =	swait.ge [sflag:s5], $0x4000;
	p0 =	sne.s32 s2, s16  }
.Ltmp3:
0x1d6: {  	[sflag:s5] =	ssyncset.done $0x0;
	(pc) =	sbr.rel @p0 .LBB2_1-.Ltmp3, $4  }
0x1d7: {  	[sflag:s5] =	ssyncadd.s32 $0xFFFFC000  }
0x1d8: {  	_ =	swait.ge [sflag:s0], $0x4000  }
0x1d9: {  	[sflag:s0] =	ssyncset.done $0x0  }
0x1da: {  	[sflag:s0] =	ssyncadd.s32 $0xFFFFC000  }
0x1db: {  	_ =	sfence.sel $0x180000  }
0x1dc: {  	[bflag:$0x0] =	sbarrier.arrive $0xFFFF  }
0x1dd: {  	_ =	strace $0x90000047  }
0x1de: {  	s0 =	stileid.u32;
	[bflag:$0x2] =	sbarrier.arrive $0xFFFF  }
0x1df: {  	p0 =	sne.s32 s0, $0x0;
	s0 =	rddreg [dreg:$0x6]  }
0x1e0: {  	s0 =	sadd.s32 @!p0 $0x100000, s0  }
0x1e1: {  	[sflag:s0] =	ssyncadd.tile.s32 @!p0 $0x1;
	_ =	shalt  }
.Lfunc_end2:
_tile_overlayer_lowered:
.L_overlay_start_2:
0x1e2: {  	(tag) =	ssettag $0x2  }
0x1e3: {  	s0 =	rddreg [dreg:$0x0];
	s2 =	stileid.u32  }
0x1e4: {  	s1 =	rddreg [dreg:$0x1];
	p0 =	sne.s32 s2, $0x0  }
0x1e5: {  	s3 =	rddreg [dreg:$0x2];
	[bflag:$0x3] =	sbarrier.arrive $0xFFFF;
	s2 =	simm.s32 @!p0 $0x1C08  }
0x1e6: {  	[timem:s3], [sflag:s2] =	dma.local @!p0 [hbm:s0], s1  }
0x1e7: {  	s0 =	simm.s32 @!p0 $0x8  }
0x1e8: {  	_ =	swait.ge @!p0 [sflag:s0], s1  }
0x1e9: {  	s1 =	ssub.s32 @!p0 $0x0, s1;
	[sflag:s0] =	ssyncset.done @!p0 $0x0  }
0x1ea: {  	[sflag:s0] =	ssyncadd.s32 @!p0 s1  }
0x1eb: {  	[bflag:$0x3] =	sbarrier.arrive $0xFFFF  }
0x1ec: {  	_ =	shalt  }

</sc_bundles>
